<compile_context>
chip_gen: v7x
topology: tpu7x:2x2x1
jax: 0.10.2.dev20260603
libtpu: 0.0.44.dev20260713+nightly
codegen_flags: <defaults>
</compile_context>

<pallas_src>
import functools

import numpy as np
import jax
import jax.numpy as jnp
from jax import lax
from jax.experimental import pallas as pl
from jax.experimental.pallas import tpu as pltpu
from jax.experimental.pallas import tpu_sc as plsc

_VOCAB = 100000
_SEQ = 2048
_D = 512
_B = 4
_NC = 2
_NS = 16
_NW = _NC * _NS
_PW = _SEQ // _NW
_VPR = _D // 16
_HR = _PW // 2


def _pos_encoding():
    i = np.arange(_D // 2, dtype=np.float64)
    denom = np.power(10000.0, 2.0 * i / _D)
    pos = np.arange(_SEQ, dtype=np.float64)[:, None]
    pe = np.zeros((_SEQ, _D), dtype=np.float64)
    pe[:, 0::2] = np.sin(pos / denom)
    pe[:, 1::2] = np.cos(pos / denom)
    return jnp.asarray(pe, dtype=jnp.float32)


_mesh = plsc.VectorSubcoreMesh(core_axis_name="c", subcore_axis_name="s")


@functools.partial(
    pl.kernel,
    mesh=_mesh,
    out_type=jax.ShapeDtypeStruct((_B * _SEQ, _D), jnp.float32),
    scratch_types=[
        pltpu.VMEM((_B, _PW), jnp.int32),
        pltpu.VMEM((_PW, _D), jnp.float32),
        pltpu.VMEM((_PW, _D), jnp.float32),
        pltpu.VMEM((_PW, _D), jnp.float32),
        pltpu.SemaphoreType.DMA,
        pltpu.SemaphoreType.DMA,
        pltpu.SemaphoreType.DMA,
        pltpu.SemaphoreType.DMA,
        pltpu.SemaphoreType.DMA,
    ],
)
def _emb_kernel(idx_hbm, table_hbm, pos_hbm, out_hbm,
                idx_v, pos_v, rv0, rv1, gs0, gs1, os0, os1, ps):
    c = lax.axis_index("c")
    s = lax.axis_index("s")
    w = s * _NC + c
    p0 = w * _PW

    rv = (rv0, rv1)
    gs = (gs0, gs1)
    osem = (os0, os1)

    def gather(b, i):
        return pltpu.async_copy(table_hbm.at[idx_v.at[b]], rv[i], gs[i])

    def gather_wait(i):
        pltpu.make_async_copy(table_hbm.at[idx_v.at[0]], rv[i], gs[i]).wait()

    def out_half(b, i, h):
        row0 = b * _SEQ + p0 + h * _HR
        return pltpu.async_copy(
            rv[i].at[pl.ds(h * _HR, _HR)],
            out_hbm.at[pl.ds(row0, _HR)], osem[i])

    def out_wait(i):
        pltpu.make_async_copy(
            rv[i].at[pl.ds(0, _HR)], out_hbm.at[pl.ds(0, _HR)], osem[i]).wait()

    def add_half(i, h):
        row_ref = rv[i]

        def body(r):
            for j in range(_VPR):
                v = pos_v[r, pl.ds(j * 16, 16)]
                plsc.addupdate(row_ref.at[r, pl.ds(j * 16, 16)], v)

        plsc.parallel_loop(h * _HR, (h + 1) * _HR)(body)

    pd = pltpu.async_copy(pos_hbm.at[pl.ds(p0, _PW)], pos_v, ps)
    pltpu.sync_copy(idx_hbm.at[0, pl.ds(p0, _PW)], idx_v.at[0])
    gather(0, 0)
    pltpu.sync_copy(idx_hbm.at[1, pl.ds(p0, _PW)], idx_v.at[1])
    gather(1, 1)
    pltpu.sync_copy(idx_hbm.at[2, pl.ds(p0, _PW)], idx_v.at[2])
    pltpu.sync_copy(idx_hbm.at[3, pl.ds(p0, _PW)], idx_v.at[3])
    pd.wait()

    @pl.loop(0, _B, step=2)
    def _pair(b):
        for i in range(2):
            gather_wait(i)
            add_half(i, 0)
            out_half(b + i, i, 0)
            add_half(i, 1)
            out_half(b + i, i, 1)

        @pl.when(b + 2 < _B)
        def _():
            for i in range(2):
                out_wait(i)
                out_wait(i)
                gather(b + 2 + i, i)

    for i in range(2):
        out_wait(i)
        out_wait(i)


def kernel(inputs, table):
    out = _emb_kernel(inputs.astype(jnp.int32), table, _pos_encoding())
    return out.reshape(_B, _SEQ, _D)

# --- scband reference (transcript-rebuilt; emitter-appended) ---
"""Pipeline reference for scband-transformer-embedding-33354716021130 (READ-ONLY COPY).

The authoritative reference and input builder live on the scoring server;
editing this copy changes nothing except your own understanding.
"""

import jax, jax.numpy as jnp
import numpy as np

VOCAB = 100000
MAX_SEQ_LEN = 2048
D_MODEL = 512


def get_positional_encoding(max_seq_len, d_model):
    # Vectorized but numerically identical to the reference double loop:
    # pe[pos, 2i]   = sin(pos / 10000^(2i/d_model))
    # pe[pos, 2i+1] = cos(pos / 10000^(2i/d_model))
    i = np.arange(d_model // 2, dtype=np.float64)
    denom = np.power(10000.0, 2.0 * i / d_model)
    pos = np.arange(max_seq_len, dtype=np.float64)[:, None]
    pe = np.zeros((max_seq_len, d_model), dtype=np.float64)
    pe[:, 0::2] = np.sin(pos / denom)
    pe[:, 1::2] = np.cos(pos / denom)
    return jnp.asarray(pe, dtype=jnp.float32)


def setup_inputs(seed: int = 0) -> dict:
    key = jax.random.key(seed)
    inputs = jax.random.randint(jax.random.fold_in(key, 0), (4, MAX_SEQ_LEN), 0, VOCAB, dtype=jnp.int64 if jax.config.jax_enable_x64 else jnp.int32)
    # Learned embedding table (Keras Embedding default is uniform(-0.05, 0.05))
    table = jax.random.uniform(jax.random.fold_in(key, 1), (VOCAB, D_MODEL), dtype=jnp.float32, minval=-0.05, maxval=0.05)
    return {"inputs": inputs, "table": table}


def reference(inputs, table):
    pos_enc = get_positional_encoding(MAX_SEQ_LEN, D_MODEL)  # [max_seq_len, d_model]
    emb = jnp.take(table, inputs, axis=0)  # [B, S, d_model] embedding gather
    return emb + pos_enc  # broadcast over batch

if __name__ == "__main__":
    import jax
    _d = setup_inputs()
    print(jax.jit(kernel)(*tuple(_d.values())))

</pallas_src>

<mosaic_0001>
#map = affine_map<(d0, d1) -> (0, 0)>
module attributes {stable_mosaic.version = 14 : i64} {
  func.func @_emb_kernel(%arg0: i32, %arg1: i32, %arg2: memref<4x2048xi32, #tpu.memory_space<hbm>>, %arg3: memref<100000x512xf32, #tpu.memory_space<hbm>>, %arg4: memref<2048x512xf32, #tpu.memory_space<hbm>>, %arg5: memref<8192x512xf32, #tpu.memory_space<hbm>>, %arg6: memref<4x64xi32, #tpu.memory_space<vmem>>, %arg7: memref<64x512xf32, #tpu.memory_space<vmem>>, %arg8: memref<64x512xf32, #tpu.memory_space<vmem>>, %arg9: memref<64x512xf32, #tpu.memory_space<vmem>>, %arg10: memref<!tpu.dma_semaphore, #tpu.memory_space<semaphore_mem>>, %arg11: memref<!tpu.dma_semaphore, #tpu.memory_space<semaphore_mem>>, %arg12: memref<!tpu.dma_semaphore, #tpu.memory_space<semaphore_mem>>, %arg13: memref<!tpu.dma_semaphore, #tpu.memory_space<semaphore_mem>>, %arg14: memref<!tpu.dma_semaphore, #tpu.memory_space<semaphore_mem>>) attributes {dimension_semantics = [#tpu.dimension_semantics<core_parallel>, #tpu.dimension_semantics<subcore_parallel>], iteration_bounds = array<i64: 2, 16>, scalar_prefetch = 0 : i64, scratch_operands = 9 : i64, tpu.core_type = #tpu.core_type<sc_vector_subcore>, window_params = [{transform_indices = #map}, {transform_indices = #map}, {transform_indices = #map}, {transform_indices = #map}]} {
    %mul3A = arith.constant 2 : i32
    %mul3A_0 = arith.muli %arg1, %mul3A : i32
    %add3A = arith.addi %mul3A_0, %arg0 : i32
    %mul3A_1 = arith.constant 64 : i32
    %mul3A_2 = arith.muli %add3A, %mul3A_1 : i32
    %dma_start3A = arith.constant 0 : i32
    %dma_start3A_3 = tpu.memref_slice %arg4[%mul3A_2, %dma_start3A] : memref<2048x512xf32, #tpu.memory_space<hbm>> -> memref<64x512xf32, #tpu.memory_space<hbm>>
    %dma_start3A_4 = arith.constant 0 : i32
    %dma_start3A_5 = tpu.memref_slice %arg4[%mul3A_2, %dma_start3A_4] : memref<2048x512xf32, #tpu.memory_space<hbm>> -> memref<64x512xf32, #tpu.memory_space<hbm>>
    tpu.enqueue_dma source(%dma_start3A_5 : memref<64x512xf32, #tpu.memory_space<hbm>>) target(%arg7 : memref<64x512xf32, #tpu.memory_space<vmem>>) target_semaphore(%arg14 : memref<!tpu.dma_semaphore, #tpu.memory_space<semaphore_mem>>)
    %run_scoped3A = arith.constant 0 : i32
    %run_scoped3A_6 = arith.constant 0 : i32
    "tpu.region"() ({
      %run_scoped3A_82 = tpu.sem_alloc : memref<!tpu.dma_semaphore, #tpu.memory_space<semaphore_mem>>
      %dma_start3A_83 = arith.constant 0 : i32
      %dma_start3A_84 = tpu.memref_slice %arg6[%run_scoped3A_6, %dma_start3A_83] : memref<4x64xi32, #tpu.memory_space<vmem>> -> memref<1x64xi32, #tpu.memory_space<vmem>>
      %dma_start3A_85 = tpu.memref_squeeze %dma_start3A_84 : memref<1x64xi32, #tpu.memory_space<vmem>> -> memref<64xi32, #tpu.memory_space<vmem>>
      %dma_start3A_86 = tpu.memref_slice %arg2[%run_scoped3A, %mul3A_2] : memref<4x2048xi32, #tpu.memory_space<hbm>> -> memref<1x64xi32, #tpu.memory_space<hbm>>
      %dma_start3A_87 = tpu.memref_squeeze %dma_start3A_86 : memref<1x64xi32, #tpu.memory_space<hbm>> -> memref<64xi32, #tpu.memory_space<hbm>>
      %dma_start3A_88 = arith.constant 0 : i32
      %dma_start3A_89 = tpu.memref_slice %arg6[%run_scoped3A_6, %dma_start3A_88] : memref<4x64xi32, #tpu.memory_space<vmem>> -> memref<1x64xi32, #tpu.memory_space<vmem>>
      %dma_start3A_90 = tpu.memref_squeeze %dma_start3A_89 : memref<1x64xi32, #tpu.memory_space<vmem>> -> memref<64xi32, #tpu.memory_space<vmem>>
      %dma_start3A_91 = tpu.memref_slice %arg2[%run_scoped3A, %mul3A_2] : memref<4x2048xi32, #tpu.memory_space<hbm>> -> memref<1x64xi32, #tpu.memory_space<hbm>>
      %dma_start3A_92 = tpu.memref_squeeze %dma_start3A_91 : memref<1x64xi32, #tpu.memory_space<hbm>> -> memref<64xi32, #tpu.memory_space<hbm>>
      tpu.enqueue_dma source(%dma_start3A_92 : memref<64xi32, #tpu.memory_space<hbm>>) target(%dma_start3A_90 : memref<64xi32, #tpu.memory_space<vmem>>) target_semaphore(%run_scoped3A_82 : memref<!tpu.dma_semaphore, #tpu.memory_space<semaphore_mem>>)
      %dma_wait3A_93 = arith.constant 0 : i32
      %dma_wait3A_94 = tpu.memref_slice %arg6[%run_scoped3A_6, %dma_wait3A_93] : memref<4x64xi32, #tpu.memory_space<vmem>> -> memref<1x64xi32, #tpu.memory_space<vmem>>
      %dma_wait3A_95 = tpu.memref_squeeze %dma_wait3A_94 : memref<1x64xi32, #tpu.memory_space<vmem>> -> memref<64xi32, #tpu.memory_space<vmem>>
      %dma_wait3A_96 = tpu.memref_slice %arg2[%run_scoped3A, %mul3A_2] : memref<4x2048xi32, #tpu.memory_space<hbm>> -> memref<1x64xi32, #tpu.memory_space<hbm>>
      %dma_wait3A_97 = tpu.memref_squeeze %dma_wait3A_96 : memref<1x64xi32, #tpu.memory_space<hbm>> -> memref<64xi32, #tpu.memory_space<hbm>>
      %dma_wait3A_98 = arith.constant 0 : i32
      %dma_wait3A_99 = tpu.memref_slice %arg6[%run_scoped3A_6, %dma_wait3A_98] : memref<4x64xi32, #tpu.memory_space<vmem>> -> memref<1x64xi32, #tpu.memory_space<vmem>>
      %dma_wait3A_100 = tpu.memref_squeeze %dma_wait3A_99 : memref<1x64xi32, #tpu.memory_space<vmem>> -> memref<64xi32, #tpu.memory_space<vmem>>
      %dma_wait3A_101 = tpu.memref_slice %arg2[%run_scoped3A, %mul3A_2] : memref<4x2048xi32, #tpu.memory_space<hbm>> -> memref<1x64xi32, #tpu.memory_space<hbm>>
      %dma_wait3A_102 = tpu.memref_squeeze %dma_wait3A_101 : memref<1x64xi32, #tpu.memory_space<hbm>> -> memref<64xi32, #tpu.memory_space<hbm>>
      tpu.wait_dma2 semaphore(%run_scoped3A_82 : memref<!tpu.dma_semaphore, #tpu.memory_space<semaphore_mem>>) src(%dma_wait3A_102 : memref<64xi32, #tpu.memory_space<hbm>>) dst(%dma_wait3A_100 : memref<64xi32, #tpu.memory_space<vmem>>)
      tpu.yield
    }) : () -> ()
    %dma_start3A_7 = arith.constant 0 : i32
    %dma_start3A_8 = arith.constant 0 : i32
    %dma_start3A_9 = tpu.memref_slice %arg6[%dma_start3A_7, %dma_start3A_8] : memref<4x64xi32, #tpu.memory_space<vmem>> -> memref<1x64xi32, #tpu.memory_space<vmem>>
    %dma_start3A_10 = tpu.memref_squeeze %dma_start3A_9 : memref<1x64xi32, #tpu.memory_space<vmem>> -> memref<64xi32, #tpu.memory_space<vmem>>
    %dma_start3A_11 = arith.constant 0 : i32
    %dma_start3A_12 = arith.constant 0 : i32
    %dma_start3A_13 = tpu.memref_slice %arg3[%dma_start3A_11, %dma_start3A_12] : memref<100000x512xf32, #tpu.memory_space<hbm>> -> memref<100000x512xf32, #tpu.memory_space<hbm>>
    tpu.enqueue_indirect_dma source(%dma_start3A_13 : memref<100000x512xf32, #tpu.memory_space<hbm>>) target(%arg8 : memref<64x512xf32, #tpu.memory_space<vmem>>) offsets(%dma_start3A_10 : memref<64xi32, #tpu.memory_space<vmem>>) semaphore(%arg10 : memref<!tpu.dma_semaphore, #tpu.memory_space<semaphore_mem>>)
    %run_scoped3A_14 = arith.constant 1 : i32
    %run_scoped3A_15 = arith.constant 1 : i32
    "tpu.region"() ({
      %run_scoped3A_82 = tpu.sem_alloc : memref<!tpu.dma_semaphore, #tpu.memory_space<semaphore_mem>>
      %dma_start3A_83 = arith.constant 0 : i32
      %dma_start3A_84 = tpu.memref_slice %arg6[%run_scoped3A_15, %dma_start3A_83] : memref<4x64xi32, #tpu.memory_space<vmem>> -> memref<1x64xi32, #tpu.memory_space<vmem>>
      %dma_start3A_85 = tpu.memref_squeeze %dma_start3A_84 : memref<1x64xi32, #tpu.memory_space<vmem>> -> memref<64xi32, #tpu.memory_space<vmem>>
      %dma_start3A_86 = tpu.memref_slice %arg2[%run_scoped3A_14, %mul3A_2] : memref<4x2048xi32, #tpu.memory_space<hbm>> -> memref<1x64xi32, #tpu.memory_space<hbm>>
      %dma_start3A_87 = tpu.memref_squeeze %dma_start3A_86 : memref<1x64xi32, #tpu.memory_space<hbm>> -> memref<64xi32, #tpu.memory_space<hbm>>
      %dma_start3A_88 = arith.constant 0 : i32
      %dma_start3A_89 = tpu.memref_slice %arg6[%run_scoped3A_15, %dma_start3A_88] : memref<4x64xi32, #tpu.memory_space<vmem>> -> memref<1x64xi32, #tpu.memory_space<vmem>>
      %dma_start3A_90 = tpu.memref_squeeze %dma_start3A_89 : memref<1x64xi32, #tpu.memory_space<vmem>> -> memref<64xi32, #tpu.memory_space<vmem>>
      %dma_start3A_91 = tpu.memref_slice %arg2[%run_scoped3A_14, %mul3A_2] : memref<4x2048xi32, #tpu.memory_space<hbm>> -> memref<1x64xi32, #tpu.memory_space<hbm>>
      %dma_start3A_92 = tpu.memref_squeeze %dma_start3A_91 : memref<1x64xi32, #tpu.memory_space<hbm>> -> memref<64xi32, #tpu.memory_space<hbm>>
      tpu.enqueue_dma source(%dma_start3A_92 : memref<64xi32, #tpu.memory_space<hbm>>) target(%dma_start3A_90 : memref<64xi32, #tpu.memory_space<vmem>>) target_semaphore(%run_scoped3A_82 : memref<!tpu.dma_semaphore, #tpu.memory_space<semaphore_mem>>)
      %dma_wait3A_93 = arith.constant 0 : i32
      %dma_wait3A_94 = tpu.memref_slice %arg6[%run_scoped3A_15, %dma_wait3A_93] : memref<4x64xi32, #tpu.memory_space<vmem>> -> memref<1x64xi32, #tpu.memory_space<vmem>>
      %dma_wait3A_95 = tpu.memref_squeeze %dma_wait3A_94 : memref<1x64xi32, #tpu.memory_space<vmem>> -> memref<64xi32, #tpu.memory_space<vmem>>
      %dma_wait3A_96 = tpu.memref_slice %arg2[%run_scoped3A_14, %mul3A_2] : memref<4x2048xi32, #tpu.memory_space<hbm>> -> memref<1x64xi32, #tpu.memory_space<hbm>>
      %dma_wait3A_97 = tpu.memref_squeeze %dma_wait3A_96 : memref<1x64xi32, #tpu.memory_space<hbm>> -> memref<64xi32, #tpu.memory_space<hbm>>
      %dma_wait3A_98 = arith.constant 0 : i32
      %dma_wait3A_99 = tpu.memref_slice %arg6[%run_scoped3A_15, %dma_wait3A_98] : memref<4x64xi32, #tpu.memory_space<vmem>> -> memref<1x64xi32, #tpu.memory_space<vmem>>
      %dma_wait3A_100 = tpu.memref_squeeze %dma_wait3A_99 : memref<1x64xi32, #tpu.memory_space<vmem>> -> memref<64xi32, #tpu.memory_space<vmem>>
      %dma_wait3A_101 = tpu.memref_slice %arg2[%run_scoped3A_14, %mul3A_2] : memref<4x2048xi32, #tpu.memory_space<hbm>> -> memref<1x64xi32, #tpu.memory_space<hbm>>
      %dma_wait3A_102 = tpu.memref_squeeze %dma_wait3A_101 : memref<1x64xi32, #tpu.memory_space<hbm>> -> memref<64xi32, #tpu.memory_space<hbm>>
      tpu.wait_dma2 semaphore(%run_scoped3A_82 : memref<!tpu.dma_semaphore, #tpu.memory_space<semaphore_mem>>) src(%dma_wait3A_102 : memref<64xi32, #tpu.memory_space<hbm>>) dst(%dma_wait3A_100 : memref<64xi32, #tpu.memory_space<vmem>>)
      tpu.yield
    }) : () -> ()
    %dma_start3A_16 = arith.constant 1 : i32
    %dma_start3A_17 = arith.constant 0 : i32
    %dma_start3A_18 = tpu.memref_slice %arg6[%dma_start3A_16, %dma_start3A_17] : memref<4x64xi32, #tpu.memory_space<vmem>> -> memref<1x64xi32, #tpu.memory_space<vmem>>
    %dma_start3A_19 = tpu.memref_squeeze %dma_start3A_18 : memref<1x64xi32, #tpu.memory_space<vmem>> -> memref<64xi32, #tpu.memory_space<vmem>>
    %dma_start3A_20 = arith.constant 0 : i32
    %dma_start3A_21 = arith.constant 0 : i32
    %dma_start3A_22 = tpu.memref_slice %arg3[%dma_start3A_20, %dma_start3A_21] : memref<100000x512xf32, #tpu.memory_space<hbm>> -> memref<100000x512xf32, #tpu.memory_space<hbm>>
    tpu.enqueue_indirect_dma source(%dma_start3A_22 : memref<100000x512xf32, #tpu.memory_space<hbm>>) target(%arg9 : memref<64x512xf32, #tpu.memory_space<vmem>>) offsets(%dma_start3A_19 : memref<64xi32, #tpu.memory_space<vmem>>) semaphore(%arg11 : memref<!tpu.dma_semaphore, #tpu.memory_space<semaphore_mem>>)
    %run_scoped3A_23 = arith.constant 2 : i32
    %run_scoped3A_24 = arith.constant 2 : i32
    "tpu.region"() ({
      %run_scoped3A_82 = tpu.sem_alloc : memref<!tpu.dma_semaphore, #tpu.memory_space<semaphore_mem>>
      %dma_start3A_83 = arith.constant 0 : i32
      %dma_start3A_84 = tpu.memref_slice %arg6[%run_scoped3A_24, %dma_start3A_83] : memref<4x64xi32, #tpu.memory_space<vmem>> -> memref<1x64xi32, #tpu.memory_space<vmem>>
      %dma_start3A_85 = tpu.memref_squeeze %dma_start3A_84 : memref<1x64xi32, #tpu.memory_space<vmem>> -> memref<64xi32, #tpu.memory_space<vmem>>
      %dma_start3A_86 = tpu.memref_slice %arg2[%run_scoped3A_23, %mul3A_2] : memref<4x2048xi32, #tpu.memory_space<hbm>> -> memref<1x64xi32, #tpu.memory_space<hbm>>
      %dma_start3A_87 = tpu.memref_squeeze %dma_start3A_86 : memref<1x64xi32, #tpu.memory_space<hbm>> -> memref<64xi32, #tpu.memory_space<hbm>>
      %dma_start3A_88 = arith.constant 0 : i32
      %dma_start3A_89 = tpu.memref_slice %arg6[%run_scoped3A_24, %dma_start3A_88] : memref<4x64xi32, #tpu.memory_space<vmem>> -> memref<1x64xi32, #tpu.memory_space<vmem>>
      %dma_start3A_90 = tpu.memref_squeeze %dma_start3A_89 : memref<1x64xi32, #tpu.memory_space<vmem>> -> memref<64xi32, #tpu.memory_space<vmem>>
      %dma_start3A_91 = tpu.memref_slice %arg2[%run_scoped3A_23, %mul3A_2] : memref<4x2048xi32, #tpu.memory_space<hbm>> -> memref<1x64xi32, #tpu.memory_space<hbm>>
      %dma_start3A_92 = tpu.memref_squeeze %dma_start3A_91 : memref<1x64xi32, #tpu.memory_space<hbm>> -> memref<64xi32, #tpu.memory_space<hbm>>
      tpu.enqueue_dma source(%dma_start3A_92 : memref<64xi32, #tpu.memory_space<hbm>>) target(%dma_start3A_90 : memref<64xi32, #tpu.memory_space<vmem>>) target_semaphore(%run_scoped3A_82 : memref<!tpu.dma_semaphore, #tpu.memory_space<semaphore_mem>>)
      %dma_wait3A_93 = arith.constant 0 : i32
      %dma_wait3A_94 = tpu.memref_slice %arg6[%run_scoped3A_24, %dma_wait3A_93] : memref<4x64xi32, #tpu.memory_space<vmem>> -> memref<1x64xi32, #tpu.memory_space<vmem>>
      %dma_wait3A_95 = tpu.memref_squeeze %dma_wait3A_94 : memref<1x64xi32, #tpu.memory_space<vmem>> -> memref<64xi32, #tpu.memory_space<vmem>>
      %dma_wait3A_96 = tpu.memref_slice %arg2[%run_scoped3A_23, %mul3A_2] : memref<4x2048xi32, #tpu.memory_space<hbm>> -> memref<1x64xi32, #tpu.memory_space<hbm>>
      %dma_wait3A_97 = tpu.memref_squeeze %dma_wait3A_96 : memref<1x64xi32, #tpu.memory_space<hbm>> -> memref<64xi32, #tpu.memory_space<hbm>>
      %dma_wait3A_98 = arith.constant 0 : i32
      %dma_wait3A_99 = tpu.memref_slice %arg6[%run_scoped3A_24, %dma_wait3A_98] : memref<4x64xi32, #tpu.memory_space<vmem>> -> memref<1x64xi32, #tpu.memory_space<vmem>>
      %dma_wait3A_100 = tpu.memref_squeeze %dma_wait3A_99 : memref<1x64xi32, #tpu.memory_space<vmem>> -> memref<64xi32, #tpu.memory_space<vmem>>
      %dma_wait3A_101 = tpu.memref_slice %arg2[%run_scoped3A_23, %mul3A_2] : memref<4x2048xi32, #tpu.memory_space<hbm>> -> memref<1x64xi32, #tpu.memory_space<hbm>>
      %dma_wait3A_102 = tpu.memref_squeeze %dma_wait3A_101 : memref<1x64xi32, #tpu.memory_space<hbm>> -> memref<64xi32, #tpu.memory_space<hbm>>
      tpu.wait_dma2 semaphore(%run_scoped3A_82 : memref<!tpu.dma_semaphore, #tpu.memory_space<semaphore_mem>>) src(%dma_wait3A_102 : memref<64xi32, #tpu.memory_space<hbm>>) dst(%dma_wait3A_100 : memref<64xi32, #tpu.memory_space<vmem>>)
      tpu.yield
    }) : () -> ()
    %run_scoped3A_25 = arith.constant 3 : i32
    %run_scoped3A_26 = arith.constant 3 : i32
    "tpu.region"() ({
      %run_scoped3A_82 = tpu.sem_alloc : memref<!tpu.dma_semaphore, #tpu.memory_space<semaphore_mem>>
      %dma_start3A_83 = arith.constant 0 : i32
      %dma_start3A_84 = tpu.memref_slice %arg6[%run_scoped3A_26, %dma_start3A_83] : memref<4x64xi32, #tpu.memory_space<vmem>> -> memref<1x64xi32, #tpu.memory_space<vmem>>
      %dma_start3A_85 = tpu.memref_squeeze %dma_start3A_84 : memref<1x64xi32, #tpu.memory_space<vmem>> -> memref<64xi32, #tpu.memory_space<vmem>>
      %dma_start3A_86 = tpu.memref_slice %arg2[%run_scoped3A_25, %mul3A_2] : memref<4x2048xi32, #tpu.memory_space<hbm>> -> memref<1x64xi32, #tpu.memory_space<hbm>>
      %dma_start3A_87 = tpu.memref_squeeze %dma_start3A_86 : memref<1x64xi32, #tpu.memory_space<hbm>> -> memref<64xi32, #tpu.memory_space<hbm>>
      %dma_start3A_88 = arith.constant 0 : i32
      %dma_start3A_89 = tpu.memref_slice %arg6[%run_scoped3A_26, %dma_start3A_88] : memref<4x64xi32, #tpu.memory_space<vmem>> -> memref<1x64xi32, #tpu.memory_space<vmem>>
      %dma_start3A_90 = tpu.memref_squeeze %dma_start3A_89 : memref<1x64xi32, #tpu.memory_space<vmem>> -> memref<64xi32, #tpu.memory_space<vmem>>
      %dma_start3A_91 = tpu.memref_slice %arg2[%run_scoped3A_25, %mul3A_2] : memref<4x2048xi32, #tpu.memory_space<hbm>> -> memref<1x64xi32, #tpu.memory_space<hbm>>
      %dma_start3A_92 = tpu.memref_squeeze %dma_start3A_91 : memref<1x64xi32, #tpu.memory_space<hbm>> -> memref<64xi32, #tpu.memory_space<hbm>>
      tpu.enqueue_dma source(%dma_start3A_92 : memref<64xi32, #tpu.memory_space<hbm>>) target(%dma_start3A_90 : memref<64xi32, #tpu.memory_space<vmem>>) target_semaphore(%run_scoped3A_82 : memref<!tpu.dma_semaphore, #tpu.memory_space<semaphore_mem>>)
      %dma_wait3A_93 = arith.constant 0 : i32
      %dma_wait3A_94 = tpu.memref_slice %arg6[%run_scoped3A_26, %dma_wait3A_93] : memref<4x64xi32, #tpu.memory_space<vmem>> -> memref<1x64xi32, #tpu.memory_space<vmem>>
      %dma_wait3A_95 = tpu.memref_squeeze %dma_wait3A_94 : memref<1x64xi32, #tpu.memory_space<vmem>> -> memref<64xi32, #tpu.memory_space<vmem>>
      %dma_wait3A_96 = tpu.memref_slice %arg2[%run_scoped3A_25, %mul3A_2] : memref<4x2048xi32, #tpu.memory_space<hbm>> -> memref<1x64xi32, #tpu.memory_space<hbm>>
      %dma_wait3A_97 = tpu.memref_squeeze %dma_wait3A_96 : memref<1x64xi32, #tpu.memory_space<hbm>> -> memref<64xi32, #tpu.memory_space<hbm>>
      %dma_wait3A_98 = arith.constant 0 : i32
      %dma_wait3A_99 = tpu.memref_slice %arg6[%run_scoped3A_26, %dma_wait3A_98] : memref<4x64xi32, #tpu.memory_space<vmem>> -> memref<1x64xi32, #tpu.memory_space<vmem>>
      %dma_wait3A_100 = tpu.memref_squeeze %dma_wait3A_99 : memref<1x64xi32, #tpu.memory_space<vmem>> -> memref<64xi32, #tpu.memory_space<vmem>>
      %dma_wait3A_101 = tpu.memref_slice %arg2[%run_scoped3A_25, %mul3A_2] : memref<4x2048xi32, #tpu.memory_space<hbm>> -> memref<1x64xi32, #tpu.memory_space<hbm>>
      %dma_wait3A_102 = tpu.memref_squeeze %dma_wait3A_101 : memref<1x64xi32, #tpu.memory_space<hbm>> -> memref<64xi32, #tpu.memory_space<hbm>>
      tpu.wait_dma2 semaphore(%run_scoped3A_82 : memref<!tpu.dma_semaphore, #tpu.memory_space<semaphore_mem>>) src(%dma_wait3A_102 : memref<64xi32, #tpu.memory_space<hbm>>) dst(%dma_wait3A_100 : memref<64xi32, #tpu.memory_space<vmem>>)
      tpu.yield
    }) : () -> ()
    %dma_wait3A = arith.constant 0 : i32
    %dma_wait3A_27 = tpu.memref_slice %arg4[%mul3A_2, %dma_wait3A] : memref<2048x512xf32, #tpu.memory_space<hbm>> -> memref<64x512xf32, #tpu.memory_space<hbm>>
    %dma_wait3A_28 = arith.constant 0 : i32
    %dma_wait3A_29 = tpu.memref_slice %arg4[%mul3A_2, %dma_wait3A_28] : memref<2048x512xf32, #tpu.memory_space<hbm>> -> memref<64x512xf32, #tpu.memory_space<hbm>>
    tpu.wait_dma2 semaphore(%arg14 : memref<!tpu.dma_semaphore, #tpu.memory_space<semaphore_mem>>) src(%dma_wait3A_29 : memref<64x512xf32, #tpu.memory_space<hbm>>) dst(%arg7 : memref<64x512xf32, #tpu.memory_space<vmem>>)
    %scan3A = arith.constant 0 : i32
    %scan3A_30 = arith.constant 2 : i32
    %scan3A_31 = arith.addi %scan3A, %scan3A_30 : i32
    %scan3A_32 = arith.constant 1 : i32
    scf.for %scan3A_82 = %scan3A to %scan3A_31 step %scan3A_32  : i32 {
      %mul3A_83 = arith.constant 2 : i32
      %mul3A_84 = arith.muli %scan3A_82, %mul3A_83 : i32
      %add3A_85 = arith.constant 0 : i32
      %add3A_86 = arith.addi %add3A_85, %mul3A_84 : i32
      %dma_wait3A_87 = arith.constant 0 : i32
      %dma_wait3A_88 = arith.constant 0 : i32
      %dma_wait3A_89 = tpu.memref_slice %arg6[%dma_wait3A_87, %dma_wait3A_88] : memref<4x64xi32, #tpu.memory_space<vmem>> -> memref<1x64xi32, #tpu.memory_space<vmem>>
      %dma_wait3A_90 = tpu.memref_squeeze %dma_wait3A_89 : memref<1x64xi32, #tpu.memory_space<vmem>> -> memref<64xi32, #tpu.memory_space<vmem>>
      %dma_wait3A_91 = arith.constant 0 : i32
      %dma_wait3A_92 = arith.constant 0 : i32
      %dma_wait3A_93 = tpu.memref_slice %arg3[%dma_wait3A_91, %dma_wait3A_92] : memref<100000x512xf32, #tpu.memory_space<hbm>> -> memref<100000x512xf32, #tpu.memory_space<hbm>>
      tpu.wait_indirect_dma semaphore(%arg10 : memref<!tpu.dma_semaphore, #tpu.memory_space<semaphore_mem>>) src(%dma_wait3A_93 : memref<100000x512xf32, #tpu.memory_space<hbm>>) dst(%arg8 : memref<64x512xf32, #tpu.memory_space<vmem>>)
      %parallel_loop3A = arith.constant 0 : i32
      %parallel_loop3A_94 = arith.constant 32 : i32
      %parallel_loop3A_95 = arith.constant 1 : i32
      scf.for %parallel_loop3A_184 = %parallel_loop3A to %parallel_loop3A_94 step %parallel_loop3A_95  : i32 {
        %parallel_loop3A_185 = arith.index_cast %parallel_loop3A_184 : i32 to index
        %parallel_loop3A_186 = arith.constant 0 : index
        %parallel_loop3A_187 = tpu.vector_load %arg7[%parallel_loop3A_185, %parallel_loop3A_186] {strides = array<i32>} : memref<64x512xf32, #tpu.memory_space<vmem>>, vector<1x16xf32>,
        %parallel_loop3A_188 = vector.shape_cast %parallel_loop3A_187 : vector<1x16xf32> to vector<16xf32>
        %parallel_loop3A_189 = arith.index_cast %parallel_loop3A_184 : i32 to index
        %parallel_loop3A_190 = arith.constant 0 : index
        %parallel_loop3A_191 = tpu.vector_load %arg8[%parallel_loop3A_189, %parallel_loop3A_190] {strides = array<i32>} : memref<64x512xf32, #tpu.memory_space<vmem>>, vector<1x16xf32>,
        %parallel_loop3A_192 = vector.shape_cast %parallel_loop3A_191 : vector<1x16xf32> to vector<16xf32>
        %parallel_loop3A_193 = vector.shape_cast %parallel_loop3A_188 : vector<16xf32> to vector<1x16xf32>
        tpu.vector_store %arg8[%parallel_loop3A_189, %parallel_loop3A_190], %parallel_loop3A_193 {add = true, strides = array<i32>} : memref<64x512xf32, #tpu.memory_space<vmem>>, vector<1x16xf32>,
        %parallel_loop3A_194 = arith.index_cast %parallel_loop3A_184 : i32 to index
        %parallel_loop3A_195 = arith.constant 16 : index
        %parallel_loop3A_196 = tpu.vector_load %arg7[%parallel_loop3A_194, %parallel_loop3A_195] {strides = array<i32>} : memref<64x512xf32, #tpu.memory_space<vmem>>, vector<1x16xf32>,
        %parallel_loop3A_197 = vector.shape_cast %parallel_loop3A_196 : vector<1x16xf32> to vector<16xf32>
        %parallel_loop3A_198 = arith.index_cast %parallel_loop3A_184 : i32 to index
        %parallel_loop3A_199 = arith.constant 16 : index
        %parallel_loop3A_200 = tpu.vector_load %arg8[%parallel_loop3A_198, %parallel_loop3A_199] {strides = array<i32>} : memref<64x512xf32, #tpu.memory_space<vmem>>, vector<1x16xf32>,
        %parallel_loop3A_201 = vector.shape_cast %parallel_loop3A_200 : vector<1x16xf32> to vector<16xf32>
        %parallel_loop3A_202 = vector.shape_cast %parallel_loop3A_197 : vector<16xf32> to vector<1x16xf32>
        tpu.vector_store %arg8[%parallel_loop3A_198, %parallel_loop3A_199], %parallel_loop3A_202 {add = true, strides = array<i32>} : memref<64x512xf32, #tpu.memory_space<vmem>>, vector<1x16xf32>,
        %parallel_loop3A_203 = arith.index_cast %parallel_loop3A_184 : i32 to index
        %parallel_loop3A_204 = arith.constant 32 : index
        %parallel_loop3A_205 = tpu.vector_load %arg7[%parallel_loop3A_203, %parallel_loop3A_204] {strides = array<i32>} : memref<64x512xf32, #tpu.memory_space<vmem>>, vector<1x16xf32>,
        %parallel_loop3A_206 = vector.shape_cast %parallel_loop3A_205 : vector<1x16xf32> to vector<16xf32>
        %parallel_loop3A_207 = arith.index_cast %parallel_loop3A_184 : i32 to index
        %parallel_loop3A_208 = arith.constant 32 : index
        %parallel_loop3A_209 = tpu.vector_load %arg8[%parallel_loop3A_207, %parallel_loop3A_208] {strides = array<i32>} : memref<64x512xf32, #tpu.memory_space<vmem>>, vector<1x16xf32>,
        %parallel_loop3A_210 = vector.shape_cast %parallel_loop3A_209 : vector<1x16xf32> to vector<16xf32>
        %parallel_loop3A_211 = vector.shape_cast %parallel_loop3A_206 : vector<16xf32> to vector<1x16xf32>
        tpu.vector_store %arg8[%parallel_loop3A_207, %parallel_loop3A_208], %parallel_loop3A_211 {add = true, strides = array<i32>} : memref<64x512xf32, #tpu.memory_space<vmem>>, vector<1x16xf32>,
        %parallel_loop3A_212 = arith.index_cast %parallel_loop3A_184 : i32 to index
        %parallel_loop3A_213 = arith.constant 48 : index
        %parallel_loop3A_214 = tpu.vector_load %arg7[%parallel_loop3A_212, %parallel_loop3A_213] {strides = array<i32>} : memref<64x512xf32, #tpu.memory_space<vmem>>, vector<1x16xf32>,
        %parallel_loop3A_215 = vector.shape_cast %parallel_loop3A_214 : vector<1x16xf32> to vector<16xf32>
        %parallel_loop3A_216 = arith.index_cast %parallel_loop3A_184 : i32 to index
        %parallel_loop3A_217 = arith.constant 48 : index
        %parallel_loop3A_218 = tpu.vector_load %arg8[%parallel_loop3A_216, %parallel_loop3A_217] {strides = array<i32>} : memref<64x512xf32, #tpu.memory_space<vmem>>, vector<1x16xf32>,
        %parallel_loop3A_219 = vector.shape_cast %parallel_loop3A_218 : vector<1x16xf32> to vector<16xf32>
        %parallel_loop3A_220 = vector.shape_cast %parallel_loop3A_215 : vector<16xf32> to vector<1x16xf32>
        tpu.vector_store %arg8[%parallel_loop3A_216, %parallel_loop3A_217], %parallel_loop3A_220 {add = true, strides = array<i32>} : memref<64x512xf32, #tpu.memory_space<vmem>>, vector<1x16xf32>,
        %parallel_loop3A_221 = arith.index_cast %parallel_loop3A_184 : i32 to index
        %parallel_loop3A_222 = arith.constant 64 : index
        %parallel_loop3A_223 = tpu.vector_load %arg7[%parallel_loop3A_221, %parallel_loop3A_222] {strides = array<i32>} : memref<64x512xf32, #tpu.memory_space<vmem>>, vector<1x16xf32>,
        %parallel_loop3A_224 = vector.shape_cast %parallel_loop3A_223 : vector<1x16xf32> to vector<16xf32>
        %parallel_loop3A_225 = arith.index_cast %parallel_loop3A_184 : i32 to index
        %parallel_loop3A_226 = arith.constant 64 : index
        %parallel_loop3A_227 = tpu.vector_load %arg8[%parallel_loop3A_225, %parallel_loop3A_226] {strides = array<i32>} : memref<64x512xf32, #tpu.memory_space<vmem>>, vector<1x16xf32>,
        %parallel_loop3A_228 = vector.shape_cast %parallel_loop3A_227 : vector<1x16xf32> to vector<16xf32>
        %parallel_loop3A_229 = vector.shape_cast %parallel_loop3A_224 : vector<16xf32> to vector<1x16xf32>
        tpu.vector_store %arg8[%parallel_loop3A_225, %parallel_loop3A_226], %parallel_loop3A_229 {add = true, strides = array<i32>} : memref<64x512xf32, #tpu.memory_space<vmem>>, vector<1x16xf32>,
        %parallel_loop3A_230 = arith.index_cast %parallel_loop3A_184 : i32 to index
        %parallel_loop3A_231 = arith.constant 80 : index
        %parallel_loop3A_232 = tpu.vector_load %arg7[%parallel_loop3A_230, %parallel_loop3A_231] {strides = array<i32>} : memref<64x512xf32, #tpu.memory_space<vmem>>, vector<1x16xf32>,
        %parallel_loop3A_233 = vector.shape_cast %parallel_loop3A_232 : vector<1x16xf32> to vector<16xf32>
        %parallel_loop3A_234 = arith.index_cast %parallel_loop3A_184 : i32 to index
        %parallel_loop3A_235 = arith.constant 80 : index
        %parallel_loop3A_236 = tpu.vector_load %arg8[%parallel_loop3A_234, %parallel_loop3A_235] {strides = array<i32>} : memref<64x512xf32, #tpu.memory_space<vmem>>, vector<1x16xf32>,
        %parallel_loop3A_237 = vector.shape_cast %parallel_loop3A_236 : vector<1x16xf32> to vector<16xf32>
        %parallel_loop3A_238 = vector.shape_cast %parallel_loop3A_233 : vector<16xf32> to vector<1x16xf32>
        tpu.vector_store %arg8[%parallel_loop3A_234, %parallel_loop3A_235], %parallel_loop3A_238 {add = true, strides = array<i32>} : memref<64x512xf32, #tpu.memory_space<vmem>>, vector<1x16xf32>,
        %parallel_loop3A_239 = arith.index_cast %parallel_loop3A_184 : i32 to index
        %parallel_loop3A_240 = arith.constant 96 : index
        %parallel_loop3A_241 = tpu.vector_load %arg7[%parallel_loop3A_239, %parallel_loop3A_240] {strides = array<i32>} : memref<64x512xf32, #tpu.memory_space<vmem>>, vector<1x16xf32>,
        %parallel_loop3A_242 = vector.shape_cast %parallel_loop3A_241 : vector<1x16xf32> to vector<16xf32>
        %parallel_loop3A_243 = arith.index_cast %parallel_loop3A_184 : i32 to index
        %parallel_loop3A_244 = arith.constant 96 : index
        %parallel_loop3A_245 = tpu.vector_load %arg8[%parallel_loop3A_243, %parallel_loop3A_244] {strides = array<i32>} : memref<64x512xf32, #tpu.memory_space<vmem>>, vector<1x16xf32>,
        %parallel_loop3A_246 = vector.shape_cast %parallel_loop3A_245 : vector<1x16xf32> to vector<16xf32>
        %parallel_loop3A_247 = vector.shape_cast %parallel_loop3A_242 : vector<16xf32> to vector<1x16xf32>
        tpu.vector_store %arg8[%parallel_loop3A_243, %parallel_loop3A_244], %parallel_loop3A_247 {add = true, strides = array<i32>} : memref<64x512xf32, #tpu.memory_space<vmem>>, vector<1x16xf32>,
        %parallel_loop3A_248 = arith.index_cast %parallel_loop3A_184 : i32 to index
        %parallel_loop3A_249 = arith.constant 112 : index
        %parallel_loop3A_250 = tpu.vector_load %arg7[%parallel_loop3A_248, %parallel_loop3A_249] {strides = array<i32>} : memref<64x512xf32, #tpu.memory_space<vmem>>, vector<1x16xf32>,
        %parallel_loop3A_251 = vector.shape_cast %parallel_loop3A_250 : vector<1x16xf32> to vector<16xf32>
        %parallel_loop3A_252 = arith.index_cast %parallel_loop3A_184 : i32 to index
        %parallel_loop3A_253 = arith.constant 112 : index
        %parallel_loop3A_254 = tpu.vector_load %arg8[%parallel_loop3A_252, %parallel_loop3A_253] {strides = array<i32>} : memref<64x512xf32, #tpu.memory_space<vmem>>, vector<1x16xf32>,
        %parallel_loop3A_255 = vector.shape_cast %parallel_loop3A_254 : vector<1x16xf32> to vector<16xf32>
        %parallel_loop3A_256 = vector.shape_cast %parallel_loop3A_251 : vector<16xf32> to vector<1x16xf32>
        tpu.vector_store %arg8[%parallel_loop3A_252, %parallel_loop3A_253], %parallel_loop3A_256 {add = true, strides = array<i32>} : memref<64x512xf32, #tpu.memory_space<vmem>>, vector<1x16xf32>,
        %parallel_loop3A_257 = arith.index_cast %parallel_loop3A_184 : i32 to index
        %parallel_loop3A_258 = arith.constant 128 : index
        %parallel_loop3A_259 = tpu.vector_load %arg7[%parallel_loop3A_257, %parallel_loop3A_258] {strides = array<i32>} : memref<64x512xf32, #tpu.memory_space<vmem>>, vector<1x16xf32>,
        %parallel_loop3A_260 = vector.shape_cast %parallel_loop3A_259 : vector<1x16xf32> to vector<16xf32>
        %parallel_loop3A_261 = arith.index_cast %parallel_loop3A_184 : i32 to index
        %parallel_loop3A_262 = arith.constant 128 : index
        %parallel_loop3A_263 = tpu.vector_load %arg8[%parallel_loop3A_261, %parallel_loop3A_262] {strides = array<i32>} : memref<64x512xf32, #tpu.memory_space<vmem>>, vector<1x16xf32>,
        %parallel_loop3A_264 = vector.shape_cast %parallel_loop3A_263 : vector<1x16xf32> to vector<16xf32>
        %parallel_loop3A_265 = vector.shape_cast %parallel_loop3A_260 : vector<16xf32> to vector<1x16xf32>
        tpu.vector_store %arg8[%parallel_loop3A_261, %parallel_loop3A_262], %parallel_loop3A_265 {add = true, strides = array<i32>} : memref<64x512xf32, #tpu.memory_space<vmem>>, vector<1x16xf32>,
        %parallel_loop3A_266 = arith.index_cast %parallel_loop3A_184 : i32 to index
        %parallel_loop3A_267 = arith.constant 144 : index
        %parallel_loop3A_268 = tpu.vector_load %arg7[%parallel_loop3A_266, %parallel_loop3A_267] {strides = array<i32>} : memref<64x512xf32, #tpu.memory_space<vmem>>, vector<1x16xf32>,
        %parallel_loop3A_269 = vector.shape_cast %parallel_loop3A_268 : vector<1x16xf32> to vector<16xf32>
        %parallel_loop3A_270 = arith.index_cast %parallel_loop3A_184 : i32 to index
        %parallel_loop3A_271 = arith.constant 144 : index
        %parallel_loop3A_272 = tpu.vector_load %arg8[%parallel_loop3A_270, %parallel_loop3A_271] {strides = array<i32>} : memref<64x512xf32, #tpu.memory_space<vmem>>, vector<1x16xf32>,
        %parallel_loop3A_273 = vector.shape_cast %parallel_loop3A_272 : vector<1x16xf32> to vector<16xf32>
        %parallel_loop3A_274 = vector.shape_cast %parallel_loop3A_269 : vector<16xf32> to vector<1x16xf32>
        tpu.vector_store %arg8[%parallel_loop3A_270, %parallel_loop3A_271], %parallel_loop3A_274 {add = true, strides = array<i32>} : memref<64x512xf32, #tpu.memory_space<vmem>>, vector<1x16xf32>,
        %parallel_loop3A_275 = arith.index_cast %parallel_loop3A_184 : i32 to index
        %parallel_loop3A_276 = arith.constant 160 : index
        %parallel_loop3A_277 = tpu.vector_load %arg7[%parallel_loop3A_275, %parallel_loop3A_276] {strides = array<i32>} : memref<64x512xf32, #tpu.memory_space<vmem>>, vector<1x16xf32>,
        %parallel_loop3A_278 = vector.shape_cast %parallel_loop3A_277 : vector<1x16xf32> to vector<16xf32>
        %parallel_loop3A_279 = arith.index_cast %parallel_loop3A_184 : i32 to index
        %parallel_loop3A_280 = arith.constant 160 : index
        %parallel_loop3A_281 = tpu.vector_load %arg8[%parallel_loop3A_279, %parallel_loop3A_280] {strides = array<i32>} : memref<64x512xf32, #tpu.memory_space<vmem>>, vector<1x16xf32>,
        %parallel_loop3A_282 = vector.shape_cast %parallel_loop3A_281 : vector<1x16xf32> to vector<16xf32>
        %parallel_loop3A_283 = vector.shape_cast %parallel_loop3A_278 : vector<16xf32> to vector<1x16xf32>
        tpu.vector_store %arg8[%parallel_loop3A_279, %parallel_loop3A_280], %parallel_loop3A_283 {add = true, strides = array<i32>} : memref<64x512xf32, #tpu.memory_space<vmem>>, vector<1x16xf32>,
        %parallel_loop3A_284 = arith.index_cast %parallel_loop3A_184 : i32 to index
        %parallel_loop3A_285 = arith.constant 176 : index
        %parallel_loop3A_286 = tpu.vector_load %arg7[%parallel_loop3A_284, %parallel_loop3A_285] {strides = array<i32>} : memref<64x512xf32, #tpu.memory_space<vmem>>, vector<1x16xf32>,
        %parallel_loop3A_287 = vector.shape_cast %parallel_loop3A_286 : vector<1x16xf32> to vector<16xf32>
        %parallel_loop3A_288 = arith.index_cast %parallel_loop3A_184 : i32 to index
        %parallel_loop3A_289 = arith.constant 176 : index
        %parallel_loop3A_290 = tpu.vector_load %arg8[%parallel_loop3A_288, %parallel_loop3A_289] {strides = array<i32>} : memref<64x512xf32, #tpu.memory_space<vmem>>, vector<1x16xf32>,
        %parallel_loop3A_291 = vector.shape_cast %parallel_loop3A_290 : vector<1x16xf32> to vector<16xf32>
        %parallel_loop3A_292 = vector.shape_cast %parallel_loop3A_287 : vector<16xf32> to vector<1x16xf32>
        tpu.vector_store %arg8[%parallel_loop3A_288, %parallel_loop3A_289], %parallel_loop3A_292 {add = true, strides = array<i32>} : memref<64x512xf32, #tpu.memory_space<vmem>>, vector<1x16xf32>,
        %parallel_loop3A_293 = arith.index_cast %parallel_loop3A_184 : i32 to index
        %parallel_loop3A_294 = arith.constant 192 : index
        %parallel_loop3A_295 = tpu.vector_load %arg7[%parallel_loop3A_293, %parallel_loop3A_294] {strides = array<i32>} : memref<64x512xf32, #tpu.memory_space<vmem>>, vector<1x16xf32>,
        %parallel_loop3A_296 = vector.shape_cast %parallel_loop3A_295 : vector<1x16xf32> to vector<16xf32>
        %parallel_loop3A_297 = arith.index_cast %parallel_loop3A_184 : i32 to index
        %parallel_loop3A_298 = arith.constant 192 : index
        %parallel_loop3A_299 = tpu.vector_load %arg8[%parallel_loop3A_297, %parallel_loop3A_298] {strides = array<i32>} : memref<64x512xf32, #tpu.memory_space<vmem>>, vector<1x16xf32>,
        %parallel_loop3A_300 = vector.shape_cast %parallel_loop3A_299 : vector<1x16xf32> to vector<16xf32>
        %parallel_loop3A_301 = vector.shape_cast %parallel_loop3A_296 : vector<16xf32> to vector<1x16xf32>
        tpu.vector_store %arg8[%parallel_loop3A_297, %parallel_loop3A_298], %parallel_loop3A_301 {add = true, strides = array<i32>} : memref<64x512xf32, #tpu.memory_space<vmem>>, vector<1x16xf32>,
        %parallel_loop3A_302 = arith.index_cast %parallel_loop3A_184 : i32 to index
        %parallel_loop3A_303 = arith.constant 208 : index
        %parallel_loop3A_304 = tpu.vector_load %arg7[%parallel_loop3A_302, %parallel_loop3A_303] {strides = array<i32>} : memref<64x512xf32, #tpu.memory_space<vmem>>, vector<1x16xf32>,
        %parallel_loop3A_305 = vector.shape_cast %parallel_loop3A_304 : vector<1x16xf32> to vector<16xf32>
        %parallel_loop3A_306 = arith.index_cast %parallel_loop3A_184 : i32 to index
        %parallel_loop3A_307 = arith.constant 208 : index
        %parallel_loop3A_308 = tpu.vector_load %arg8[%parallel_loop3A_306, %parallel_loop3A_307] {strides = array<i32>} : memref<64x512xf32, #tpu.memory_space<vmem>>, vector<1x16xf32>,
        %parallel_loop3A_309 = vector.shape_cast %parallel_loop3A_308 : vector<1x16xf32> to vector<16xf32>
        %parallel_loop3A_310 = vector.shape_cast %parallel_loop3A_305 : vector<16xf32> to vector<1x16xf32>
        tpu.vector_store %arg8[%parallel_loop3A_306, %parallel_loop3A_307], %parallel_loop3A_310 {add = true, strides = array<i32>} : memref<64x512xf32, #tpu.memory_space<vmem>>, vector<1x16xf32>,
        %parallel_loop3A_311 = arith.index_cast %parallel_loop3A_184 : i32 to index
        %parallel_loop3A_312 = arith.constant 224 : index
        %parallel_loop3A_313 = tpu.vector_load %arg7[%parallel_loop3A_311, %parallel_loop3A_312] {strides = array<i32>} : memref<64x512xf32, #tpu.memory_space<vmem>>, vector<1x16xf32>,
        %parallel_loop3A_314 = vector.shape_cast %parallel_loop3A_313 : vector<1x16xf32> to vector<16xf32>
        %parallel_loop3A_315 = arith.index_cast %parallel_loop3A_184 : i32 to index
        %parallel_loop3A_316 = arith.constant 224 : index
        %parallel_loop3A_317 = tpu.vector_load %arg8[%parallel_loop3A_315, %parallel_loop3A_316] {strides = array<i32>} : memref<64x512xf32, #tpu.memory_space<vmem>>, vector<1x16xf32>,
        %parallel_loop3A_318 = vector.shape_cast %parallel_loop3A_317 : vector<1x16xf32> to vector<16xf32>
        %parallel_loop3A_319 = vector.shape_cast %parallel_loop3A_314 : vector<16xf32> to vector<1x16xf32>
        tpu.vector_store %arg8[%parallel_loop3A_315, %parallel_loop3A_316], %parallel_loop3A_319 {add = true, strides = array<i32>} : memref<64x512xf32, #tpu.memory_space<vmem>>, vector<1x16xf32>,
        %parallel_loop3A_320 = arith.index_cast %parallel_loop3A_184 : i32 to index
        %parallel_loop3A_321 = arith.constant 240 : index
        %parallel_loop3A_322 = tpu.vector_load %arg7[%parallel_loop3A_320, %parallel_loop3A_321] {strides = array<i32>} : memref<64x512xf32, #tpu.memory_space<vmem>>, vector<1x16xf32>,
        %parallel_loop3A_323 = vector.shape_cast %parallel_loop3A_322 : vector<1x16xf32> to vector<16xf32>
        %parallel_loop3A_324 = arith.index_cast %parallel_loop3A_184 : i32 to index
        %parallel_loop3A_325 = arith.constant 240 : index
        %parallel_loop3A_326 = tpu.vector_load %arg8[%parallel_loop3A_324, %parallel_loop3A_325] {strides = array<i32>} : memref<64x512xf32, #tpu.memory_space<vmem>>, vector<1x16xf32>,
        %parallel_loop3A_327 = vector.shape_cast %parallel_loop3A_326 : vector<1x16xf32> to vector<16xf32>
        %parallel_loop3A_328 = vector.shape_cast %parallel_loop3A_323 : vector<16xf32> to vector<1x16xf32>
        tpu.vector_store %arg8[%parallel_loop3A_324, %parallel_loop3A_325], %parallel_loop3A_328 {add = true, strides = array<i32>} : memref<64x512xf32, #tpu.memory_space<vmem>>, vector<1x16xf32>,
        %parallel_loop3A_329 = arith.index_cast %parallel_loop3A_184 : i32 to index
        %parallel_loop3A_330 = arith.constant 256 : index
        %parallel_loop3A_331 = tpu.vector_load %arg7[%parallel_loop3A_329, %parallel_loop3A_330] {strides = array<i32>} : memref<64x512xf32, #tpu.memory_space<vmem>>, vector<1x16xf32>,
        %parallel_loop3A_332 = vector.shape_cast %parallel_loop3A_331 : vector<1x16xf32> to vector<16xf32>
        %parallel_loop3A_333 = arith.index_cast %parallel_loop3A_184 : i32 to index
        %parallel_loop3A_334 = arith.constant 256 : index
        %parallel_loop3A_335 = tpu.vector_load %arg8[%parallel_loop3A_333, %parallel_loop3A_334] {strides = array<i32>} : memref<64x512xf32, #tpu.memory_space<vmem>>, vector<1x16xf32>,
        %parallel_loop3A_336 = vector.shape_cast %parallel_loop3A_335 : vector<1x16xf32> to vector<16xf32>
        %parallel_loop3A_337 = vector.shape_cast %parallel_loop3A_332 : vector<16xf32> to vector<1x16xf32>
        tpu.vector_store %arg8[%parallel_loop3A_333, %parallel_loop3A_334], %parallel_loop3A_337 {add = true, strides = array<i32>} : memref<64x512xf32, #tpu.memory_space<vmem>>, vector<1x16xf32>,
        %parallel_loop3A_338 = arith.index_cast %parallel_loop3A_184 : i32 to index
        %parallel_loop3A_339 = arith.constant 272 : index
        %parallel_loop3A_340 = tpu.vector_load %arg7[%parallel_loop3A_338, %parallel_loop3A_339] {strides = array<i32>} : memref<64x512xf32, #tpu.memory_space<vmem>>, vector<1x16xf32>,
        %parallel_loop3A_341 = vector.shape_cast %parallel_loop3A_340 : vector<1x16xf32> to vector<16xf32>
        %parallel_loop3A_342 = arith.index_cast %parallel_loop3A_184 : i32 to index
        %parallel_loop3A_343 = arith.constant 272 : index
        %parallel_loop3A_344 = tpu.vector_load %arg8[%parallel_loop3A_342, %parallel_loop3A_343] {strides = array<i32>} : memref<64x512xf32, #tpu.memory_space<vmem>>, vector<1x16xf32>,
        %parallel_loop3A_345 = vector.shape_cast %parallel_loop3A_344 : vector<1x16xf32> to vector<16xf32>
        %parallel_loop3A_346 = vector.shape_cast %parallel_loop3A_341 : vector<16xf32> to vector<1x16xf32>
        tpu.vector_store %arg8[%parallel_loop3A_342, %parallel_loop3A_343], %parallel_loop3A_346 {add = true, strides = array<i32>} : memref<64x512xf32, #tpu.memory_space<vmem>>, vector<1x16xf32>,
        %parallel_loop3A_347 = arith.index_cast %parallel_loop3A_184 : i32 to index
        %parallel_loop3A_348 = arith.constant 288 : index
        %parallel_loop3A_349 = tpu.vector_load %arg7[%parallel_loop3A_347, %parallel_loop3A_348] {strides = array<i32>} : memref<64x512xf32, #tpu.memory_space<vmem>>, vector<1x16xf32>,
        %parallel_loop3A_350 = vector.shape_cast %parallel_loop3A_349 : vector<1x16xf32> to vector<16xf32>
        %parallel_loop3A_351 = arith.index_cast %parallel_loop3A_184 : i32 to index
        %parallel_loop3A_352 = arith.constant 288 : index
        %parallel_loop3A_353 = tpu.vector_load %arg8[%parallel_loop3A_351, %parallel_loop3A_352] {strides = array<i32>} : memref<64x512xf32, #tpu.memory_space<vmem>>, vector<1x16xf32>,
        %parallel_loop3A_354 = vector.shape_cast %parallel_loop3A_353 : vector<1x16xf32> to vector<16xf32>
        %parallel_loop3A_355 = vector.shape_cast %parallel_loop3A_350 : vector<16xf32> to vector<1x16xf32>
        tpu.vector_store %arg8[%parallel_loop3A_351, %parallel_loop3A_352], %parallel_loop3A_355 {add = true, strides = array<i32>} : memref<64x512xf32, #tpu.memory_space<vmem>>, vector<1x16xf32>,
        %parallel_loop3A_356 = arith.index_cast %parallel_loop3A_184 : i32 to index
        %parallel_loop3A_357 = arith.constant 304 : index
        %parallel_loop3A_358 = tpu.vector_load %arg7[%parallel_loop3A_356, %parallel_loop3A_357] {strides = array<i32>} : memref<64x512xf32, #tpu.memory_space<vmem>>, vector<1x16xf32>,
        %parallel_loop3A_359 = vector.shape_cast %parallel_loop3A_358 : vector<1x16xf32> to vector<16xf32>
        %parallel_loop3A_360 = arith.index_cast %parallel_loop3A_184 : i32 to index
        %parallel_loop3A_361 = arith.constant 304 : index
        %parallel_loop3A_362 = tpu.vector_load %arg8[%parallel_loop3A_360, %parallel_loop3A_361] {strides = array<i32>} : memref<64x512xf32, #tpu.memory_space<vmem>>, vector<1x16xf32>,
        %parallel_loop3A_363 = vector.shape_cast %parallel_loop3A_362 : vector<1x16xf32> to vector<16xf32>
        %parallel_loop3A_364 = vector.shape_cast %parallel_loop3A_359 : vector<16xf32> to vector<1x16xf32>
        tpu.vector_store %arg8[%parallel_loop3A_360, %parallel_loop3A_361], %parallel_loop3A_364 {add = true, strides = array<i32>} : memref<64x512xf32, #tpu.memory_space<vmem>>, vector<1x16xf32>,
        %parallel_loop3A_365 = arith.index_cast %parallel_loop3A_184 : i32 to index
        %parallel_loop3A_366 = arith.constant 320 : index
        %parallel_loop3A_367 = tpu.vector_load %arg7[%parallel_loop3A_365, %parallel_loop3A_366] {strides = array<i32>} : memref<64x512xf32, #tpu.memory_space<vmem>>, vector<1x16xf32>,
        %parallel_loop3A_368 = vector.shape_cast %parallel_loop3A_367 : vector<1x16xf32> to vector<16xf32>
        %parallel_loop3A_369 = arith.index_cast %parallel_loop3A_184 : i32 to index
        %parallel_loop3A_370 = arith.constant 320 : index
        %parallel_loop3A_371 = tpu.vector_load %arg8[%parallel_loop3A_369, %parallel_loop3A_370] {strides = array<i32>} : memref<64x512xf32, #tpu.memory_space<vmem>>, vector<1x16xf32>,
        %parallel_loop3A_372 = vector.shape_cast %parallel_loop3A_371 : vector<1x16xf32> to vector<16xf32>
        %parallel_loop3A_373 = vector.shape_cast %parallel_loop3A_368 : vector<16xf32> to vector<1x16xf32>
        tpu.vector_store %arg8[%parallel_loop3A_369, %parallel_loop3A_370], %parallel_loop3A_373 {add = true, strides = array<i32>} : memref<64x512xf32, #tpu.memory_space<vmem>>, vector<1x16xf32>,
        %parallel_loop3A_374 = arith.index_cast %parallel_loop3A_184 : i32 to index
        %parallel_loop3A_375 = arith.constant 336 : index
        %parallel_loop3A_376 = tpu.vector_load %arg7[%parallel_loop3A_374, %parallel_loop3A_375] {strides = array<i32>} : memref<64x512xf32, #tpu.memory_space<vmem>>, vector<1x16xf32>,
        %parallel_loop3A_377 = vector.shape_cast %parallel_loop3A_376 : vector<1x16xf32> to vector<16xf32>
        %parallel_loop3A_378 = arith.index_cast %parallel_loop3A_184 : i32 to index
        %parallel_loop3A_379 = arith.constant 336 : index
        %parallel_loop3A_380 = tpu.vector_load %arg8[%parallel_loop3A_378, %parallel_loop3A_379] {strides = array<i32>} : memref<64x512xf32, #tpu.memory_space<vmem>>, vector<1x16xf32>,
        %parallel_loop3A_381 = vector.shape_cast %parallel_loop3A_380 : vector<1x16xf32> to vector<16xf32>
        %parallel_loop3A_382 = vector.shape_cast %parallel_loop3A_377 : vector<16xf32> to vector<1x16xf32>
        tpu.vector_store %arg8[%parallel_loop3A_378, %parallel_loop3A_379], %parallel_loop3A_382 {add = true, strides = array<i32>} : memref<64x512xf32, #tpu.memory_space<vmem>>, vector<1x16xf32>,
        %parallel_loop3A_383 = arith.index_cast %parallel_loop3A_184 : i32 to index
        %parallel_loop3A_384 = arith.constant 352 : index
        %parallel_loop3A_385 = tpu.vector_load %arg7[%parallel_loop3A_383, %parallel_loop3A_384] {strides = array<i32>} : memref<64x512xf32, #tpu.memory_space<vmem>>, vector<1x16xf32>,
        %parallel_loop3A_386 = vector.shape_cast %parallel_loop3A_385 : vector<1x16xf32> to vector<16xf32>
        %parallel_loop3A_387 = arith.index_cast %parallel_loop3A_184 : i32 to index
        %parallel_loop3A_388 = arith.constant 352 : index
        %parallel_loop3A_389 = tpu.vector_load %arg8[%parallel_loop3A_387, %parallel_loop3A_388] {strides = array<i32>} : memref<64x512xf32, #tpu.memory_space<vmem>>, vector<1x16xf32>,
        %parallel_loop3A_390 = vector.shape_cast %parallel_loop3A_389 : vector<1x16xf32> to vector<16xf32>
        %parallel_loop3A_391 = vector.shape_cast %parallel_loop3A_386 : vector<16xf32> to vector<1x16xf32>
        tpu.vector_store %arg8[%parallel_loop3A_387, %parallel_loop3A_388], %parallel_loop3A_391 {add = true, strides = array<i32>} : memref<64x512xf32, #tpu.memory_space<vmem>>, vector<1x16xf32>,
        %parallel_loop3A_392 = arith.index_cast %parallel_loop3A_184 : i32 to index
        %parallel_loop3A_393 = arith.constant 368 : index
        %parallel_loop3A_394 = tpu.vector_load %arg7[%parallel_loop3A_392, %parallel_loop3A_393] {strides = array<i32>} : memref<64x512xf32, #tpu.memory_space<vmem>>, vector<1x16xf32>,
        %parallel_loop3A_395 = vector.shape_cast %parallel_loop3A_394 : vector<1x16xf32> to vector<16xf32>
        %parallel_loop3A_396 = arith.index_cast %parallel_loop3A_184 : i32 to index
        %parallel_loop3A_397 = arith.constant 368 : index
        %parallel_loop3A_398 = tpu.vector_load %arg8[%parallel_loop3A_396, %parallel_loop3A_397] {strides = array<i32>} : memref<64x512xf32, #tpu.memory_space<vmem>>, vector<1x16xf32>,
        %parallel_loop3A_399 = vector.shape_cast %parallel_loop3A_398 : vector<1x16xf32> to vector<16xf32>
        %parallel_loop3A_400 = vector.shape_cast %parallel_loop3A_395 : vector<16xf32> to vector<1x16xf32>
        tpu.vector_store %arg8[%parallel_loop3A_396, %parallel_loop3A_397], %parallel_loop3A_400 {add = true, strides = array<i32>} : memref<64x512xf32, #tpu.memory_space<vmem>>, vector<1x16xf32>,
        %parallel_loop3A_401 = arith.index_cast %parallel_loop3A_184 : i32 to index
        %parallel_loop3A_402 = arith.constant 384 : index
        %parallel_loop3A_403 = tpu.vector_load %arg7[%parallel_loop3A_401, %parallel_loop3A_402] {strides = array<i32>} : memref<64x512xf32, #tpu.memory_space<vmem>>, vector<1x16xf32>,
        %parallel_loop3A_404 = vector.shape_cast %parallel_loop3A_403 : vector<1x16xf32> to vector<16xf32>
        %parallel_loop3A_405 = arith.index_cast %parallel_loop3A_184 : i32 to index
        %parallel_loop3A_406 = arith.constant 384 : index
        %parallel_loop3A_407 = tpu.vector_load %arg8[%parallel_loop3A_405, %parallel_loop3A_406] {strides = array<i32>} : memref<64x512xf32, #tpu.memory_space<vmem>>, vector<1x16xf32>,
        %parallel_loop3A_408 = vector.shape_cast %parallel_loop3A_407 : vector<1x16xf32> to vector<16xf32>
        %parallel_loop3A_409 = vector.shape_cast %parallel_loop3A_404 : vector<16xf32> to vector<1x16xf32>
        tpu.vector_store %arg8[%parallel_loop3A_405, %parallel_loop3A_406], %parallel_loop3A_409 {add = true, strides = array<i32>} : memref<64x512xf32, #tpu.memory_space<vmem>>, vector<1x16xf32>,
        %parallel_loop3A_410 = arith.index_cast %parallel_loop3A_184 : i32 to index
        %parallel_loop3A_411 = arith.constant 400 : index
        %parallel_loop3A_412 = tpu.vector_load %arg7[%parallel_loop3A_410, %parallel_loop3A_411] {strides = array<i32>} : memref<64x512xf32, #tpu.memory_space<vmem>>, vector<1x16xf32>,
        %parallel_loop3A_413 = vector.shape_cast %parallel_loop3A_412 : vector<1x16xf32> to vector<16xf32>
        %parallel_loop3A_414 = arith.index_cast %parallel_loop3A_184 : i32 to index
        %parallel_loop3A_415 = arith.constant 400 : index
        %parallel_loop3A_416 = tpu.vector_load %arg8[%parallel_loop3A_414, %parallel_loop3A_415] {strides = array<i32>} : memref<64x512xf32, #tpu.memory_space<vmem>>, vector<1x16xf32>,
        %parallel_loop3A_417 = vector.shape_cast %parallel_loop3A_416 : vector<1x16xf32> to vector<16xf32>
        %parallel_loop3A_418 = vector.shape_cast %parallel_loop3A_413 : vector<16xf32> to vector<1x16xf32>
        tpu.vector_store %arg8[%parallel_loop3A_414, %parallel_loop3A_415], %parallel_loop3A_418 {add = true, strides = array<i32>} : memref<64x512xf32, #tpu.memory_space<vmem>>, vector<1x16xf32>,
        %parallel_loop3A_419 = arith.index_cast %parallel_loop3A_184 : i32 to index
        %parallel_loop3A_420 = arith.constant 416 : index
        %parallel_loop3A_421 = tpu.vector_load %arg7[%parallel_loop3A_419, %parallel_loop3A_420] {strides = array<i32>} : memref<64x512xf32, #tpu.memory_space<vmem>>, vector<1x16xf32>,
        %parallel_loop3A_422 = vector.shape_cast %parallel_loop3A_421 : vector<1x16xf32> to vector<16xf32>
        %parallel_loop3A_423 = arith.index_cast %parallel_loop3A_184 : i32 to index
        %parallel_loop3A_424 = arith.constant 416 : index
        %parallel_loop3A_425 = tpu.vector_load %arg8[%parallel_loop3A_423, %parallel_loop3A_424] {strides = array<i32>} : memref<64x512xf32, #tpu.memory_space<vmem>>, vector<1x16xf32>,
        %parallel_loop3A_426 = vector.shape_cast %parallel_loop3A_425 : vector<1x16xf32> to vector<16xf32>
        %parallel_loop3A_427 = vector.shape_cast %parallel_loop3A_422 : vector<16xf32> to vector<1x16xf32>
        tpu.vector_store %arg8[%parallel_loop3A_423, %parallel_loop3A_424], %parallel_loop3A_427 {add = true, strides = array<i32>} : memref<64x512xf32, #tpu.memory_space<vmem>>, vector<1x16xf32>,
        %parallel_loop3A_428 = arith.index_cast %parallel_loop3A_184 : i32 to index
        %parallel_loop3A_429 = arith.constant 432 : index
        %parallel_loop3A_430 = tpu.vector_load %arg7[%parallel_loop3A_428, %parallel_loop3A_429] {strides = array<i32>} : memref<64x512xf32, #tpu.memory_space<vmem>>, vector<1x16xf32>,
        %parallel_loop3A_431 = vector.shape_cast %parallel_loop3A_430 : vector<1x16xf32> to vector<16xf32>
        %parallel_loop3A_432 = arith.index_cast %parallel_loop3A_184 : i32 to index
        %parallel_loop3A_433 = arith.constant 432 : index
        %parallel_loop3A_434 = tpu.vector_load %arg8[%parallel_loop3A_432, %parallel_loop3A_433] {strides = array<i32>} : memref<64x512xf32, #tpu.memory_space<vmem>>, vector<1x16xf32>,
        %parallel_loop3A_435 = vector.shape_cast %parallel_loop3A_434 : vector<1x16xf32> to vector<16xf32>
        %parallel_loop3A_436 = vector.shape_cast %parallel_loop3A_431 : vector<16xf32> to vector<1x16xf32>
        tpu.vector_store %arg8[%parallel_loop3A_432, %parallel_loop3A_433], %parallel_loop3A_436 {add = true, strides = array<i32>} : memref<64x512xf32, #tpu.memory_space<vmem>>, vector<1x16xf32>,
        %parallel_loop3A_437 = arith.index_cast %parallel_loop3A_184 : i32 to index
        %parallel_loop3A_438 = arith.constant 448 : index
        %parallel_loop3A_439 = tpu.vector_load %arg7[%parallel_loop3A_437, %parallel_loop3A_438] {strides = array<i32>} : memref<64x512xf32, #tpu.memory_space<vmem>>, vector<1x16xf32>,
        %parallel_loop3A_440 = vector.shape_cast %parallel_loop3A_439 : vector<1x16xf32> to vector<16xf32>
        %parallel_loop3A_441 = arith.index_cast %parallel_loop3A_184 : i32 to index
        %parallel_loop3A_442 = arith.constant 448 : index
        %parallel_loop3A_443 = tpu.vector_load %arg8[%parallel_loop3A_441, %parallel_loop3A_442] {strides = array<i32>} : memref<64x512xf32, #tpu.memory_space<vmem>>, vector<1x16xf32>,
        %parallel_loop3A_444 = vector.shape_cast %parallel_loop3A_443 : vector<1x16xf32> to vector<16xf32>
        %parallel_loop3A_445 = vector.shape_cast %parallel_loop3A_440 : vector<16xf32> to vector<1x16xf32>
        tpu.vector_store %arg8[%parallel_loop3A_441, %parallel_loop3A_442], %parallel_loop3A_445 {add = true, strides = array<i32>} : memref<64x512xf32, #tpu.memory_space<vmem>>, vector<1x16xf32>,
        %parallel_loop3A_446 = arith.index_cast %parallel_loop3A_184 : i32 to index
        %parallel_loop3A_447 = arith.constant 464 : index
        %parallel_loop3A_448 = tpu.vector_load %arg7[%parallel_loop3A_446, %parallel_loop3A_447] {strides = array<i32>} : memref<64x512xf32, #tpu.memory_space<vmem>>, vector<1x16xf32>,
        %parallel_loop3A_449 = vector.shape_cast %parallel_loop3A_448 : vector<1x16xf32> to vector<16xf32>
        %parallel_loop3A_450 = arith.index_cast %parallel_loop3A_184 : i32 to index
        %parallel_loop3A_451 = arith.constant 464 : index
        %parallel_loop3A_452 = tpu.vector_load %arg8[%parallel_loop3A_450, %parallel_loop3A_451] {strides = array<i32>} : memref<64x512xf32, #tpu.memory_space<vmem>>, vector<1x16xf32>,
        %parallel_loop3A_453 = vector.shape_cast %parallel_loop3A_452 : vector<1x16xf32> to vector<16xf32>
        %parallel_loop3A_454 = vector.shape_cast %parallel_loop3A_449 : vector<16xf32> to vector<1x16xf32>
        tpu.vector_store %arg8[%parallel_loop3A_450, %parallel_loop3A_451], %parallel_loop3A_454 {add = true, strides = array<i32>} : memref<64x512xf32, #tpu.memory_space<vmem>>, vector<1x16xf32>,
        %parallel_loop3A_455 = arith.index_cast %parallel_loop3A_184 : i32 to index
        %parallel_loop3A_456 = arith.constant 480 : index
        %parallel_loop3A_457 = tpu.vector_load %arg7[%parallel_loop3A_455, %parallel_loop3A_456] {strides = array<i32>} : memref<64x512xf32, #tpu.memory_space<vmem>>, vector<1x16xf32>,
        %parallel_loop3A_458 = vector.shape_cast %parallel_loop3A_457 : vector<1x16xf32> to vector<16xf32>
        %parallel_loop3A_459 = arith.index_cast %parallel_loop3A_184 : i32 to index
        %parallel_loop3A_460 = arith.constant 480 : index
        %parallel_loop3A_461 = tpu.vector_load %arg8[%parallel_loop3A_459, %parallel_loop3A_460] {strides = array<i32>} : memref<64x512xf32, #tpu.memory_space<vmem>>, vector<1x16xf32>,
        %parallel_loop3A_462 = vector.shape_cast %parallel_loop3A_461 : vector<1x16xf32> to vector<16xf32>
        %parallel_loop3A_463 = vector.shape_cast %parallel_loop3A_458 : vector<16xf32> to vector<1x16xf32>
        tpu.vector_store %arg8[%parallel_loop3A_459, %parallel_loop3A_460], %parallel_loop3A_463 {add = true, strides = array<i32>} : memref<64x512xf32, #tpu.memory_space<vmem>>, vector<1x16xf32>,
        %parallel_loop3A_464 = arith.index_cast %parallel_loop3A_184 : i32 to index
        %parallel_loop3A_465 = arith.constant 496 : index
        %parallel_loop3A_466 = tpu.vector_load %arg7[%parallel_loop3A_464, %parallel_loop3A_465] {strides = array<i32>} : memref<64x512xf32, #tpu.memory_space<vmem>>, vector<1x16xf32>,
        %parallel_loop3A_467 = vector.shape_cast %parallel_loop3A_466 : vector<1x16xf32> to vector<16xf32>
        %parallel_loop3A_468 = arith.index_cast %parallel_loop3A_184 : i32 to index
        %parallel_loop3A_469 = arith.constant 496 : index
        %parallel_loop3A_470 = tpu.vector_load %arg8[%parallel_loop3A_468, %parallel_loop3A_469] {strides = array<i32>} : memref<64x512xf32, #tpu.memory_space<vmem>>, vector<1x16xf32>,
        %parallel_loop3A_471 = vector.shape_cast %parallel_loop3A_470 : vector<1x16xf32> to vector<16xf32>
        %parallel_loop3A_472 = vector.shape_cast %parallel_loop3A_467 : vector<16xf32> to vector<1x16xf32>
        tpu.vector_store %arg8[%parallel_loop3A_468, %parallel_loop3A_469], %parallel_loop3A_472 {add = true, strides = array<i32>} : memref<64x512xf32, #tpu.memory_space<vmem>>, vector<1x16xf32>,
      } {sc.loop_unroll_factor = 1 : i64, sc.parallel_access}
      %add3A_96 = arith.constant 0 : i32
      %add3A_97 = arith.addi %add3A_86, %add3A_96 : i32
      %mul3A_98 = arith.constant 2048 : i32
      %mul3A_99 = arith.muli %add3A_97, %mul3A_98 : i32
      %add3A_100 = arith.addi %mul3A_99, %mul3A_2 : i32
      %add3A_101 = arith.constant 0 : i32
      %add3A_102 = arith.addi %add3A_100, %add3A_101 : i32
      %dma_start3A_103 = arith.constant 0 : i32
      %dma_start3A_104 = arith.constant 0 : i32
      %dma_start3A_105 = tpu.memref_slice %arg8[%dma_start3A_103, %dma_start3A_104] : memref<64x512xf32, #tpu.memory_space<vmem>> -> memref<32x512xf32, #tpu.memory_space<vmem>>
      %dma_start3A_106 = arith.constant 0 : i32
      %dma_start3A_107 = tpu.memref_slice %arg5[%add3A_102, %dma_start3A_106] : memref<8192x512xf32, #tpu.memory_space<hbm>> -> memref<32x512xf32, #tpu.memory_space<hbm>>
      %dma_start3A_108 = arith.constant 0 : i32
      %dma_start3A_109 = tpu.memref_slice %arg5[%add3A_102, %dma_start3A_108] : memref<8192x512xf32, #tpu.memory_space<hbm>> -> memref<32x512xf32, #tpu.memory_space<hbm>>
      %dma_start3A_110 = arith.constant 0 : i32
      %dma_start3A_111 = arith.constant 0 : i32
      %dma_start3A_112 = tpu.memref_slice %arg8[%dma_start3A_110, %dma_start3A_111] : memref<64x512xf32, #tpu.memory_space<vmem>> -> memref<32x512xf32, #tpu.memory_space<vmem>>
      tpu.enqueue_dma source(%dma_start3A_112 : memref<32x512xf32, #tpu.memory_space<vmem>>) target(%dma_start3A_109 : memref<32x512xf32, #tpu.memory_space<hbm>>) target_semaphore(%arg12 : memref<!tpu.dma_semaphore, #tpu.memory_space<semaphore_mem>>)
      %parallel_loop3A_113 = arith.constant 32 : i32
      %parallel_loop3A_114 = arith.constant 64 : i32
      %parallel_loop3A_115 = arith.constant 1 : i32
      scf.for %parallel_loop3A_184 = %parallel_loop3A_113 to %parallel_loop3A_114 step %parallel_loop3A_115  : i32 {
        %parallel_loop3A_185 = arith.index_cast %parallel_loop3A_184 : i32 to index
        %parallel_loop3A_186 = arith.constant 0 : index
        %parallel_loop3A_187 = tpu.vector_load %arg7[%parallel_loop3A_185, %parallel_loop3A_186] {strides = array<i32>} : memref<64x512xf32, #tpu.memory_space<vmem>>, vector<1x16xf32>,
        %parallel_loop3A_188 = vector.shape_cast %parallel_loop3A_187 : vector<1x16xf32> to vector<16xf32>
        %parallel_loop3A_189 = arith.index_cast %parallel_loop3A_184 : i32 to index
        %parallel_loop3A_190 = arith.constant 0 : index
        %parallel_loop3A_191 = tpu.vector_load %arg8[%parallel_loop3A_189, %parallel_loop3A_190] {strides = array<i32>} : memref<64x512xf32, #tpu.memory_space<vmem>>, vector<1x16xf32>,
        %parallel_loop3A_192 = vector.shape_cast %parallel_loop3A_191 : vector<1x16xf32> to vector<16xf32>
        %parallel_loop3A_193 = vector.shape_cast %parallel_loop3A_188 : vector<16xf32> to vector<1x16xf32>
        tpu.vector_store %arg8[%parallel_loop3A_189, %parallel_loop3A_190], %parallel_loop3A_193 {add = true, strides = array<i32>} : memref<64x512xf32, #tpu.memory_space<vmem>>, vector<1x16xf32>,
        %parallel_loop3A_194 = arith.index_cast %parallel_loop3A_184 : i32 to index
        %parallel_loop3A_195 = arith.constant 16 : index
        %parallel_loop3A_196 = tpu.vector_load %arg7[%parallel_loop3A_194, %parallel_loop3A_195] {strides = array<i32>} : memref<64x512xf32, #tpu.memory_space<vmem>>, vector<1x16xf32>,
        %parallel_loop3A_197 = vector.shape_cast %parallel_loop3A_196 : vector<1x16xf32> to vector<16xf32>
        %parallel_loop3A_198 = arith.index_cast %parallel_loop3A_184 : i32 to index
        %parallel_loop3A_199 = arith.constant 16 : index
        %parallel_loop3A_200 = tpu.vector_load %arg8[%parallel_loop3A_198, %parallel_loop3A_199] {strides = array<i32>} : memref<64x512xf32, #tpu.memory_space<vmem>>, vector<1x16xf32>,
        %parallel_loop3A_201 = vector.shape_cast %parallel_loop3A_200 : vector<1x16xf32> to vector<16xf32>
        %parallel_loop3A_202 = vector.shape_cast %parallel_loop3A_197 : vector<16xf32> to vector<1x16xf32>
        tpu.vector_store %arg8[%parallel_loop3A_198, %parallel_loop3A_199], %parallel_loop3A_202 {add = true, strides = array<i32>} : memref<64x512xf32, #tpu.memory_space<vmem>>, vector<1x16xf32>,
        %parallel_loop3A_203 = arith.index_cast %parallel_loop3A_184 : i32 to index
        %parallel_loop3A_204 = arith.constant 32 : index
        %parallel_loop3A_205 = tpu.vector_load %arg7[%parallel_loop3A_203, %parallel_loop3A_204] {strides = array<i32>} : memref<64x512xf32, #tpu.memory_space<vmem>>, vector<1x16xf32>,
        %parallel_loop3A_206 = vector.shape_cast %parallel_loop3A_205 : vector<1x16xf32> to vector<16xf32>
        %parallel_loop3A_207 = arith.index_cast %parallel_loop3A_184 : i32 to index
        %parallel_loop3A_208 = arith.constant 32 : index
        %parallel_loop3A_209 = tpu.vector_load %arg8[%parallel_loop3A_207, %parallel_loop3A_208] {strides = array<i32>} : memref<64x512xf32, #tpu.memory_space<vmem>>, vector<1x16xf32>,
        %parallel_loop3A_210 = vector.shape_cast %parallel_loop3A_209 : vector<1x16xf32> to vector<16xf32>
        %parallel_loop3A_211 = vector.shape_cast %parallel_loop3A_206 : vector<16xf32> to vector<1x16xf32>
        tpu.vector_store %arg8[%parallel_loop3A_207, %parallel_loop3A_208], %parallel_loop3A_211 {add = true, strides = array<i32>} : memref<64x512xf32, #tpu.memory_space<vmem>>, vector<1x16xf32>,
        %parallel_loop3A_212 = arith.index_cast %parallel_loop3A_184 : i32 to index
        %parallel_loop3A_213 = arith.constant 48 : index
        %parallel_loop3A_214 = tpu.vector_load %arg7[%parallel_loop3A_212, %parallel_loop3A_213] {strides = array<i32>} : memref<64x512xf32, #tpu.memory_space<vmem>>, vector<1x16xf32>,
        %parallel_loop3A_215 = vector.shape_cast %parallel_loop3A_214 : vector<1x16xf32> to vector<16xf32>
        %parallel_loop3A_216 = arith.index_cast %parallel_loop3A_184 : i32 to index
        %parallel_loop3A_217 = arith.constant 48 : index
        %parallel_loop3A_218 = tpu.vector_load %arg8[%parallel_loop3A_216, %parallel_loop3A_217] {strides = array<i32>} : memref<64x512xf32, #tpu.memory_space<vmem>>, vector<1x16xf32>,
        %parallel_loop3A_219 = vector.shape_cast %parallel_loop3A_218 : vector<1x16xf32> to vector<16xf32>
        %parallel_loop3A_220 = vector.shape_cast %parallel_loop3A_215 : vector<16xf32> to vector<1x16xf32>
        tpu.vector_store %arg8[%parallel_loop3A_216, %parallel_loop3A_217], %parallel_loop3A_220 {add = true, strides = array<i32>} : memref<64x512xf32, #tpu.memory_space<vmem>>, vector<1x16xf32>,
        %parallel_loop3A_221 = arith.index_cast %parallel_loop3A_184 : i32 to index
        %parallel_loop3A_222 = arith.constant 64 : index
        %parallel_loop3A_223 = tpu.vector_load %arg7[%parallel_loop3A_221, %parallel_loop3A_222] {strides = array<i32>} : memref<64x512xf32, #tpu.memory_space<vmem>>, vector<1x16xf32>,
        %parallel_loop3A_224 = vector.shape_cast %parallel_loop3A_223 : vector<1x16xf32> to vector<16xf32>
        %parallel_loop3A_225 = arith.index_cast %parallel_loop3A_184 : i32 to index
        %parallel_loop3A_226 = arith.constant 64 : index
        %parallel_loop3A_227 = tpu.vector_load %arg8[%parallel_loop3A_225, %parallel_loop3A_226] {strides = array<i32>} : memref<64x512xf32, #tpu.memory_space<vmem>>, vector<1x16xf32>,
        %parallel_loop3A_228 = vector.shape_cast %parallel_loop3A_227 : vector<1x16xf32> to vector<16xf32>
        %parallel_loop3A_229 = vector.shape_cast %parallel_loop3A_224 : vector<16xf32> to vector<1x16xf32>
        tpu.vector_store %arg8[%parallel_loop3A_225, %parallel_loop3A_226], %parallel_loop3A_229 {add = true, strides = array<i32>} : memref<64x512xf32, #tpu.memory_space<vmem>>, vector<1x16xf32>,
        %parallel_loop3A_230 = arith.index_cast %parallel_loop3A_184 : i32 to index
        %parallel_loop3A_231 = arith.constant 80 : index
        %parallel_loop3A_232 = tpu.vector_load %arg7[%parallel_loop3A_230, %parallel_loop3A_231] {strides = array<i32>} : memref<64x512xf32, #tpu.memory_space<vmem>>, vector<1x16xf32>,
        %parallel_loop3A_233 = vector.shape_cast %parallel_loop3A_232 : vector<1x16xf32> to vector<16xf32>
        %parallel_loop3A_234 = arith.index_cast %parallel_loop3A_184 : i32 to index
        %parallel_loop3A_235 = arith.constant 80 : index
        %parallel_loop3A_236 = tpu.vector_load %arg8[%parallel_loop3A_234, %parallel_loop3A_235] {strides = array<i32>} : memref<64x512xf32, #tpu.memory_space<vmem>>, vector<1x16xf32>,
        %parallel_loop3A_237 = vector.shape_cast %parallel_loop3A_236 : vector<1x16xf32> to vector<16xf32>
        %parallel_loop3A_238 = vector.shape_cast %parallel_loop3A_233 : vector<16xf32> to vector<1x16xf32>
        tpu.vector_store %arg8[%parallel_loop3A_234, %parallel_loop3A_235], %parallel_loop3A_238 {add = true, strides = array<i32>} : memref<64x512xf32, #tpu.memory_space<vmem>>, vector<1x16xf32>,
        %parallel_loop3A_239 = arith.index_cast %parallel_loop3A_184 : i32 to index
        %parallel_loop3A_240 = arith.constant 96 : index
        %parallel_loop3A_241 = tpu.vector_load %arg7[%parallel_loop3A_239, %parallel_loop3A_240] {strides = array<i32>} : memref<64x512xf32, #tpu.memory_space<vmem>>, vector<1x16xf32>,
        %parallel_loop3A_242 = vector.shape_cast %parallel_loop3A_241 : vector<1x16xf32> to vector<16xf32>
        %parallel_loop3A_243 = arith.index_cast %parallel_loop3A_184 : i32 to index
        %parallel_loop3A_244 = arith.constant 96 : index
        %parallel_loop3A_245 = tpu.vector_load %arg8[%parallel_loop3A_243, %parallel_loop3A_244] {strides = array<i32>} : memref<64x512xf32, #tpu.memory_space<vmem>>, vector<1x16xf32>,
        %parallel_loop3A_246 = vector.shape_cast %parallel_loop3A_245 : vector<1x16xf32> to vector<16xf32>
        %parallel_loop3A_247 = vector.shape_cast %parallel_loop3A_242 : vector<16xf32> to vector<1x16xf32>
        tpu.vector_store %arg8[%parallel_loop3A_243, %parallel_loop3A_244], %parallel_loop3A_247 {add = true, strides = array<i32>} : memref<64x512xf32, #tpu.memory_space<vmem>>, vector<1x16xf32>,
        %parallel_loop3A_248 = arith.index_cast %parallel_loop3A_184 : i32 to index
        %parallel_loop3A_249 = arith.constant 112 : index
        %parallel_loop3A_250 = tpu.vector_load %arg7[%parallel_loop3A_248, %parallel_loop3A_249] {strides = array<i32>} : memref<64x512xf32, #tpu.memory_space<vmem>>, vector<1x16xf32>,
        %parallel_loop3A_251 = vector.shape_cast %parallel_loop3A_250 : vector<1x16xf32> to vector<16xf32>
        %parallel_loop3A_252 = arith.index_cast %parallel_loop3A_184 : i32 to index
        %parallel_loop3A_253 = arith.constant 112 : index
        %parallel_loop3A_254 = tpu.vector_load %arg8[%parallel_loop3A_252, %parallel_loop3A_253] {strides = array<i32>} : memref<64x512xf32, #tpu.memory_space<vmem>>, vector<1x16xf32>,
        %parallel_loop3A_255 = vector.shape_cast %parallel_loop3A_254 : vector<1x16xf32> to vector<16xf32>
        %parallel_loop3A_256 = vector.shape_cast %parallel_loop3A_251 : vector<16xf32> to vector<1x16xf32>
        tpu.vector_store %arg8[%parallel_loop3A_252, %parallel_loop3A_253], %parallel_loop3A_256 {add = true, strides = array<i32>} : memref<64x512xf32, #tpu.memory_space<vmem>>, vector<1x16xf32>,
        %parallel_loop3A_257 = arith.index_cast %parallel_loop3A_184 : i32 to index
        %parallel_loop3A_258 = arith.constant 128 : index
        %parallel_loop3A_259 = tpu.vector_load %arg7[%parallel_loop3A_257, %parallel_loop3A_258] {strides = array<i32>} : memref<64x512xf32, #tpu.memory_space<vmem>>, vector<1x16xf32>,
        %parallel_loop3A_260 = vector.shape_cast %parallel_loop3A_259 : vector<1x16xf32> to vector<16xf32>
        %parallel_loop3A_261 = arith.index_cast %parallel_loop3A_184 : i32 to index
        %parallel_loop3A_262 = arith.constant 128 : index
        %parallel_loop3A_263 = tpu.vector_load %arg8[%parallel_loop3A_261, %parallel_loop3A_262] {strides = array<i32>} : memref<64x512xf32, #tpu.memory_space<vmem>>, vector<1x16xf32>,
        %parallel_loop3A_264 = vector.shape_cast %parallel_loop3A_263 : vector<1x16xf32> to vector<16xf32>
        %parallel_loop3A_265 = vector.shape_cast %parallel_loop3A_260 : vector<16xf32> to vector<1x16xf32>
        tpu.vector_store %arg8[%parallel_loop3A_261, %parallel_loop3A_262], %parallel_loop3A_265 {add = true, strides = array<i32>} : memref<64x512xf32, #tpu.memory_space<vmem>>, vector<1x16xf32>,
        %parallel_loop3A_266 = arith.index_cast %parallel_loop3A_184 : i32 to index
        %parallel_loop3A_267 = arith.constant 144 : index
        %parallel_loop3A_268 = tpu.vector_load %arg7[%parallel_loop3A_266, %parallel_loop3A_267] {strides = array<i32>} : memref<64x512xf32, #tpu.memory_space<vmem>>, vector<1x16xf32>,
        %parallel_loop3A_269 = vector.shape_cast %parallel_loop3A_268 : vector<1x16xf32> to vector<16xf32>
        %parallel_loop3A_270 = arith.index_cast %parallel_loop3A_184 : i32 to index
        %parallel_loop3A_271 = arith.constant 144 : index
        %parallel_loop3A_272 = tpu.vector_load %arg8[%parallel_loop3A_270, %parallel_loop3A_271] {strides = array<i32>} : memref<64x512xf32, #tpu.memory_space<vmem>>, vector<1x16xf32>,
        %parallel_loop3A_273 = vector.shape_cast %parallel_loop3A_272 : vector<1x16xf32> to vector<16xf32>
        %parallel_loop3A_274 = vector.shape_cast %parallel_loop3A_269 : vector<16xf32> to vector<1x16xf32>
        tpu.vector_store %arg8[%parallel_loop3A_270, %parallel_loop3A_271], %parallel_loop3A_274 {add = true, strides = array<i32>} : memref<64x512xf32, #tpu.memory_space<vmem>>, vector<1x16xf32>,
        %parallel_loop3A_275 = arith.index_cast %parallel_loop3A_184 : i32 to index
        %parallel_loop3A_276 = arith.constant 160 : index
        %parallel_loop3A_277 = tpu.vector_load %arg7[%parallel_loop3A_275, %parallel_loop3A_276] {strides = array<i32>} : memref<64x512xf32, #tpu.memory_space<vmem>>, vector<1x16xf32>,
        %parallel_loop3A_278 = vector.shape_cast %parallel_loop3A_277 : vector<1x16xf32> to vector<16xf32>
        %parallel_loop3A_279 = arith.index_cast %parallel_loop3A_184 : i32 to index
        %parallel_loop3A_280 = arith.constant 160 : index
        %parallel_loop3A_281 = tpu.vector_load %arg8[%parallel_loop3A_279, %parallel_loop3A_280] {strides = array<i32>} : memref<64x512xf32, #tpu.memory_space<vmem>>, vector<1x16xf32>,
        %parallel_loop3A_282 = vector.shape_cast %parallel_loop3A_281 : vector<1x16xf32> to vector<16xf32>
        %parallel_loop3A_283 = vector.shape_cast %parallel_loop3A_278 : vector<16xf32> to vector<1x16xf32>
        tpu.vector_store %arg8[%parallel_loop3A_279, %parallel_loop3A_280], %parallel_loop3A_283 {add = true, strides = array<i32>} : memref<64x512xf32, #tpu.memory_space<vmem>>, vector<1x16xf32>,
        %parallel_loop3A_284 = arith.index_cast %parallel_loop3A_184 : i32 to index
        %parallel_loop3A_285 = arith.constant 176 : index
        %parallel_loop3A_286 = tpu.vector_load %arg7[%parallel_loop3A_284, %parallel_loop3A_285] {strides = array<i32>} : memref<64x512xf32, #tpu.memory_space<vmem>>, vector<1x16xf32>,
        %parallel_loop3A_287 = vector.shape_cast %parallel_loop3A_286 : vector<1x16xf32> to vector<16xf32>
        %parallel_loop3A_288 = arith.index_cast %parallel_loop3A_184 : i32 to index
        %parallel_loop3A_289 = arith.constant 176 : index
        %parallel_loop3A_290 = tpu.vector_load %arg8[%parallel_loop3A_288, %parallel_loop3A_289] {strides = array<i32>} : memref<64x512xf32, #tpu.memory_space<vmem>>, vector<1x16xf32>,
        %parallel_loop3A_291 = vector.shape_cast %parallel_loop3A_290 : vector<1x16xf32> to vector<16xf32>
        %parallel_loop3A_292 = vector.shape_cast %parallel_loop3A_287 : vector<16xf32> to vector<1x16xf32>
        tpu.vector_store %arg8[%parallel_loop3A_288, %parallel_loop3A_289], %parallel_loop3A_292 {add = true, strides = array<i32>} : memref<64x512xf32, #tpu.memory_space<vmem>>, vector<1x16xf32>,
        %parallel_loop3A_293 = arith.index_cast %parallel_loop3A_184 : i32 to index
        %parallel_loop3A_294 = arith.constant 192 : index
        %parallel_loop3A_295 = tpu.vector_load %arg7[%parallel_loop3A_293, %parallel_loop3A_294] {strides = array<i32>} : memref<64x512xf32, #tpu.memory_space<vmem>>, vector<1x16xf32>,
        %parallel_loop3A_296 = vector.shape_cast %parallel_loop3A_295 : vector<1x16xf32> to vector<16xf32>
        %parallel_loop3A_297 = arith.index_cast %parallel_loop3A_184 : i32 to index
        %parallel_loop3A_298 = arith.constant 192 : index
        %parallel_loop3A_299 = tpu.vector_load %arg8[%parallel_loop3A_297, %parallel_loop3A_298] {strides = array<i32>} : memref<64x512xf32, #tpu.memory_space<vmem>>, vector<1x16xf32>,
        %parallel_loop3A_300 = vector.shape_cast %parallel_loop3A_299 : vector<1x16xf32> to vector<16xf32>
        %parallel_loop3A_301 = vector.shape_cast %parallel_loop3A_296 : vector<16xf32> to vector<1x16xf32>
        tpu.vector_store %arg8[%parallel_loop3A_297, %parallel_loop3A_298], %parallel_loop3A_301 {add = true, strides = array<i32>} : memref<64x512xf32, #tpu.memory_space<vmem>>, vector<1x16xf32>,
        %parallel_loop3A_302 = arith.index_cast %parallel_loop3A_184 : i32 to index
        %parallel_loop3A_303 = arith.constant 208 : index
        %parallel_loop3A_304 = tpu.vector_load %arg7[%parallel_loop3A_302, %parallel_loop3A_303] {strides = array<i32>} : memref<64x512xf32, #tpu.memory_space<vmem>>, vector<1x16xf32>,
        %parallel_loop3A_305 = vector.shape_cast %parallel_loop3A_304 : vector<1x16xf32> to vector<16xf32>
        %parallel_loop3A_306 = arith.index_cast %parallel_loop3A_184 : i32 to index
        %parallel_loop3A_307 = arith.constant 208 : index
        %parallel_loop3A_308 = tpu.vector_load %arg8[%parallel_loop3A_306, %parallel_loop3A_307] {strides = array<i32>} : memref<64x512xf32, #tpu.memory_space<vmem>>, vector<1x16xf32>,
        %parallel_loop3A_309 = vector.shape_cast %parallel_loop3A_308 : vector<1x16xf32> to vector<16xf32>
        %parallel_loop3A_310 = vector.shape_cast %parallel_loop3A_305 : vector<16xf32> to vector<1x16xf32>
        tpu.vector_store %arg8[%parallel_loop3A_306, %parallel_loop3A_307], %parallel_loop3A_310 {add = true, strides = array<i32>} : memref<64x512xf32, #tpu.memory_space<vmem>>, vector<1x16xf32>,
        %parallel_loop3A_311 = arith.index_cast %parallel_loop3A_184 : i32 to index
        %parallel_loop3A_312 = arith.constant 224 : index
        %parallel_loop3A_313 = tpu.vector_load %arg7[%parallel_loop3A_311, %parallel_loop3A_312] {strides = array<i32>} : memref<64x512xf32, #tpu.memory_space<vmem>>, vector<1x16xf32>,
        %parallel_loop3A_314 = vector.shape_cast %parallel_loop3A_313 : vector<1x16xf32> to vector<16xf32>
        %parallel_loop3A_315 = arith.index_cast %parallel_loop3A_184 : i32 to index
        %parallel_loop3A_316 = arith.constant 224 : index
        %parallel_loop3A_317 = tpu.vector_load %arg8[%parallel_loop3A_315, %parallel_loop3A_316] {strides = array<i32>} : memref<64x512xf32, #tpu.memory_space<vmem>>, vector<1x16xf32>,
        %parallel_loop3A_318 = vector.shape_cast %parallel_loop3A_317 : vector<1x16xf32> to vector<16xf32>
        %parallel_loop3A_319 = vector.shape_cast %parallel_loop3A_314 : vector<16xf32> to vector<1x16xf32>
        tpu.vector_store %arg8[%parallel_loop3A_315, %parallel_loop3A_316], %parallel_loop3A_319 {add = true, strides = array<i32>} : memref<64x512xf32, #tpu.memory_space<vmem>>, vector<1x16xf32>,
        %parallel_loop3A_320 = arith.index_cast %parallel_loop3A_184 : i32 to index
        %parallel_loop3A_321 = arith.constant 240 : index
        %parallel_loop3A_322 = tpu.vector_load %arg7[%parallel_loop3A_320, %parallel_loop3A_321] {strides = array<i32>} : memref<64x512xf32, #tpu.memory_space<vmem>>, vector<1x16xf32>,
        %parallel_loop3A_323 = vector.shape_cast %parallel_loop3A_322 : vector<1x16xf32> to vector<16xf32>
        %parallel_loop3A_324 = arith.index_cast %parallel_loop3A_184 : i32 to index
        %parallel_loop3A_325 = arith.constant 240 : index
        %parallel_loop3A_326 = tpu.vector_load %arg8[%parallel_loop3A_324, %parallel_loop3A_325] {strides = array<i32>} : memref<64x512xf32, #tpu.memory_space<vmem>>, vector<1x16xf32>,
        %parallel_loop3A_327 = vector.shape_cast %parallel_loop3A_326 : vector<1x16xf32> to vector<16xf32>
        %parallel_loop3A_328 = vector.shape_cast %parallel_loop3A_323 : vector<16xf32> to vector<1x16xf32>
        tpu.vector_store %arg8[%parallel_loop3A_324, %parallel_loop3A_325], %parallel_loop3A_328 {add = true, strides = array<i32>} : memref<64x512xf32, #tpu.memory_space<vmem>>, vector<1x16xf32>,
        %parallel_loop3A_329 = arith.index_cast %parallel_loop3A_184 : i32 to index
        %parallel_loop3A_330 = arith.constant 256 : index
        %parallel_loop3A_331 = tpu.vector_load %arg7[%parallel_loop3A_329, %parallel_loop3A_330] {strides = array<i32>} : memref<64x512xf32, #tpu.memory_space<vmem>>, vector<1x16xf32>,
        %parallel_loop3A_332 = vector.shape_cast %parallel_loop3A_331 : vector<1x16xf32> to vector<16xf32>
        %parallel_loop3A_333 = arith.index_cast %parallel_loop3A_184 : i32 to index
        %parallel_loop3A_334 = arith.constant 256 : index
        %parallel_loop3A_335 = tpu.vector_load %arg8[%parallel_loop3A_333, %parallel_loop3A_334] {strides = array<i32>} : memref<64x512xf32, #tpu.memory_space<vmem>>, vector<1x16xf32>,
        %parallel_loop3A_336 = vector.shape_cast %parallel_loop3A_335 : vector<1x16xf32> to vector<16xf32>
        %parallel_loop3A_337 = vector.shape_cast %parallel_loop3A_332 : vector<16xf32> to vector<1x16xf32>
        tpu.vector_store %arg8[%parallel_loop3A_333, %parallel_loop3A_334], %parallel_loop3A_337 {add = true, strides = array<i32>} : memref<64x512xf32, #tpu.memory_space<vmem>>, vector<1x16xf32>,
        %parallel_loop3A_338 = arith.index_cast %parallel_loop3A_184 : i32 to index
        %parallel_loop3A_339 = arith.constant 272 : index
        %parallel_loop3A_340 = tpu.vector_load %arg7[%parallel_loop3A_338, %parallel_loop3A_339] {strides = array<i32>} : memref<64x512xf32, #tpu.memory_space<vmem>>, vector<1x16xf32>,
        %parallel_loop3A_341 = vector.shape_cast %parallel_loop3A_340 : vector<1x16xf32> to vector<16xf32>
        %parallel_loop3A_342 = arith.index_cast %parallel_loop3A_184 : i32 to index
        %parallel_loop3A_343 = arith.constant 272 : index
        %parallel_loop3A_344 = tpu.vector_load %arg8[%parallel_loop3A_342, %parallel_loop3A_343] {strides = array<i32>} : memref<64x512xf32, #tpu.memory_space<vmem>>, vector<1x16xf32>,
        %parallel_loop3A_345 = vector.shape_cast %parallel_loop3A_344 : vector<1x16xf32> to vector<16xf32>
        %parallel_loop3A_346 = vector.shape_cast %parallel_loop3A_341 : vector<16xf32> to vector<1x16xf32>
        tpu.vector_store %arg8[%parallel_loop3A_342, %parallel_loop3A_343], %parallel_loop3A_346 {add = true, strides = array<i32>} : memref<64x512xf32, #tpu.memory_space<vmem>>, vector<1x16xf32>,
        %parallel_loop3A_347 = arith.index_cast %parallel_loop3A_184 : i32 to index
        %parallel_loop3A_348 = arith.constant 288 : index
        %parallel_loop3A_349 = tpu.vector_load %arg7[%parallel_loop3A_347, %parallel_loop3A_348] {strides = array<i32>} : memref<64x512xf32, #tpu.memory_space<vmem>>, vector<1x16xf32>,
        %parallel_loop3A_350 = vector.shape_cast %parallel_loop3A_349 : vector<1x16xf32> to vector<16xf32>
        %parallel_loop3A_351 = arith.index_cast %parallel_loop3A_184 : i32 to index
        %parallel_loop3A_352 = arith.constant 288 : index
        %parallel_loop3A_353 = tpu.vector_load %arg8[%parallel_loop3A_351, %parallel_loop3A_352] {strides = array<i32>} : memref<64x512xf32, #tpu.memory_space<vmem>>, vector<1x16xf32>,
        %parallel_loop3A_354 = vector.shape_cast %parallel_loop3A_353 : vector<1x16xf32> to vector<16xf32>
        %parallel_loop3A_355 = vector.shape_cast %parallel_loop3A_350 : vector<16xf32> to vector<1x16xf32>
        tpu.vector_store %arg8[%parallel_loop3A_351, %parallel_loop3A_352], %parallel_loop3A_355 {add = true, strides = array<i32>} : memref<64x512xf32, #tpu.memory_space<vmem>>, vector<1x16xf32>,
        %parallel_loop3A_356 = arith.index_cast %parallel_loop3A_184 : i32 to index
        %parallel_loop3A_357 = arith.constant 304 : index
        %parallel_loop3A_358 = tpu.vector_load %arg7[%parallel_loop3A_356, %parallel_loop3A_357] {strides = array<i32>} : memref<64x512xf32, #tpu.memory_space<vmem>>, vector<1x16xf32>,
        %parallel_loop3A_359 = vector.shape_cast %parallel_loop3A_358 : vector<1x16xf32> to vector<16xf32>
        %parallel_loop3A_360 = arith.index_cast %parallel_loop3A_184 : i32 to index
        %parallel_loop3A_361 = arith.constant 304 : index
        %parallel_loop3A_362 = tpu.vector_load %arg8[%parallel_loop3A_360, %parallel_loop3A_361] {strides = array<i32>} : memref<64x512xf32, #tpu.memory_space<vmem>>, vector<1x16xf32>,
        %parallel_loop3A_363 = vector.shape_cast %parallel_loop3A_362 : vector<1x16xf32> to vector<16xf32>
        %parallel_loop3A_364 = vector.shape_cast %parallel_loop3A_359 : vector<16xf32> to vector<1x16xf32>
        tpu.vector_store %arg8[%parallel_loop3A_360, %parallel_loop3A_361], %parallel_loop3A_364 {add = true, strides = array<i32>} : memref<64x512xf32, #tpu.memory_space<vmem>>, vector<1x16xf32>,
        %parallel_loop3A_365 = arith.index_cast %parallel_loop3A_184 : i32 to index
        %parallel_loop3A_366 = arith.constant 320 : index
        %parallel_loop3A_367 = tpu.vector_load %arg7[%parallel_loop3A_365, %parallel_loop3A_366] {strides = array<i32>} : memref<64x512xf32, #tpu.memory_space<vmem>>, vector<1x16xf32>,
        %parallel_loop3A_368 = vector.shape_cast %parallel_loop3A_367 : vector<1x16xf32> to vector<16xf32>
        %parallel_loop3A_369 = arith.index_cast %parallel_loop3A_184 : i32 to index
        %parallel_loop3A_370 = arith.constant 320 : index
        %parallel_loop3A_371 = tpu.vector_load %arg8[%parallel_loop3A_369, %parallel_loop3A_370] {strides = array<i32>} : memref<64x512xf32, #tpu.memory_space<vmem>>, vector<1x16xf32>,
        %parallel_loop3A_372 = vector.shape_cast %parallel_loop3A_371 : vector<1x16xf32> to vector<16xf32>
        %parallel_loop3A_373 = vector.shape_cast %parallel_loop3A_368 : vector<16xf32> to vector<1x16xf32>
        tpu.vector_store %arg8[%parallel_loop3A_369, %parallel_loop3A_370], %parallel_loop3A_373 {add = true, strides = array<i32>} : memref<64x512xf32, #tpu.memory_space<vmem>>, vector<1x16xf32>,
        %parallel_loop3A_374 = arith.index_cast %parallel_loop3A_184 : i32 to index
        %parallel_loop3A_375 = arith.constant 336 : index
        %parallel_loop3A_376 = tpu.vector_load %arg7[%parallel_loop3A_374, %parallel_loop3A_375] {strides = array<i32>} : memref<64x512xf32, #tpu.memory_space<vmem>>, vector<1x16xf32>,
        %parallel_loop3A_377 = vector.shape_cast %parallel_loop3A_376 : vector<1x16xf32> to vector<16xf32>
        %parallel_loop3A_378 = arith.index_cast %parallel_loop3A_184 : i32 to index
        %parallel_loop3A_379 = arith.constant 336 : index
        %parallel_loop3A_380 = tpu.vector_load %arg8[%parallel_loop3A_378, %parallel_loop3A_379] {strides = array<i32>} : memref<64x512xf32, #tpu.memory_space<vmem>>, vector<1x16xf32>,
        %parallel_loop3A_381 = vector.shape_cast %parallel_loop3A_380 : vector<1x16xf32> to vector<16xf32>
        %parallel_loop3A_382 = vector.shape_cast %parallel_loop3A_377 : vector<16xf32> to vector<1x16xf32>
        tpu.vector_store %arg8[%parallel_loop3A_378, %parallel_loop3A_379], %parallel_loop3A_382 {add = true, strides = array<i32>} : memref<64x512xf32, #tpu.memory_space<vmem>>, vector<1x16xf32>,
        %parallel_loop3A_383 = arith.index_cast %parallel_loop3A_184 : i32 to index
        %parallel_loop3A_384 = arith.constant 352 : index
        %parallel_loop3A_385 = tpu.vector_load %arg7[%parallel_loop3A_383, %parallel_loop3A_384] {strides = array<i32>} : memref<64x512xf32, #tpu.memory_space<vmem>>, vector<1x16xf32>,
        %parallel_loop3A_386 = vector.shape_cast %parallel_loop3A_385 : vector<1x16xf32> to vector<16xf32>
        %parallel_loop3A_387 = arith.index_cast %parallel_loop3A_184 : i32 to index
        %parallel_loop3A_388 = arith.constant 352 : index
        %parallel_loop3A_389 = tpu.vector_load %arg8[%parallel_loop3A_387, %parallel_loop3A_388] {strides = array<i32>} : memref<64x512xf32, #tpu.memory_space<vmem>>, vector<1x16xf32>,
        %parallel_loop3A_390 = vector.shape_cast %parallel_loop3A_389 : vector<1x16xf32> to vector<16xf32>
        %parallel_loop3A_391 = vector.shape_cast %parallel_loop3A_386 : vector<16xf32> to vector<1x16xf32>
        tpu.vector_store %arg8[%parallel_loop3A_387, %parallel_loop3A_388], %parallel_loop3A_391 {add = true, strides = array<i32>} : memref<64x512xf32, #tpu.memory_space<vmem>>, vector<1x16xf32>,
        %parallel_loop3A_392 = arith.index_cast %parallel_loop3A_184 : i32 to index
        %parallel_loop3A_393 = arith.constant 368 : index
        %parallel_loop3A_394 = tpu.vector_load %arg7[%parallel_loop3A_392, %parallel_loop3A_393] {strides = array<i32>} : memref<64x512xf32, #tpu.memory_space<vmem>>, vector<1x16xf32>,
        %parallel_loop3A_395 = vector.shape_cast %parallel_loop3A_394 : vector<1x16xf32> to vector<16xf32>
        %parallel_loop3A_396 = arith.index_cast %parallel_loop3A_184 : i32 to index
        %parallel_loop3A_397 = arith.constant 368 : index
        %parallel_loop3A_398 = tpu.vector_load %arg8[%parallel_loop3A_396, %parallel_loop3A_397] {strides = array<i32>} : memref<64x512xf32, #tpu.memory_space<vmem>>, vector<1x16xf32>,
        %parallel_loop3A_399 = vector.shape_cast %parallel_loop3A_398 : vector<1x16xf32> to vector<16xf32>
        %parallel_loop3A_400 = vector.shape_cast %parallel_loop3A_395 : vector<16xf32> to vector<1x16xf32>
        tpu.vector_store %arg8[%parallel_loop3A_396, %parallel_loop3A_397], %parallel_loop3A_400 {add = true, strides = array<i32>} : memref<64x512xf32, #tpu.memory_space<vmem>>, vector<1x16xf32>,
        %parallel_loop3A_401 = arith.index_cast %parallel_loop3A_184 : i32 to index
        %parallel_loop3A_402 = arith.constant 384 : index
        %parallel_loop3A_403 = tpu.vector_load %arg7[%parallel_loop3A_401, %parallel_loop3A_402] {strides = array<i32>} : memref<64x512xf32, #tpu.memory_space<vmem>>, vector<1x16xf32>,
        %parallel_loop3A_404 = vector.shape_cast %parallel_loop3A_403 : vector<1x16xf32> to vector<16xf32>
        %parallel_loop3A_405 = arith.index_cast %parallel_loop3A_184 : i32 to index
        %parallel_loop3A_406 = arith.constant 384 : index
        %parallel_loop3A_407 = tpu.vector_load %arg8[%parallel_loop3A_405, %parallel_loop3A_406] {strides = array<i32>} : memref<64x512xf32, #tpu.memory_space<vmem>>, vector<1x16xf32>,
        %parallel_loop3A_408 = vector.shape_cast %parallel_loop3A_407 : vector<1x16xf32> to vector<16xf32>
        %parallel_loop3A_409 = vector.shape_cast %parallel_loop3A_404 : vector<16xf32> to vector<1x16xf32>
        tpu.vector_store %arg8[%parallel_loop3A_405, %parallel_loop3A_406], %parallel_loop3A_409 {add = true, strides = array<i32>} : memref<64x512xf32, #tpu.memory_space<vmem>>, vector<1x16xf32>,
        %parallel_loop3A_410 = arith.index_cast %parallel_loop3A_184 : i32 to index
        %parallel_loop3A_411 = arith.constant 400 : index
        %parallel_loop3A_412 = tpu.vector_load %arg7[%parallel_loop3A_410, %parallel_loop3A_411] {strides = array<i32>} : memref<64x512xf32, #tpu.memory_space<vmem>>, vector<1x16xf32>,
        %parallel_loop3A_413 = vector.shape_cast %parallel_loop3A_412 : vector<1x16xf32> to vector<16xf32>
        %parallel_loop3A_414 = arith.index_cast %parallel_loop3A_184 : i32 to index
        %parallel_loop3A_415 = arith.constant 400 : index
        %parallel_loop3A_416 = tpu.vector_load %arg8[%parallel_loop3A_414, %parallel_loop3A_415] {strides = array<i32>} : memref<64x512xf32, #tpu.memory_space<vmem>>, vector<1x16xf32>,
        %parallel_loop3A_417 = vector.shape_cast %parallel_loop3A_416 : vector<1x16xf32> to vector<16xf32>
        %parallel_loop3A_418 = vector.shape_cast %parallel_loop3A_413 : vector<16xf32> to vector<1x16xf32>
        tpu.vector_store %arg8[%parallel_loop3A_414, %parallel_loop3A_415], %parallel_loop3A_418 {add = true, strides = array<i32>} : memref<64x512xf32, #tpu.memory_space<vmem>>, vector<1x16xf32>,
        %parallel_loop3A_419 = arith.index_cast %parallel_loop3A_184 : i32 to index
        %parallel_loop3A_420 = arith.constant 416 : index
        %parallel_loop3A_421 = tpu.vector_load %arg7[%parallel_loop3A_419, %parallel_loop3A_420] {strides = array<i32>} : memref<64x512xf32, #tpu.memory_space<vmem>>, vector<1x16xf32>,
        %parallel_loop3A_422 = vector.shape_cast %parallel_loop3A_421 : vector<1x16xf32> to vector<16xf32>
        %parallel_loop3A_423 = arith.index_cast %parallel_loop3A_184 : i32 to index
        %parallel_loop3A_424 = arith.constant 416 : index
        %parallel_loop3A_425 = tpu.vector_load %arg8[%parallel_loop3A_423, %parallel_loop3A_424] {strides = array<i32>} : memref<64x512xf32, #tpu.memory_space<vmem>>, vector<1x16xf32>,
        %parallel_loop3A_426 = vector.shape_cast %parallel_loop3A_425 : vector<1x16xf32> to vector<16xf32>
        %parallel_loop3A_427 = vector.shape_cast %parallel_loop3A_422 : vector<16xf32> to vector<1x16xf32>
        tpu.vector_store %arg8[%parallel_loop3A_423, %parallel_loop3A_424], %parallel_loop3A_427 {add = true, strides = array<i32>} : memref<64x512xf32, #tpu.memory_space<vmem>>, vector<1x16xf32>,
        %parallel_loop3A_428 = arith.index_cast %parallel_loop3A_184 : i32 to index
        %parallel_loop3A_429 = arith.constant 432 : index
        %parallel_loop3A_430 = tpu.vector_load %arg7[%parallel_loop3A_428, %parallel_loop3A_429] {strides = array<i32>} : memref<64x512xf32, #tpu.memory_space<vmem>>, vector<1x16xf32>,
        %parallel_loop3A_431 = vector.shape_cast %parallel_loop3A_430 : vector<1x16xf32> to vector<16xf32>
        %parallel_loop3A_432 = arith.index_cast %parallel_loop3A_184 : i32 to index
        %parallel_loop3A_433 = arith.constant 432 : index
        %parallel_loop3A_434 = tpu.vector_load %arg8[%parallel_loop3A_432, %parallel_loop3A_433] {strides = array<i32>} : memref<64x512xf32, #tpu.memory_space<vmem>>, vector<1x16xf32>,
        %parallel_loop3A_435 = vector.shape_cast %parallel_loop3A_434 : vector<1x16xf32> to vector<16xf32>
        %parallel_loop3A_436 = vector.shape_cast %parallel_loop3A_431 : vector<16xf32> to vector<1x16xf32>
        tpu.vector_store %arg8[%parallel_loop3A_432, %parallel_loop3A_433], %parallel_loop3A_436 {add = true, strides = array<i32>} : memref<64x512xf32, #tpu.memory_space<vmem>>, vector<1x16xf32>,
        %parallel_loop3A_437 = arith.index_cast %parallel_loop3A_184 : i32 to index
        %parallel_loop3A_438 = arith.constant 448 : index
        %parallel_loop3A_439 = tpu.vector_load %arg7[%parallel_loop3A_437, %parallel_loop3A_438] {strides = array<i32>} : memref<64x512xf32, #tpu.memory_space<vmem>>, vector<1x16xf32>,
        %parallel_loop3A_440 = vector.shape_cast %parallel_loop3A_439 : vector<1x16xf32> to vector<16xf32>
        %parallel_loop3A_441 = arith.index_cast %parallel_loop3A_184 : i32 to index
        %parallel_loop3A_442 = arith.constant 448 : index
        %parallel_loop3A_443 = tpu.vector_load %arg8[%parallel_loop3A_441, %parallel_loop3A_442] {strides = array<i32>} : memref<64x512xf32, #tpu.memory_space<vmem>>, vector<1x16xf32>,
        %parallel_loop3A_444 = vector.shape_cast %parallel_loop3A_443 : vector<1x16xf32> to vector<16xf32>
        %parallel_loop3A_445 = vector.shape_cast %parallel_loop3A_440 : vector<16xf32> to vector<1x16xf32>
        tpu.vector_store %arg8[%parallel_loop3A_441, %parallel_loop3A_442], %parallel_loop3A_445 {add = true, strides = array<i32>} : memref<64x512xf32, #tpu.memory_space<vmem>>, vector<1x16xf32>,
        %parallel_loop3A_446 = arith.index_cast %parallel_loop3A_184 : i32 to index
        %parallel_loop3A_447 = arith.constant 464 : index
        %parallel_loop3A_448 = tpu.vector_load %arg7[%parallel_loop3A_446, %parallel_loop3A_447] {strides = array<i32>} : memref<64x512xf32, #tpu.memory_space<vmem>>, vector<1x16xf32>,
        %parallel_loop3A_449 = vector.shape_cast %parallel_loop3A_448 : vector<1x16xf32> to vector<16xf32>
        %parallel_loop3A_450 = arith.index_cast %parallel_loop3A_184 : i32 to index
        %parallel_loop3A_451 = arith.constant 464 : index
        %parallel_loop3A_452 = tpu.vector_load %arg8[%parallel_loop3A_450, %parallel_loop3A_451] {strides = array<i32>} : memref<64x512xf32, #tpu.memory_space<vmem>>, vector<1x16xf32>,
        %parallel_loop3A_453 = vector.shape_cast %parallel_loop3A_452 : vector<1x16xf32> to vector<16xf32>
        %parallel_loop3A_454 = vector.shape_cast %parallel_loop3A_449 : vector<16xf32> to vector<1x16xf32>
        tpu.vector_store %arg8[%parallel_loop3A_450, %parallel_loop3A_451], %parallel_loop3A_454 {add = true, strides = array<i32>} : memref<64x512xf32, #tpu.memory_space<vmem>>, vector<1x16xf32>,
        %parallel_loop3A_455 = arith.index_cast %parallel_loop3A_184 : i32 to index
        %parallel_loop3A_456 = arith.constant 480 : index
        %parallel_loop3A_457 = tpu.vector_load %arg7[%parallel_loop3A_455, %parallel_loop3A_456] {strides = array<i32>} : memref<64x512xf32, #tpu.memory_space<vmem>>, vector<1x16xf32>,
        %parallel_loop3A_458 = vector.shape_cast %parallel_loop3A_457 : vector<1x16xf32> to vector<16xf32>
        %parallel_loop3A_459 = arith.index_cast %parallel_loop3A_184 : i32 to index
        %parallel_loop3A_460 = arith.constant 480 : index
        %parallel_loop3A_461 = tpu.vector_load %arg8[%parallel_loop3A_459, %parallel_loop3A_460] {strides = array<i32>} : memref<64x512xf32, #tpu.memory_space<vmem>>, vector<1x16xf32>,
        %parallel_loop3A_462 = vector.shape_cast %parallel_loop3A_461 : vector<1x16xf32> to vector<16xf32>
        %parallel_loop3A_463 = vector.shape_cast %parallel_loop3A_458 : vector<16xf32> to vector<1x16xf32>
        tpu.vector_store %arg8[%parallel_loop3A_459, %parallel_loop3A_460], %parallel_loop3A_463 {add = true, strides = array<i32>} : memref<64x512xf32, #tpu.memory_space<vmem>>, vector<1x16xf32>,
        %parallel_loop3A_464 = arith.index_cast %parallel_loop3A_184 : i32 to index
        %parallel_loop3A_465 = arith.constant 496 : index
        %parallel_loop3A_466 = tpu.vector_load %arg7[%parallel_loop3A_464, %parallel_loop3A_465] {strides = array<i32>} : memref<64x512xf32, #tpu.memory_space<vmem>>, vector<1x16xf32>,
        %parallel_loop3A_467 = vector.shape_cast %parallel_loop3A_466 : vector<1x16xf32> to vector<16xf32>
        %parallel_loop3A_468 = arith.index_cast %parallel_loop3A_184 : i32 to index
        %parallel_loop3A_469 = arith.constant 496 : index
        %parallel_loop3A_470 = tpu.vector_load %arg8[%parallel_loop3A_468, %parallel_loop3A_469] {strides = array<i32>} : memref<64x512xf32, #tpu.memory_space<vmem>>, vector<1x16xf32>,
        %parallel_loop3A_471 = vector.shape_cast %parallel_loop3A_470 : vector<1x16xf32> to vector<16xf32>
        %parallel_loop3A_472 = vector.shape_cast %parallel_loop3A_467 : vector<16xf32> to vector<1x16xf32>
        tpu.vector_store %arg8[%parallel_loop3A_468, %parallel_loop3A_469], %parallel_loop3A_472 {add = true, strides = array<i32>} : memref<64x512xf32, #tpu.memory_space<vmem>>, vector<1x16xf32>,
      } {sc.loop_unroll_factor = 1 : i64, sc.parallel_access}
      %add3A_116 = arith.constant 0 : i32
      %add3A_117 = arith.addi %add3A_86, %add3A_116 : i32
      %mul3A_118 = arith.constant 2048 : i32
      %mul3A_119 = arith.muli %add3A_117, %mul3A_118 : i32
      %add3A_120 = arith.addi %mul3A_119, %mul3A_2 : i32
      %add3A_121 = arith.constant 32 : i32
      %add3A_122 = arith.addi %add3A_120, %add3A_121 : i32
      %dma_start3A_123 = arith.constant 32 : i32
      %dma_start3A_124 = arith.constant 0 : i32
      %dma_start3A_125 = tpu.memref_slice %arg8[%dma_start3A_123, %dma_start3A_124] : memref<64x512xf32, #tpu.memory_space<vmem>> -> memref<32x512xf32, #tpu.memory_space<vmem>>
      %dma_start3A_126 = arith.constant 0 : i32
      %dma_start3A_127 = tpu.memref_slice %arg5[%add3A_122, %dma_start3A_126] : memref<8192x512xf32, #tpu.memory_space<hbm>> -> memref<32x512xf32, #tpu.memory_space<hbm>>
      %dma_start3A_128 = arith.constant 0 : i32
      %dma_start3A_129 = tpu.memref_slice %arg5[%add3A_122, %dma_start3A_128] : memref<8192x512xf32, #tpu.memory_space<hbm>> -> memref<32x512xf32, #tpu.memory_space<hbm>>
      %dma_start3A_130 = arith.constant 32 : i32
      %dma_start3A_131 = arith.constant 0 : i32
      %dma_start3A_132 = tpu.memref_slice %arg8[%dma_start3A_130, %dma_start3A_131] : memref<64x512xf32, #tpu.memory_space<vmem>> -> memref<32x512xf32, #tpu.memory_space<vmem>>
      tpu.enqueue_dma source(%dma_start3A_132 : memref<32x512xf32, #tpu.memory_space<vmem>>) target(%dma_start3A_129 : memref<32x512xf32, #tpu.memory_space<hbm>>) target_semaphore(%arg12 : memref<!tpu.dma_semaphore, #tpu.memory_space<semaphore_mem>>)
      %dma_wait3A_133 = arith.constant 0 : i32
      %dma_wait3A_134 = arith.constant 0 : i32
      %dma_wait3A_135 = tpu.memref_slice %arg6[%dma_wait3A_133, %dma_wait3A_134] : memref<4x64xi32, #tpu.memory_space<vmem>> -> memref<1x64xi32, #tpu.memory_space<vmem>>
      %dma_wait3A_136 = tpu.memref_squeeze %dma_wait3A_135 : memref<1x64xi32, #tpu.memory_space<vmem>> -> memref<64xi32, #tpu.memory_space<vmem>>
      %dma_wait3A_137 = arith.constant 0 : i32
      %dma_wait3A_138 = arith.constant 0 : i32
      %dma_wait3A_139 = tpu.memref_slice %arg3[%dma_wait3A_137, %dma_wait3A_138] : memref<100000x512xf32, #tpu.memory_space<hbm>> -> memref<100000x512xf32, #tpu.memory_space<hbm>>
      tpu.wait_indirect_dma semaphore(%arg11 : memref<!tpu.dma_semaphore, #tpu.memory_space<semaphore_mem>>) src(%dma_wait3A_139 : memref<100000x512xf32, #tpu.memory_space<hbm>>) dst(%arg9 : memref<64x512xf32, #tpu.memory_space<vmem>>)
      %parallel_loop3A_140 = arith.constant 0 : i32
      %parallel_loop3A_141 = arith.constant 32 : i32
      %parallel_loop3A_142 = arith.constant 1 : i32
      scf.for %parallel_loop3A_184 = %parallel_loop3A_140 to %parallel_loop3A_141 step %parallel_loop3A_142  : i32 {
        %parallel_loop3A_185 = arith.index_cast %parallel_loop3A_184 : i32 to index
        %parallel_loop3A_186 = arith.constant 0 : index
        %parallel_loop3A_187 = tpu.vector_load %arg7[%parallel_loop3A_185, %parallel_loop3A_186] {strides = array<i32>} : memref<64x512xf32, #tpu.memory_space<vmem>>, vector<1x16xf32>,
        %parallel_loop3A_188 = vector.shape_cast %parallel_loop3A_187 : vector<1x16xf32> to vector<16xf32>
        %parallel_loop3A_189 = arith.index_cast %parallel_loop3A_184 : i32 to index
        %parallel_loop3A_190 = arith.constant 0 : index
        %parallel_loop3A_191 = tpu.vector_load %arg9[%parallel_loop3A_189, %parallel_loop3A_190] {strides = array<i32>} : memref<64x512xf32, #tpu.memory_space<vmem>>, vector<1x16xf32>,
        %parallel_loop3A_192 = vector.shape_cast %parallel_loop3A_191 : vector<1x16xf32> to vector<16xf32>
        %parallel_loop3A_193 = vector.shape_cast %parallel_loop3A_188 : vector<16xf32> to vector<1x16xf32>
        tpu.vector_store %arg9[%parallel_loop3A_189, %parallel_loop3A_190], %parallel_loop3A_193 {add = true, strides = array<i32>} : memref<64x512xf32, #tpu.memory_space<vmem>>, vector<1x16xf32>,
        %parallel_loop3A_194 = arith.index_cast %parallel_loop3A_184 : i32 to index
        %parallel_loop3A_195 = arith.constant 16 : index
        %parallel_loop3A_196 = tpu.vector_load %arg7[%parallel_loop3A_194, %parallel_loop3A_195] {strides = array<i32>} : memref<64x512xf32, #tpu.memory_space<vmem>>, vector<1x16xf32>,
        %parallel_loop3A_197 = vector.shape_cast %parallel_loop3A_196 : vector<1x16xf32> to vector<16xf32>
        %parallel_loop3A_198 = arith.index_cast %parallel_loop3A_184 : i32 to index
        %parallel_loop3A_199 = arith.constant 16 : index
        %parallel_loop3A_200 = tpu.vector_load %arg9[%parallel_loop3A_198, %parallel_loop3A_199] {strides = array<i32>} : memref<64x512xf32, #tpu.memory_space<vmem>>, vector<1x16xf32>,
        %parallel_loop3A_201 = vector.shape_cast %parallel_loop3A_200 : vector<1x16xf32> to vector<16xf32>
        %parallel_loop3A_202 = vector.shape_cast %parallel_loop3A_197 : vector<16xf32> to vector<1x16xf32>
        tpu.vector_store %arg9[%parallel_loop3A_198, %parallel_loop3A_199], %parallel_loop3A_202 {add = true, strides = array<i32>} : memref<64x512xf32, #tpu.memory_space<vmem>>, vector<1x16xf32>,
        %parallel_loop3A_203 = arith.index_cast %parallel_loop3A_184 : i32 to index
        %parallel_loop3A_204 = arith.constant 32 : index
        %parallel_loop3A_205 = tpu.vector_load %arg7[%parallel_loop3A_203, %parallel_loop3A_204] {strides = array<i32>} : memref<64x512xf32, #tpu.memory_space<vmem>>, vector<1x16xf32>,
        %parallel_loop3A_206 = vector.shape_cast %parallel_loop3A_205 : vector<1x16xf32> to vector<16xf32>
        %parallel_loop3A_207 = arith.index_cast %parallel_loop3A_184 : i32 to index
        %parallel_loop3A_208 = arith.constant 32 : index
        %parallel_loop3A_209 = tpu.vector_load %arg9[%parallel_loop3A_207, %parallel_loop3A_208] {strides = array<i32>} : memref<64x512xf32, #tpu.memory_space<vmem>>, vector<1x16xf32>,
        %parallel_loop3A_210 = vector.shape_cast %parallel_loop3A_209 : vector<1x16xf32> to vector<16xf32>
        %parallel_loop3A_211 = vector.shape_cast %parallel_loop3A_206 : vector<16xf32> to vector<1x16xf32>
        tpu.vector_store %arg9[%parallel_loop3A_207, %parallel_loop3A_208], %parallel_loop3A_211 {add = true, strides = array<i32>} : memref<64x512xf32, #tpu.memory_space<vmem>>, vector<1x16xf32>,
        %parallel_loop3A_212 = arith.index_cast %parallel_loop3A_184 : i32 to index
        %parallel_loop3A_213 = arith.constant 48 : index
        %parallel_loop3A_214 = tpu.vector_load %arg7[%parallel_loop3A_212, %parallel_loop3A_213] {strides = array<i32>} : memref<64x512xf32, #tpu.memory_space<vmem>>, vector<1x16xf32>,
        %parallel_loop3A_215 = vector.shape_cast %parallel_loop3A_214 : vector<1x16xf32> to vector<16xf32>
        %parallel_loop3A_216 = arith.index_cast %parallel_loop3A_184 : i32 to index
        %parallel_loop3A_217 = arith.constant 48 : index
        %parallel_loop3A_218 = tpu.vector_load %arg9[%parallel_loop3A_216, %parallel_loop3A_217] {strides = array<i32>} : memref<64x512xf32, #tpu.memory_space<vmem>>, vector<1x16xf32>,
        %parallel_loop3A_219 = vector.shape_cast %parallel_loop3A_218 : vector<1x16xf32> to vector<16xf32>
        %parallel_loop3A_220 = vector.shape_cast %parallel_loop3A_215 : vector<16xf32> to vector<1x16xf32>
        tpu.vector_store %arg9[%parallel_loop3A_216, %parallel_loop3A_217], %parallel_loop3A_220 {add = true, strides = array<i32>} : memref<64x512xf32, #tpu.memory_space<vmem>>, vector<1x16xf32>,
        %parallel_loop3A_221 = arith.index_cast %parallel_loop3A_184 : i32 to index
        %parallel_loop3A_222 = arith.constant 64 : index
        %parallel_loop3A_223 = tpu.vector_load %arg7[%parallel_loop3A_221, %parallel_loop3A_222] {strides = array<i32>} : memref<64x512xf32, #tpu.memory_space<vmem>>, vector<1x16xf32>,
        %parallel_loop3A_224 = vector.shape_cast %parallel_loop3A_223 : vector<1x16xf32> to vector<16xf32>
        %parallel_loop3A_225 = arith.index_cast %parallel_loop3A_184 : i32 to index
        %parallel_loop3A_226 = arith.constant 64 : index
        %parallel_loop3A_227 = tpu.vector_load %arg9[%parallel_loop3A_225, %parallel_loop3A_226] {strides = array<i32>} : memref<64x512xf32, #tpu.memory_space<vmem>>, vector<1x16xf32>,
        %parallel_loop3A_228 = vector.shape_cast %parallel_loop3A_227 : vector<1x16xf32> to vector<16xf32>
        %parallel_loop3A_229 = vector.shape_cast %parallel_loop3A_224 : vector<16xf32> to vector<1x16xf32>
        tpu.vector_store %arg9[%parallel_loop3A_225, %parallel_loop3A_226], %parallel_loop3A_229 {add = true, strides = array<i32>} : memref<64x512xf32, #tpu.memory_space<vmem>>, vector<1x16xf32>,
        %parallel_loop3A_230 = arith.index_cast %parallel_loop3A_184 : i32 to index
        %parallel_loop3A_231 = arith.constant 80 : index
        %parallel_loop3A_232 = tpu.vector_load %arg7[%parallel_loop3A_230, %parallel_loop3A_231] {strides = array<i32>} : memref<64x512xf32, #tpu.memory_space<vmem>>, vector<1x16xf32>,
        %parallel_loop3A_233 = vector.shape_cast %parallel_loop3A_232 : vector<1x16xf32> to vector<16xf32>
        %parallel_loop3A_234 = arith.index_cast %parallel_loop3A_184 : i32 to index
        %parallel_loop3A_235 = arith.constant 80 : index
        %parallel_loop3A_236 = tpu.vector_load %arg9[%parallel_loop3A_234, %parallel_loop3A_235] {strides = array<i32>} : memref<64x512xf32, #tpu.memory_space<vmem>>, vector<1x16xf32>,
        %parallel_loop3A_237 = vector.shape_cast %parallel_loop3A_236 : vector<1x16xf32> to vector<16xf32>
        %parallel_loop3A_238 = vector.shape_cast %parallel_loop3A_233 : vector<16xf32> to vector<1x16xf32>
        tpu.vector_store %arg9[%parallel_loop3A_234, %parallel_loop3A_235], %parallel_loop3A_238 {add = true, strides = array<i32>} : memref<64x512xf32, #tpu.memory_space<vmem>>, vector<1x16xf32>,
        %parallel_loop3A_239 = arith.index_cast %parallel_loop3A_184 : i32 to index
        %parallel_loop3A_240 = arith.constant 96 : index
        %parallel_loop3A_241 = tpu.vector_load %arg7[%parallel_loop3A_239, %parallel_loop3A_240] {strides = array<i32>} : memref<64x512xf32, #tpu.memory_space<vmem>>, vector<1x16xf32>,
        %parallel_loop3A_242 = vector.shape_cast %parallel_loop3A_241 : vector<1x16xf32> to vector<16xf32>
        %parallel_loop3A_243 = arith.index_cast %parallel_loop3A_184 : i32 to index
        %parallel_loop3A_244 = arith.constant 96 : index
        %parallel_loop3A_245 = tpu.vector_load %arg9[%parallel_loop3A_243, %parallel_loop3A_244] {strides = array<i32>} : memref<64x512xf32, #tpu.memory_space<vmem>>, vector<1x16xf32>,
        %parallel_loop3A_246 = vector.shape_cast %parallel_loop3A_245 : vector<1x16xf32> to vector<16xf32>
        %parallel_loop3A_247 = vector.shape_cast %parallel_loop3A_242 : vector<16xf32> to vector<1x16xf32>
        tpu.vector_store %arg9[%parallel_loop3A_243, %parallel_loop3A_244], %parallel_loop3A_247 {add = true, strides = array<i32>} : memref<64x512xf32, #tpu.memory_space<vmem>>, vector<1x16xf32>,
        %parallel_loop3A_248 = arith.index_cast %parallel_loop3A_184 : i32 to index
        %parallel_loop3A_249 = arith.constant 112 : index
        %parallel_loop3A_250 = tpu.vector_load %arg7[%parallel_loop3A_248, %parallel_loop3A_249] {strides = array<i32>} : memref<64x512xf32, #tpu.memory_space<vmem>>, vector<1x16xf32>,
        %parallel_loop3A_251 = vector.shape_cast %parallel_loop3A_250 : vector<1x16xf32> to vector<16xf32>
        %parallel_loop3A_252 = arith.index_cast %parallel_loop3A_184 : i32 to index
        %parallel_loop3A_253 = arith.constant 112 : index
        %parallel_loop3A_254 = tpu.vector_load %arg9[%parallel_loop3A_252, %parallel_loop3A_253] {strides = array<i32>} : memref<64x512xf32, #tpu.memory_space<vmem>>, vector<1x16xf32>,
        %parallel_loop3A_255 = vector.shape_cast %parallel_loop3A_254 : vector<1x16xf32> to vector<16xf32>
        %parallel_loop3A_256 = vector.shape_cast %parallel_loop3A_251 : vector<16xf32> to vector<1x16xf32>
        tpu.vector_store %arg9[%parallel_loop3A_252, %parallel_loop3A_253], %parallel_loop3A_256 {add = true, strides = array<i32>} : memref<64x512xf32, #tpu.memory_space<vmem>>, vector<1x16xf32>,
        %parallel_loop3A_257 = arith.index_cast %parallel_loop3A_184 : i32 to index
        %parallel_loop3A_258 = arith.constant 128 : index
        %parallel_loop3A_259 = tpu.vector_load %arg7[%parallel_loop3A_257, %parallel_loop3A_258] {strides = array<i32>} : memref<64x512xf32, #tpu.memory_space<vmem>>, vector<1x16xf32>,
        %parallel_loop3A_260 = vector.shape_cast %parallel_loop3A_259 : vector<1x16xf32> to vector<16xf32>
        %parallel_loop3A_261 = arith.index_cast %parallel_loop3A_184 : i32 to index
        %parallel_loop3A_262 = arith.constant 128 : index
        %parallel_loop3A_263 = tpu.vector_load %arg9[%parallel_loop3A_261, %parallel_loop3A_262] {strides = array<i32>} : memref<64x512xf32, #tpu.memory_space<vmem>>, vector<1x16xf32>,
        %parallel_loop3A_264 = vector.shape_cast %parallel_loop3A_263 : vector<1x16xf32> to vector<16xf32>
        %parallel_loop3A_265 = vector.shape_cast %parallel_loop3A_260 : vector<16xf32> to vector<1x16xf32>
        tpu.vector_store %arg9[%parallel_loop3A_261, %parallel_loop3A_262], %parallel_loop3A_265 {add = true, strides = array<i32>} : memref<64x512xf32, #tpu.memory_space<vmem>>, vector<1x16xf32>,
        %parallel_loop3A_266 = arith.index_cast %parallel_loop3A_184 : i32 to index
        %parallel_loop3A_267 = arith.constant 144 : index
        %parallel_loop3A_268 = tpu.vector_load %arg7[%parallel_loop3A_266, %parallel_loop3A_267] {strides = array<i32>} : memref<64x512xf32, #tpu.memory_space<vmem>>, vector<1x16xf32>,
        %parallel_loop3A_269 = vector.shape_cast %parallel_loop3A_268 : vector<1x16xf32> to vector<16xf32>
        %parallel_loop3A_270 = arith.index_cast %parallel_loop3A_184 : i32 to index
        %parallel_loop3A_271 = arith.constant 144 : index
        %parallel_loop3A_272 = tpu.vector_load %arg9[%parallel_loop3A_270, %parallel_loop3A_271] {strides = array<i32>} : memref<64x512xf32, #tpu.memory_space<vmem>>, vector<1x16xf32>,
        %parallel_loop3A_273 = vector.shape_cast %parallel_loop3A_272 : vector<1x16xf32> to vector<16xf32>
        %parallel_loop3A_274 = vector.shape_cast %parallel_loop3A_269 : vector<16xf32> to vector<1x16xf32>
        tpu.vector_store %arg9[%parallel_loop3A_270, %parallel_loop3A_271], %parallel_loop3A_274 {add = true, strides = array<i32>} : memref<64x512xf32, #tpu.memory_space<vmem>>, vector<1x16xf32>,
        %parallel_loop3A_275 = arith.index_cast %parallel_loop3A_184 : i32 to index
        %parallel_loop3A_276 = arith.constant 160 : index
        %parallel_loop3A_277 = tpu.vector_load %arg7[%parallel_loop3A_275, %parallel_loop3A_276] {strides = array<i32>} : memref<64x512xf32, #tpu.memory_space<vmem>>, vector<1x16xf32>,
        %parallel_loop3A_278 = vector.shape_cast %parallel_loop3A_277 : vector<1x16xf32> to vector<16xf32>
        %parallel_loop3A_279 = arith.index_cast %parallel_loop3A_184 : i32 to index
        %parallel_loop3A_280 = arith.constant 160 : index
        %parallel_loop3A_281 = tpu.vector_load %arg9[%parallel_loop3A_279, %parallel_loop3A_280] {strides = array<i32>} : memref<64x512xf32, #tpu.memory_space<vmem>>, vector<1x16xf32>,
        %parallel_loop3A_282 = vector.shape_cast %parallel_loop3A_281 : vector<1x16xf32> to vector<16xf32>
        %parallel_loop3A_283 = vector.shape_cast %parallel_loop3A_278 : vector<16xf32> to vector<1x16xf32>
        tpu.vector_store %arg9[%parallel_loop3A_279, %parallel_loop3A_280], %parallel_loop3A_283 {add = true, strides = array<i32>} : memref<64x512xf32, #tpu.memory_space<vmem>>, vector<1x16xf32>,
        %parallel_loop3A_284 = arith.index_cast %parallel_loop3A_184 : i32 to index
        %parallel_loop3A_285 = arith.constant 176 : index
        %parallel_loop3A_286 = tpu.vector_load %arg7[%parallel_loop3A_284, %parallel_loop3A_285] {strides = array<i32>} : memref<64x512xf32, #tpu.memory_space<vmem>>, vector<1x16xf32>,
        %parallel_loop3A_287 = vector.shape_cast %parallel_loop3A_286 : vector<1x16xf32> to vector<16xf32>
        %parallel_loop3A_288 = arith.index_cast %parallel_loop3A_184 : i32 to index
        %parallel_loop3A_289 = arith.constant 176 : index
        %parallel_loop3A_290 = tpu.vector_load %arg9[%parallel_loop3A_288, %parallel_loop3A_289] {strides = array<i32>} : memref<64x512xf32, #tpu.memory_space<vmem>>, vector<1x16xf32>,
        %parallel_loop3A_291 = vector.shape_cast %parallel_loop3A_290 : vector<1x16xf32> to vector<16xf32>
        %parallel_loop3A_292 = vector.shape_cast %parallel_loop3A_287 : vector<16xf32> to vector<1x16xf32>
        tpu.vector_store %arg9[%parallel_loop3A_288, %parallel_loop3A_289], %parallel_loop3A_292 {add = true, strides = array<i32>} : memref<64x512xf32, #tpu.memory_space<vmem>>, vector<1x16xf32>,
        %parallel_loop3A_293 = arith.index_cast %parallel_loop3A_184 : i32 to index
        %parallel_loop3A_294 = arith.constant 192 : index
        %parallel_loop3A_295 = tpu.vector_load %arg7[%parallel_loop3A_293, %parallel_loop3A_294] {strides = array<i32>} : memref<64x512xf32, #tpu.memory_space<vmem>>, vector<1x16xf32>,
        %parallel_loop3A_296 = vector.shape_cast %parallel_loop3A_295 : vector<1x16xf32> to vector<16xf32>
        %parallel_loop3A_297 = arith.index_cast %parallel_loop3A_184 : i32 to index
        %parallel_loop3A_298 = arith.constant 192 : index
        %parallel_loop3A_299 = tpu.vector_load %arg9[%parallel_loop3A_297, %parallel_loop3A_298] {strides = array<i32>} : memref<64x512xf32, #tpu.memory_space<vmem>>, vector<1x16xf32>,
        %parallel_loop3A_300 = vector.shape_cast %parallel_loop3A_299 : vector<1x16xf32> to vector<16xf32>
        %parallel_loop3A_301 = vector.shape_cast %parallel_loop3A_296 : vector<16xf32> to vector<1x16xf32>
        tpu.vector_store %arg9[%parallel_loop3A_297, %parallel_loop3A_298], %parallel_loop3A_301 {add = true, strides = array<i32>} : memref<64x512xf32, #tpu.memory_space<vmem>>, vector<1x16xf32>,
        %parallel_loop3A_302 = arith.index_cast %parallel_loop3A_184 : i32 to index
        %parallel_loop3A_303 = arith.constant 208 : index
        %parallel_loop3A_304 = tpu.vector_load %arg7[%parallel_loop3A_302, %parallel_loop3A_303] {strides = array<i32>} : memref<64x512xf32, #tpu.memory_space<vmem>>, vector<1x16xf32>,
        %parallel_loop3A_305 = vector.shape_cast %parallel_loop3A_304 : vector<1x16xf32> to vector<16xf32>
        %parallel_loop3A_306 = arith.index_cast %parallel_loop3A_184 : i32 to index
        %parallel_loop3A_307 = arith.constant 208 : index
        %parallel_loop3A_308 = tpu.vector_load %arg9[%parallel_loop3A_306, %parallel_loop3A_307] {strides = array<i32>} : memref<64x512xf32, #tpu.memory_space<vmem>>, vector<1x16xf32>,
        %parallel_loop3A_309 = vector.shape_cast %parallel_loop3A_308 : vector<1x16xf32> to vector<16xf32>
        %parallel_loop3A_310 = vector.shape_cast %parallel_loop3A_305 : vector<16xf32> to vector<1x16xf32>
        tpu.vector_store %arg9[%parallel_loop3A_306, %parallel_loop3A_307], %parallel_loop3A_310 {add = true, strides = array<i32>} : memref<64x512xf32, #tpu.memory_space<vmem>>, vector<1x16xf32>,
        %parallel_loop3A_311 = arith.index_cast %parallel_loop3A_184 : i32 to index
        %parallel_loop3A_312 = arith.constant 224 : index
        %parallel_loop3A_313 = tpu.vector_load %arg7[%parallel_loop3A_311, %parallel_loop3A_312] {strides = array<i32>} : memref<64x512xf32, #tpu.memory_space<vmem>>, vector<1x16xf32>,
        %parallel_loop3A_314 = vector.shape_cast %parallel_loop3A_313 : vector<1x16xf32> to vector<16xf32>
        %parallel_loop3A_315 = arith.index_cast %parallel_loop3A_184 : i32 to index
        %parallel_loop3A_316 = arith.constant 224 : index
        %parallel_loop3A_317 = tpu.vector_load %arg9[%parallel_loop3A_315, %parallel_loop3A_316] {strides = array<i32>} : memref<64x512xf32, #tpu.memory_space<vmem>>, vector<1x16xf32>,
        %parallel_loop3A_318 = vector.shape_cast %parallel_loop3A_317 : vector<1x16xf32> to vector<16xf32>
        %parallel_loop3A_319 = vector.shape_cast %parallel_loop3A_314 : vector<16xf32> to vector<1x16xf32>
        tpu.vector_store %arg9[%parallel_loop3A_315, %parallel_loop3A_316], %parallel_loop3A_319 {add = true, strides = array<i32>} : memref<64x512xf32, #tpu.memory_space<vmem>>, vector<1x16xf32>,
        %parallel_loop3A_320 = arith.index_cast %parallel_loop3A_184 : i32 to index
        %parallel_loop3A_321 = arith.constant 240 : index
        %parallel_loop3A_322 = tpu.vector_load %arg7[%parallel_loop3A_320, %parallel_loop3A_321] {strides = array<i32>} : memref<64x512xf32, #tpu.memory_space<vmem>>, vector<1x16xf32>,
        %parallel_loop3A_323 = vector.shape_cast %parallel_loop3A_322 : vector<1x16xf32> to vector<16xf32>
        %parallel_loop3A_324 = arith.index_cast %parallel_loop3A_184 : i32 to index
        %parallel_loop3A_325 = arith.constant 240 : index
        %parallel_loop3A_326 = tpu.vector_load %arg9[%parallel_loop3A_324, %parallel_loop3A_325] {strides = array<i32>} : memref<64x512xf32, #tpu.memory_space<vmem>>, vector<1x16xf32>,
        %parallel_loop3A_327 = vector.shape_cast %parallel_loop3A_326 : vector<1x16xf32> to vector<16xf32>
        %parallel_loop3A_328 = vector.shape_cast %parallel_loop3A_323 : vector<16xf32> to vector<1x16xf32>
        tpu.vector_store %arg9[%parallel_loop3A_324, %parallel_loop3A_325], %parallel_loop3A_328 {add = true, strides = array<i32>} : memref<64x512xf32, #tpu.memory_space<vmem>>, vector<1x16xf32>,
        %parallel_loop3A_329 = arith.index_cast %parallel_loop3A_184 : i32 to index
        %parallel_loop3A_330 = arith.constant 256 : index
        %parallel_loop3A_331 = tpu.vector_load %arg7[%parallel_loop3A_329, %parallel_loop3A_330] {strides = array<i32>} : memref<64x512xf32, #tpu.memory_space<vmem>>, vector<1x16xf32>,
        %parallel_loop3A_332 = vector.shape_cast %parallel_loop3A_331 : vector<1x16xf32> to vector<16xf32>
        %parallel_loop3A_333 = arith.index_cast %parallel_loop3A_184 : i32 to index
        %parallel_loop3A_334 = arith.constant 256 : index
        %parallel_loop3A_335 = tpu.vector_load %arg9[%parallel_loop3A_333, %parallel_loop3A_334] {strides = array<i32>} : memref<64x512xf32, #tpu.memory_space<vmem>>, vector<1x16xf32>,
        %parallel_loop3A_336 = vector.shape_cast %parallel_loop3A_335 : vector<1x16xf32> to vector<16xf32>
        %parallel_loop3A_337 = vector.shape_cast %parallel_loop3A_332 : vector<16xf32> to vector<1x16xf32>
        tpu.vector_store %arg9[%parallel_loop3A_333, %parallel_loop3A_334], %parallel_loop3A_337 {add = true, strides = array<i32>} : memref<64x512xf32, #tpu.memory_space<vmem>>, vector<1x16xf32>,
        %parallel_loop3A_338 = arith.index_cast %parallel_loop3A_184 : i32 to index
        %parallel_loop3A_339 = arith.constant 272 : index
        %parallel_loop3A_340 = tpu.vector_load %arg7[%parallel_loop3A_338, %parallel_loop3A_339] {strides = array<i32>} : memref<64x512xf32, #tpu.memory_space<vmem>>, vector<1x16xf32>,
        %parallel_loop3A_341 = vector.shape_cast %parallel_loop3A_340 : vector<1x16xf32> to vector<16xf32>
        %parallel_loop3A_342 = arith.index_cast %parallel_loop3A_184 : i32 to index
        %parallel_loop3A_343 = arith.constant 272 : index
        %parallel_loop3A_344 = tpu.vector_load %arg9[%parallel_loop3A_342, %parallel_loop3A_343] {strides = array<i32>} : memref<64x512xf32, #tpu.memory_space<vmem>>, vector<1x16xf32>,
        %parallel_loop3A_345 = vector.shape_cast %parallel_loop3A_344 : vector<1x16xf32> to vector<16xf32>
        %parallel_loop3A_346 = vector.shape_cast %parallel_loop3A_341 : vector<16xf32> to vector<1x16xf32>
        tpu.vector_store %arg9[%parallel_loop3A_342, %parallel_loop3A_343], %parallel_loop3A_346 {add = true, strides = array<i32>} : memref<64x512xf32, #tpu.memory_space<vmem>>, vector<1x16xf32>,
        %parallel_loop3A_347 = arith.index_cast %parallel_loop3A_184 : i32 to index
        %parallel_loop3A_348 = arith.constant 288 : index
        %parallel_loop3A_349 = tpu.vector_load %arg7[%parallel_loop3A_347, %parallel_loop3A_348] {strides = array<i32>} : memref<64x512xf32, #tpu.memory_space<vmem>>, vector<1x16xf32>,
        %parallel_loop3A_350 = vector.shape_cast %parallel_loop3A_349 : vector<1x16xf32> to vector<16xf32>
        %parallel_loop3A_351 = arith.index_cast %parallel_loop3A_184 : i32 to index
        %parallel_loop3A_352 = arith.constant 288 : index
        %parallel_loop3A_353 = tpu.vector_load %arg9[%parallel_loop3A_351, %parallel_loop3A_352] {strides = array<i32>} : memref<64x512xf32, #tpu.memory_space<vmem>>, vector<1x16xf32>,
        %parallel_loop3A_354 = vector.shape_cast %parallel_loop3A_353 : vector<1x16xf32> to vector<16xf32>
        %parallel_loop3A_355 = vector.shape_cast %parallel_loop3A_350 : vector<16xf32> to vector<1x16xf32>
        tpu.vector_store %arg9[%parallel_loop3A_351, %parallel_loop3A_352], %parallel_loop3A_355 {add = true, strides = array<i32>} : memref<64x512xf32, #tpu.memory_space<vmem>>, vector<1x16xf32>,
        %parallel_loop3A_356 = arith.index_cast %parallel_loop3A_184 : i32 to index
        %parallel_loop3A_357 = arith.constant 304 : index
        %parallel_loop3A_358 = tpu.vector_load %arg7[%parallel_loop3A_356, %parallel_loop3A_357] {strides = array<i32>} : memref<64x512xf32, #tpu.memory_space<vmem>>, vector<1x16xf32>,
        %parallel_loop3A_359 = vector.shape_cast %parallel_loop3A_358 : vector<1x16xf32> to vector<16xf32>
        %parallel_loop3A_360 = arith.index_cast %parallel_loop3A_184 : i32 to index
        %parallel_loop3A_361 = arith.constant 304 : index
        %parallel_loop3A_362 = tpu.vector_load %arg9[%parallel_loop3A_360, %parallel_loop3A_361] {strides = array<i32>} : memref<64x512xf32, #tpu.memory_space<vmem>>, vector<1x16xf32>,
        %parallel_loop3A_363 = vector.shape_cast %parallel_loop3A_362 : vector<1x16xf32> to vector<16xf32>
        %parallel_loop3A_364 = vector.shape_cast %parallel_loop3A_359 : vector<16xf32> to vector<1x16xf32>
        tpu.vector_store %arg9[%parallel_loop3A_360, %parallel_loop3A_361], %parallel_loop3A_364 {add = true, strides = array<i32>} : memref<64x512xf32, #tpu.memory_space<vmem>>, vector<1x16xf32>,
        %parallel_loop3A_365 = arith.index_cast %parallel_loop3A_184 : i32 to index
        %parallel_loop3A_366 = arith.constant 320 : index
        %parallel_loop3A_367 = tpu.vector_load %arg7[%parallel_loop3A_365, %parallel_loop3A_366] {strides = array<i32>} : memref<64x512xf32, #tpu.memory_space<vmem>>, vector<1x16xf32>,
        %parallel_loop3A_368 = vector.shape_cast %parallel_loop3A_367 : vector<1x16xf32> to vector<16xf32>
        %parallel_loop3A_369 = arith.index_cast %parallel_loop3A_184 : i32 to index
        %parallel_loop3A_370 = arith.constant 320 : index
        %parallel_loop3A_371 = tpu.vector_load %arg9[%parallel_loop3A_369, %parallel_loop3A_370] {strides = array<i32>} : memref<64x512xf32, #tpu.memory_space<vmem>>, vector<1x16xf32>,
        %parallel_loop3A_372 = vector.shape_cast %parallel_loop3A_371 : vector<1x16xf32> to vector<16xf32>
        %parallel_loop3A_373 = vector.shape_cast %parallel_loop3A_368 : vector<16xf32> to vector<1x16xf32>
        tpu.vector_store %arg9[%parallel_loop3A_369, %parallel_loop3A_370], %parallel_loop3A_373 {add = true, strides = array<i32>} : memref<64x512xf32, #tpu.memory_space<vmem>>, vector<1x16xf32>,
        %parallel_loop3A_374 = arith.index_cast %parallel_loop3A_184 : i32 to index
        %parallel_loop3A_375 = arith.constant 336 : index
        %parallel_loop3A_376 = tpu.vector_load %arg7[%parallel_loop3A_374, %parallel_loop3A_375] {strides = array<i32>} : memref<64x512xf32, #tpu.memory_space<vmem>>, vector<1x16xf32>,
        %parallel_loop3A_377 = vector.shape_cast %parallel_loop3A_376 : vector<1x16xf32> to vector<16xf32>
        %parallel_loop3A_378 = arith.index_cast %parallel_loop3A_184 : i32 to index
        %parallel_loop3A_379 = arith.constant 336 : index
        %parallel_loop3A_380 = tpu.vector_load %arg9[%parallel_loop3A_378, %parallel_loop3A_379] {strides = array<i32>} : memref<64x512xf32, #tpu.memory_space<vmem>>, vector<1x16xf32>,
        %parallel_loop3A_381 = vector.shape_cast %parallel_loop3A_380 : vector<1x16xf32> to vector<16xf32>
        %parallel_loop3A_382 = vector.shape_cast %parallel_loop3A_377 : vector<16xf32> to vector<1x16xf32>
        tpu.vector_store %arg9[%parallel_loop3A_378, %parallel_loop3A_379], %parallel_loop3A_382 {add = true, strides = array<i32>} : memref<64x512xf32, #tpu.memory_space<vmem>>, vector<1x16xf32>,
        %parallel_loop3A_383 = arith.index_cast %parallel_loop3A_184 : i32 to index
        %parallel_loop3A_384 = arith.constant 352 : index
        %parallel_loop3A_385 = tpu.vector_load %arg7[%parallel_loop3A_383, %parallel_loop3A_384] {strides = array<i32>} : memref<64x512xf32, #tpu.memory_space<vmem>>, vector<1x16xf32>,
        %parallel_loop3A_386 = vector.shape_cast %parallel_loop3A_385 : vector<1x16xf32> to vector<16xf32>
        %parallel_loop3A_387 = arith.index_cast %parallel_loop3A_184 : i32 to index
        %parallel_loop3A_388 = arith.constant 352 : index
        %parallel_loop3A_389 = tpu.vector_load %arg9[%parallel_loop3A_387, %parallel_loop3A_388] {strides = array<i32>} : memref<64x512xf32, #tpu.memory_space<vmem>>, vector<1x16xf32>,
        %parallel_loop3A_390 = vector.shape_cast %parallel_loop3A_389 : vector<1x16xf32> to vector<16xf32>
        %parallel_loop3A_391 = vector.shape_cast %parallel_loop3A_386 : vector<16xf32> to vector<1x16xf32>
        tpu.vector_store %arg9[%parallel_loop3A_387, %parallel_loop3A_388], %parallel_loop3A_391 {add = true, strides = array<i32>} : memref<64x512xf32, #tpu.memory_space<vmem>>, vector<1x16xf32>,
        %parallel_loop3A_392 = arith.index_cast %parallel_loop3A_184 : i32 to index
        %parallel_loop3A_393 = arith.constant 368 : index
        %parallel_loop3A_394 = tpu.vector_load %arg7[%parallel_loop3A_392, %parallel_loop3A_393] {strides = array<i32>} : memref<64x512xf32, #tpu.memory_space<vmem>>, vector<1x16xf32>,
        %parallel_loop3A_395 = vector.shape_cast %parallel_loop3A_394 : vector<1x16xf32> to vector<16xf32>
        %parallel_loop3A_396 = arith.index_cast %parallel_loop3A_184 : i32 to index
        %parallel_loop3A_397 = arith.constant 368 : index
        %parallel_loop3A_398 = tpu.vector_load %arg9[%parallel_loop3A_396, %parallel_loop3A_397] {strides = array<i32>} : memref<64x512xf32, #tpu.memory_space<vmem>>, vector<1x16xf32>,
        %parallel_loop3A_399 = vector.shape_cast %parallel_loop3A_398 : vector<1x16xf32> to vector<16xf32>
        %parallel_loop3A_400 = vector.shape_cast %parallel_loop3A_395 : vector<16xf32> to vector<1x16xf32>
        tpu.vector_store %arg9[%parallel_loop3A_396, %parallel_loop3A_397], %parallel_loop3A_400 {add = true, strides = array<i32>} : memref<64x512xf32, #tpu.memory_space<vmem>>, vector<1x16xf32>,
        %parallel_loop3A_401 = arith.index_cast %parallel_loop3A_184 : i32 to index
        %parallel_loop3A_402 = arith.constant 384 : index
        %parallel_loop3A_403 = tpu.vector_load %arg7[%parallel_loop3A_401, %parallel_loop3A_402] {strides = array<i32>} : memref<64x512xf32, #tpu.memory_space<vmem>>, vector<1x16xf32>,
        %parallel_loop3A_404 = vector.shape_cast %parallel_loop3A_403 : vector<1x16xf32> to vector<16xf32>
        %parallel_loop3A_405 = arith.index_cast %parallel_loop3A_184 : i32 to index
        %parallel_loop3A_406 = arith.constant 384 : index
        %parallel_loop3A_407 = tpu.vector_load %arg9[%parallel_loop3A_405, %parallel_loop3A_406] {strides = array<i32>} : memref<64x512xf32, #tpu.memory_space<vmem>>, vector<1x16xf32>,
        %parallel_loop3A_408 = vector.shape_cast %parallel_loop3A_407 : vector<1x16xf32> to vector<16xf32>
        %parallel_loop3A_409 = vector.shape_cast %parallel_loop3A_404 : vector<16xf32> to vector<1x16xf32>
        tpu.vector_store %arg9[%parallel_loop3A_405, %parallel_loop3A_406], %parallel_loop3A_409 {add = true, strides = array<i32>} : memref<64x512xf32, #tpu.memory_space<vmem>>, vector<1x16xf32>,
        %parallel_loop3A_410 = arith.index_cast %parallel_loop3A_184 : i32 to index
        %parallel_loop3A_411 = arith.constant 400 : index
        %parallel_loop3A_412 = tpu.vector_load %arg7[%parallel_loop3A_410, %parallel_loop3A_411] {strides = array<i32>} : memref<64x512xf32, #tpu.memory_space<vmem>>, vector<1x16xf32>,
        %parallel_loop3A_413 = vector.shape_cast %parallel_loop3A_412 : vector<1x16xf32> to vector<16xf32>
        %parallel_loop3A_414 = arith.index_cast %parallel_loop3A_184 : i32 to index
        %parallel_loop3A_415 = arith.constant 400 : index
        %parallel_loop3A_416 = tpu.vector_load %arg9[%parallel_loop3A_414, %parallel_loop3A_415] {strides = array<i32>} : memref<64x512xf32, #tpu.memory_space<vmem>>, vector<1x16xf32>,
        %parallel_loop3A_417 = vector.shape_cast %parallel_loop3A_416 : vector<1x16xf32> to vector<16xf32>
        %parallel_loop3A_418 = vector.shape_cast %parallel_loop3A_413 : vector<16xf32> to vector<1x16xf32>
        tpu.vector_store %arg9[%parallel_loop3A_414, %parallel_loop3A_415], %parallel_loop3A_418 {add = true, strides = array<i32>} : memref<64x512xf32, #tpu.memory_space<vmem>>, vector<1x16xf32>,
        %parallel_loop3A_419 = arith.index_cast %parallel_loop3A_184 : i32 to index
        %parallel_loop3A_420 = arith.constant 416 : index
        %parallel_loop3A_421 = tpu.vector_load %arg7[%parallel_loop3A_419, %parallel_loop3A_420] {strides = array<i32>} : memref<64x512xf32, #tpu.memory_space<vmem>>, vector<1x16xf32>,
        %parallel_loop3A_422 = vector.shape_cast %parallel_loop3A_421 : vector<1x16xf32> to vector<16xf32>
        %parallel_loop3A_423 = arith.index_cast %parallel_loop3A_184 : i32 to index
        %parallel_loop3A_424 = arith.constant 416 : index
        %parallel_loop3A_425 = tpu.vector_load %arg9[%parallel_loop3A_423, %parallel_loop3A_424] {strides = array<i32>} : memref<64x512xf32, #tpu.memory_space<vmem>>, vector<1x16xf32>,
        %parallel_loop3A_426 = vector.shape_cast %parallel_loop3A_425 : vector<1x16xf32> to vector<16xf32>
        %parallel_loop3A_427 = vector.shape_cast %parallel_loop3A_422 : vector<16xf32> to vector<1x16xf32>
        tpu.vector_store %arg9[%parallel_loop3A_423, %parallel_loop3A_424], %parallel_loop3A_427 {add = true, strides = array<i32>} : memref<64x512xf32, #tpu.memory_space<vmem>>, vector<1x16xf32>,
        %parallel_loop3A_428 = arith.index_cast %parallel_loop3A_184 : i32 to index
        %parallel_loop3A_429 = arith.constant 432 : index
        %parallel_loop3A_430 = tpu.vector_load %arg7[%parallel_loop3A_428, %parallel_loop3A_429] {strides = array<i32>} : memref<64x512xf32, #tpu.memory_space<vmem>>, vector<1x16xf32>,
        %parallel_loop3A_431 = vector.shape_cast %parallel_loop3A_430 : vector<1x16xf32> to vector<16xf32>
        %parallel_loop3A_432 = arith.index_cast %parallel_loop3A_184 : i32 to index
        %parallel_loop3A_433 = arith.constant 432 : index
        %parallel_loop3A_434 = tpu.vector_load %arg9[%parallel_loop3A_432, %parallel_loop3A_433] {strides = array<i32>} : memref<64x512xf32, #tpu.memory_space<vmem>>, vector<1x16xf32>,
        %parallel_loop3A_435 = vector.shape_cast %parallel_loop3A_434 : vector<1x16xf32> to vector<16xf32>
        %parallel_loop3A_436 = vector.shape_cast %parallel_loop3A_431 : vector<16xf32> to vector<1x16xf32>
        tpu.vector_store %arg9[%parallel_loop3A_432, %parallel_loop3A_433], %parallel_loop3A_436 {add = true, strides = array<i32>} : memref<64x512xf32, #tpu.memory_space<vmem>>, vector<1x16xf32>,
        %parallel_loop3A_437 = arith.index_cast %parallel_loop3A_184 : i32 to index
        %parallel_loop3A_438 = arith.constant 448 : index
        %parallel_loop3A_439 = tpu.vector_load %arg7[%parallel_loop3A_437, %parallel_loop3A_438] {strides = array<i32>} : memref<64x512xf32, #tpu.memory_space<vmem>>, vector<1x16xf32>,
        %parallel_loop3A_440 = vector.shape_cast %parallel_loop3A_439 : vector<1x16xf32> to vector<16xf32>
        %parallel_loop3A_441 = arith.index_cast %parallel_loop3A_184 : i32 to index
        %parallel_loop3A_442 = arith.constant 448 : index
        %parallel_loop3A_443 = tpu.vector_load %arg9[%parallel_loop3A_441, %parallel_loop3A_442] {strides = array<i32>} : memref<64x512xf32, #tpu.memory_space<vmem>>, vector<1x16xf32>,
        %parallel_loop3A_444 = vector.shape_cast %parallel_loop3A_443 : vector<1x16xf32> to vector<16xf32>
        %parallel_loop3A_445 = vector.shape_cast %parallel_loop3A_440 : vector<16xf32> to vector<1x16xf32>
        tpu.vector_store %arg9[%parallel_loop3A_441, %parallel_loop3A_442], %parallel_loop3A_445 {add = true, strides = array<i32>} : memref<64x512xf32, #tpu.memory_space<vmem>>, vector<1x16xf32>,
        %parallel_loop3A_446 = arith.index_cast %parallel_loop3A_184 : i32 to index
        %parallel_loop3A_447 = arith.constant 464 : index
        %parallel_loop3A_448 = tpu.vector_load %arg7[%parallel_loop3A_446, %parallel_loop3A_447] {strides = array<i32>} : memref<64x512xf32, #tpu.memory_space<vmem>>, vector<1x16xf32>,
        %parallel_loop3A_449 = vector.shape_cast %parallel_loop3A_448 : vector<1x16xf32> to vector<16xf32>
        %parallel_loop3A_450 = arith.index_cast %parallel_loop3A_184 : i32 to index
        %parallel_loop3A_451 = arith.constant 464 : index
        %parallel_loop3A_452 = tpu.vector_load %arg9[%parallel_loop3A_450, %parallel_loop3A_451] {strides = array<i32>} : memref<64x512xf32, #tpu.memory_space<vmem>>, vector<1x16xf32>,
        %parallel_loop3A_453 = vector.shape_cast %parallel_loop3A_452 : vector<1x16xf32> to vector<16xf32>
        %parallel_loop3A_454 = vector.shape_cast %parallel_loop3A_449 : vector<16xf32> to vector<1x16xf32>
        tpu.vector_store %arg9[%parallel_loop3A_450, %parallel_loop3A_451], %parallel_loop3A_454 {add = true, strides = array<i32>} : memref<64x512xf32, #tpu.memory_space<vmem>>, vector<1x16xf32>,
        %parallel_loop3A_455 = arith.index_cast %parallel_loop3A_184 : i32 to index
        %parallel_loop3A_456 = arith.constant 480 : index
        %parallel_loop3A_457 = tpu.vector_load %arg7[%parallel_loop3A_455, %parallel_loop3A_456] {strides = array<i32>} : memref<64x512xf32, #tpu.memory_space<vmem>>, vector<1x16xf32>,
        %parallel_loop3A_458 = vector.shape_cast %parallel_loop3A_457 : vector<1x16xf32> to vector<16xf32>
        %parallel_loop3A_459 = arith.index_cast %parallel_loop3A_184 : i32 to index
        %parallel_loop3A_460 = arith.constant 480 : index
        %parallel_loop3A_461 = tpu.vector_load %arg9[%parallel_loop3A_459, %parallel_loop3A_460] {strides = array<i32>} : memref<64x512xf32, #tpu.memory_space<vmem>>, vector<1x16xf32>,
        %parallel_loop3A_462 = vector.shape_cast %parallel_loop3A_461 : vector<1x16xf32> to vector<16xf32>
        %parallel_loop3A_463 = vector.shape_cast %parallel_loop3A_458 : vector<16xf32> to vector<1x16xf32>
        tpu.vector_store %arg9[%parallel_loop3A_459, %parallel_loop3A_460], %parallel_loop3A_463 {add = true, strides = array<i32>} : memref<64x512xf32, #tpu.memory_space<vmem>>, vector<1x16xf32>,
        %parallel_loop3A_464 = arith.index_cast %parallel_loop3A_184 : i32 to index
        %parallel_loop3A_465 = arith.constant 496 : index
        %parallel_loop3A_466 = tpu.vector_load %arg7[%parallel_loop3A_464, %parallel_loop3A_465] {strides = array<i32>} : memref<64x512xf32, #tpu.memory_space<vmem>>, vector<1x16xf32>,
        %parallel_loop3A_467 = vector.shape_cast %parallel_loop3A_466 : vector<1x16xf32> to vector<16xf32>
        %parallel_loop3A_468 = arith.index_cast %parallel_loop3A_184 : i32 to index
        %parallel_loop3A_469 = arith.constant 496 : index
        %parallel_loop3A_470 = tpu.vector_load %arg9[%parallel_loop3A_468, %parallel_loop3A_469] {strides = array<i32>} : memref<64x512xf32, #tpu.memory_space<vmem>>, vector<1x16xf32>,
        %parallel_loop3A_471 = vector.shape_cast %parallel_loop3A_470 : vector<1x16xf32> to vector<16xf32>
        %parallel_loop3A_472 = vector.shape_cast %parallel_loop3A_467 : vector<16xf32> to vector<1x16xf32>
        tpu.vector_store %arg9[%parallel_loop3A_468, %parallel_loop3A_469], %parallel_loop3A_472 {add = true, strides = array<i32>} : memref<64x512xf32, #tpu.memory_space<vmem>>, vector<1x16xf32>,
      } {sc.loop_unroll_factor = 1 : i64, sc.parallel_access}
      %add3A_143 = arith.constant 1 : i32
      %add3A_144 = arith.addi %add3A_86, %add3A_143 : i32
      %mul3A_145 = arith.constant 2048 : i32
      %mul3A_146 = arith.muli %add3A_144, %mul3A_145 : i32
      %add3A_147 = arith.addi %mul3A_146, %mul3A_2 : i32
      %add3A_148 = arith.constant 0 : i32
      %add3A_149 = arith.addi %add3A_147, %add3A_148 : i32
      %dma_start3A_150 = arith.constant 0 : i32
      %dma_start3A_151 = arith.constant 0 : i32
      %dma_start3A_152 = tpu.memref_slice %arg9[%dma_start3A_150, %dma_start3A_151] : memref<64x512xf32, #tpu.memory_space<vmem>> -> memref<32x512xf32, #tpu.memory_space<vmem>>
      %dma_start3A_153 = arith.constant 0 : i32
      %dma_start3A_154 = tpu.memref_slice %arg5[%add3A_149, %dma_start3A_153] : memref<8192x512xf32, #tpu.memory_space<hbm>> -> memref<32x512xf32, #tpu.memory_space<hbm>>
      %dma_start3A_155 = arith.constant 0 : i32
      %dma_start3A_156 = tpu.memref_slice %arg5[%add3A_149, %dma_start3A_155] : memref<8192x512xf32, #tpu.memory_space<hbm>> -> memref<32x512xf32, #tpu.memory_space<hbm>>
      %dma_start3A_157 = arith.constant 0 : i32
      %dma_start3A_158 = arith.constant 0 : i32
      %dma_start3A_159 = tpu.memref_slice %arg9[%dma_start3A_157, %dma_start3A_158] : memref<64x512xf32, #tpu.memory_space<vmem>> -> memref<32x512xf32, #tpu.memory_space<vmem>>
      tpu.enqueue_dma source(%dma_start3A_159 : memref<32x512xf32, #tpu.memory_space<vmem>>) target(%dma_start3A_156 : memref<32x512xf32, #tpu.memory_space<hbm>>) target_semaphore(%arg13 : memref<!tpu.dma_semaphore, #tpu.memory_space<semaphore_mem>>)
      %parallel_loop3A_160 = arith.constant 32 : i32
      %parallel_loop3A_161 = arith.constant 64 : i32
      %parallel_loop3A_162 = arith.constant 1 : i32
      scf.for %parallel_loop3A_184 = %parallel_loop3A_160 to %parallel_loop3A_161 step %parallel_loop3A_162  : i32 {
        %parallel_loop3A_185 = arith.index_cast %parallel_loop3A_184 : i32 to index
        %parallel_loop3A_186 = arith.constant 0 : index
        %parallel_loop3A_187 = tpu.vector_load %arg7[%parallel_loop3A_185, %parallel_loop3A_186] {strides = array<i32>} : memref<64x512xf32, #tpu.memory_space<vmem>>, vector<1x16xf32>,
        %parallel_loop3A_188 = vector.shape_cast %parallel_loop3A_187 : vector<1x16xf32> to vector<16xf32>
        %parallel_loop3A_189 = arith.index_cast %parallel_loop3A_184 : i32 to index
        %parallel_loop3A_190 = arith.constant 0 : index
        %parallel_loop3A_191 = tpu.vector_load %arg9[%parallel_loop3A_189, %parallel_loop3A_190] {strides = array<i32>} : memref<64x512xf32, #tpu.memory_space<vmem>>, vector<1x16xf32>,
        %parallel_loop3A_192 = vector.shape_cast %parallel_loop3A_191 : vector<1x16xf32> to vector<16xf32>
        %parallel_loop3A_193 = vector.shape_cast %parallel_loop3A_188 : vector<16xf32> to vector<1x16xf32>
        tpu.vector_store %arg9[%parallel_loop3A_189, %parallel_loop3A_190], %parallel_loop3A_193 {add = true, strides = array<i32>} : memref<64x512xf32, #tpu.memory_space<vmem>>, vector<1x16xf32>,
        %parallel_loop3A_194 = arith.index_cast %parallel_loop3A_184 : i32 to index
        %parallel_loop3A_195 = arith.constant 16 : index
        %parallel_loop3A_196 = tpu.vector_load %arg7[%parallel_loop3A_194, %parallel_loop3A_195] {strides = array<i32>} : memref<64x512xf32, #tpu.memory_space<vmem>>, vector<1x16xf32>,
        %parallel_loop3A_197 = vector.shape_cast %parallel_loop3A_196 : vector<1x16xf32> to vector<16xf32>
        %parallel_loop3A_198 = arith.index_cast %parallel_loop3A_184 : i32 to index
        %parallel_loop3A_199 = arith.constant 16 : index
        %parallel_loop3A_200 = tpu.vector_load %arg9[%parallel_loop3A_198, %parallel_loop3A_199] {strides = array<i32>} : memref<64x512xf32, #tpu.memory_space<vmem>>, vector<1x16xf32>,
        %parallel_loop3A_201 = vector.shape_cast %parallel_loop3A_200 : vector<1x16xf32> to vector<16xf32>
        %parallel_loop3A_202 = vector.shape_cast %parallel_loop3A_197 : vector<16xf32> to vector<1x16xf32>
        tpu.vector_store %arg9[%parallel_loop3A_198, %parallel_loop3A_199], %parallel_loop3A_202 {add = true, strides = array<i32>} : memref<64x512xf32, #tpu.memory_space<vmem>>, vector<1x16xf32>,
        %parallel_loop3A_203 = arith.index_cast %parallel_loop3A_184 : i32 to index
        %parallel_loop3A_204 = arith.constant 32 : index
        %parallel_loop3A_205 = tpu.vector_load %arg7[%parallel_loop3A_203, %parallel_loop3A_204] {strides = array<i32>} : memref<64x512xf32, #tpu.memory_space<vmem>>, vector<1x16xf32>,
        %parallel_loop3A_206 = vector.shape_cast %parallel_loop3A_205 : vector<1x16xf32> to vector<16xf32>
        %parallel_loop3A_207 = arith.index_cast %parallel_loop3A_184 : i32 to index
        %parallel_loop3A_208 = arith.constant 32 : index
        %parallel_loop3A_209 = tpu.vector_load %arg9[%parallel_loop3A_207, %parallel_loop3A_208] {strides = array<i32>} : memref<64x512xf32, #tpu.memory_space<vmem>>, vector<1x16xf32>,
        %parallel_loop3A_210 = vector.shape_cast %parallel_loop3A_209 : vector<1x16xf32> to vector<16xf32>
        %parallel_loop3A_211 = vector.shape_cast %parallel_loop3A_206 : vector<16xf32> to vector<1x16xf32>
        tpu.vector_store %arg9[%parallel_loop3A_207, %parallel_loop3A_208], %parallel_loop3A_211 {add = true, strides = array<i32>} : memref<64x512xf32, #tpu.memory_space<vmem>>, vector<1x16xf32>,
        %parallel_loop3A_212 = arith.index_cast %parallel_loop3A_184 : i32 to index
        %parallel_loop3A_213 = arith.constant 48 : index
        %parallel_loop3A_214 = tpu.vector_load %arg7[%parallel_loop3A_212, %parallel_loop3A_213] {strides = array<i32>} : memref<64x512xf32, #tpu.memory_space<vmem>>, vector<1x16xf32>,
        %parallel_loop3A_215 = vector.shape_cast %parallel_loop3A_214 : vector<1x16xf32> to vector<16xf32>
        %parallel_loop3A_216 = arith.index_cast %parallel_loop3A_184 : i32 to index
        %parallel_loop3A_217 = arith.constant 48 : index
        %parallel_loop3A_218 = tpu.vector_load %arg9[%parallel_loop3A_216, %parallel_loop3A_217] {strides = array<i32>} : memref<64x512xf32, #tpu.memory_space<vmem>>, vector<1x16xf32>,
        %parallel_loop3A_219 = vector.shape_cast %parallel_loop3A_218 : vector<1x16xf32> to vector<16xf32>
        %parallel_loop3A_220 = vector.shape_cast %parallel_loop3A_215 : vector<16xf32> to vector<1x16xf32>
        tpu.vector_store %arg9[%parallel_loop3A_216, %parallel_loop3A_217], %parallel_loop3A_220 {add = true, strides = array<i32>} : memref<64x512xf32, #tpu.memory_space<vmem>>, vector<1x16xf32>,
        %parallel_loop3A_221 = arith.index_cast %parallel_loop3A_184 : i32 to index
        %parallel_loop3A_222 = arith.constant 64 : index
        %parallel_loop3A_223 = tpu.vector_load %arg7[%parallel_loop3A_221, %parallel_loop3A_222] {strides = array<i32>} : memref<64x512xf32, #tpu.memory_space<vmem>>, vector<1x16xf32>,
        %parallel_loop3A_224 = vector.shape_cast %parallel_loop3A_223 : vector<1x16xf32> to vector<16xf32>
        %parallel_loop3A_225 = arith.index_cast %parallel_loop3A_184 : i32 to index
        %parallel_loop3A_226 = arith.constant 64 : index
        %parallel_loop3A_227 = tpu.vector_load %arg9[%parallel_loop3A_225, %parallel_loop3A_226] {strides = array<i32>} : memref<64x512xf32, #tpu.memory_space<vmem>>, vector<1x16xf32>,
        %parallel_loop3A_228 = vector.shape_cast %parallel_loop3A_227 : vector<1x16xf32> to vector<16xf32>
        %parallel_loop3A_229 = vector.shape_cast %parallel_loop3A_224 : vector<16xf32> to vector<1x16xf32>
        tpu.vector_store %arg9[%parallel_loop3A_225, %parallel_loop3A_226], %parallel_loop3A_229 {add = true, strides = array<i32>} : memref<64x512xf32, #tpu.memory_space<vmem>>, vector<1x16xf32>,
        %parallel_loop3A_230 = arith.index_cast %parallel_loop3A_184 : i32 to index
        %parallel_loop3A_231 = arith.constant 80 : index
        %parallel_loop3A_232 = tpu.vector_load %arg7[%parallel_loop3A_230, %parallel_loop3A_231] {strides = array<i32>} : memref<64x512xf32, #tpu.memory_space<vmem>>, vector<1x16xf32>,
        %parallel_loop3A_233 = vector.shape_cast %parallel_loop3A_232 : vector<1x16xf32> to vector<16xf32>
        %parallel_loop3A_234 = arith.index_cast %parallel_loop3A_184 : i32 to index
        %parallel_loop3A_235 = arith.constant 80 : index
        %parallel_loop3A_236 = tpu.vector_load %arg9[%parallel_loop3A_234, %parallel_loop3A_235] {strides = array<i32>} : memref<64x512xf32, #tpu.memory_space<vmem>>, vector<1x16xf32>,
        %parallel_loop3A_237 = vector.shape_cast %parallel_loop3A_236 : vector<1x16xf32> to vector<16xf32>
        %parallel_loop3A_238 = vector.shape_cast %parallel_loop3A_233 : vector<16xf32> to vector<1x16xf32>
        tpu.vector_store %arg9[%parallel_loop3A_234, %parallel_loop3A_235], %parallel_loop3A_238 {add = true, strides = array<i32>} : memref<64x512xf32, #tpu.memory_space<vmem>>, vector<1x16xf32>,
        %parallel_loop3A_239 = arith.index_cast %parallel_loop3A_184 : i32 to index
        %parallel_loop3A_240 = arith.constant 96 : index
        %parallel_loop3A_241 = tpu.vector_load %arg7[%parallel_loop3A_239, %parallel_loop3A_240] {strides = array<i32>} : memref<64x512xf32, #tpu.memory_space<vmem>>, vector<1x16xf32>,
        %parallel_loop3A_242 = vector.shape_cast %parallel_loop3A_241 : vector<1x16xf32> to vector<16xf32>
        %parallel_loop3A_243 = arith.index_cast %parallel_loop3A_184 : i32 to index
        %parallel_loop3A_244 = arith.constant 96 : index
        %parallel_loop3A_245 = tpu.vector_load %arg9[%parallel_loop3A_243, %parallel_loop3A_244] {strides = array<i32>} : memref<64x512xf32, #tpu.memory_space<vmem>>, vector<1x16xf32>,
        %parallel_loop3A_246 = vector.shape_cast %parallel_loop3A_245 : vector<1x16xf32> to vector<16xf32>
        %parallel_loop3A_247 = vector.shape_cast %parallel_loop3A_242 : vector<16xf32> to vector<1x16xf32>
        tpu.vector_store %arg9[%parallel_loop3A_243, %parallel_loop3A_244], %parallel_loop3A_247 {add = true, strides = array<i32>} : memref<64x512xf32, #tpu.memory_space<vmem>>, vector<1x16xf32>,
        %parallel_loop3A_248 = arith.index_cast %parallel_loop3A_184 : i32 to index
        %parallel_loop3A_249 = arith.constant 112 : index
        %parallel_loop3A_250 = tpu.vector_load %arg7[%parallel_loop3A_248, %parallel_loop3A_249] {strides = array<i32>} : memref<64x512xf32, #tpu.memory_space<vmem>>, vector<1x16xf32>,
        %parallel_loop3A_251 = vector.shape_cast %parallel_loop3A_250 : vector<1x16xf32> to vector<16xf32>
        %parallel_loop3A_252 = arith.index_cast %parallel_loop3A_184 : i32 to index
        %parallel_loop3A_253 = arith.constant 112 : index
        %parallel_loop3A_254 = tpu.vector_load %arg9[%parallel_loop3A_252, %parallel_loop3A_253] {strides = array<i32>} : memref<64x512xf32, #tpu.memory_space<vmem>>, vector<1x16xf32>,
        %parallel_loop3A_255 = vector.shape_cast %parallel_loop3A_254 : vector<1x16xf32> to vector<16xf32>
        %parallel_loop3A_256 = vector.shape_cast %parallel_loop3A_251 : vector<16xf32> to vector<1x16xf32>
        tpu.vector_store %arg9[%parallel_loop3A_252, %parallel_loop3A_253], %parallel_loop3A_256 {add = true, strides = array<i32>} : memref<64x512xf32, #tpu.memory_space<vmem>>, vector<1x16xf32>,
        %parallel_loop3A_257 = arith.index_cast %parallel_loop3A_184 : i32 to index
        %parallel_loop3A_258 = arith.constant 128 : index
        %parallel_loop3A_259 = tpu.vector_load %arg7[%parallel_loop3A_257, %parallel_loop3A_258] {strides = array<i32>} : memref<64x512xf32, #tpu.memory_space<vmem>>, vector<1x16xf32>,
        %parallel_loop3A_260 = vector.shape_cast %parallel_loop3A_259 : vector<1x16xf32> to vector<16xf32>
        %parallel_loop3A_261 = arith.index_cast %parallel_loop3A_184 : i32 to index
        %parallel_loop3A_262 = arith.constant 128 : index
        %parallel_loop3A_263 = tpu.vector_load %arg9[%parallel_loop3A_261, %parallel_loop3A_262] {strides = array<i32>} : memref<64x512xf32, #tpu.memory_space<vmem>>, vector<1x16xf32>,
        %parallel_loop3A_264 = vector.shape_cast %parallel_loop3A_263 : vector<1x16xf32> to vector<16xf32>
        %parallel_loop3A_265 = vector.shape_cast %parallel_loop3A_260 : vector<16xf32> to vector<1x16xf32>
        tpu.vector_store %arg9[%parallel_loop3A_261, %parallel_loop3A_262], %parallel_loop3A_265 {add = true, strides = array<i32>} : memref<64x512xf32, #tpu.memory_space<vmem>>, vector<1x16xf32>,
        %parallel_loop3A_266 = arith.index_cast %parallel_loop3A_184 : i32 to index
        %parallel_loop3A_267 = arith.constant 144 : index
        %parallel_loop3A_268 = tpu.vector_load %arg7[%parallel_loop3A_266, %parallel_loop3A_267] {strides = array<i32>} : memref<64x512xf32, #tpu.memory_space<vmem>>, vector<1x16xf32>,
        %parallel_loop3A_269 = vector.shape_cast %parallel_loop3A_268 : vector<1x16xf32> to vector<16xf32>
        %parallel_loop3A_270 = arith.index_cast %parallel_loop3A_184 : i32 to index
        %parallel_loop3A_271 = arith.constant 144 : index
        %parallel_loop3A_272 = tpu.vector_load %arg9[%parallel_loop3A_270, %parallel_loop3A_271] {strides = array<i32>} : memref<64x512xf32, #tpu.memory_space<vmem>>, vector<1x16xf32>,
        %parallel_loop3A_273 = vector.shape_cast %parallel_loop3A_272 : vector<1x16xf32> to vector<16xf32>
        %parallel_loop3A_274 = vector.shape_cast %parallel_loop3A_269 : vector<16xf32> to vector<1x16xf32>
        tpu.vector_store %arg9[%parallel_loop3A_270, %parallel_loop3A_271], %parallel_loop3A_274 {add = true, strides = array<i32>} : memref<64x512xf32, #tpu.memory_space<vmem>>, vector<1x16xf32>,
        %parallel_loop3A_275 = arith.index_cast %parallel_loop3A_184 : i32 to index
        %parallel_loop3A_276 = arith.constant 160 : index
        %parallel_loop3A_277 = tpu.vector_load %arg7[%parallel_loop3A_275, %parallel_loop3A_276] {strides = array<i32>} : memref<64x512xf32, #tpu.memory_space<vmem>>, vector<1x16xf32>,
        %parallel_loop3A_278 = vector.shape_cast %parallel_loop3A_277 : vector<1x16xf32> to vector<16xf32>
        %parallel_loop3A_279 = arith.index_cast %parallel_loop3A_184 : i32 to index
        %parallel_loop3A_280 = arith.constant 160 : index
        %parallel_loop3A_281 = tpu.vector_load %arg9[%parallel_loop3A_279, %parallel_loop3A_280] {strides = array<i32>} : memref<64x512xf32, #tpu.memory_space<vmem>>, vector<1x16xf32>,
        %parallel_loop3A_282 = vector.shape_cast %parallel_loop3A_281 : vector<1x16xf32> to vector<16xf32>
        %parallel_loop3A_283 = vector.shape_cast %parallel_loop3A_278 : vector<16xf32> to vector<1x16xf32>
        tpu.vector_store %arg9[%parallel_loop3A_279, %parallel_loop3A_280], %parallel_loop3A_283 {add = true, strides = array<i32>} : memref<64x512xf32, #tpu.memory_space<vmem>>, vector<1x16xf32>,
        %parallel_loop3A_284 = arith.index_cast %parallel_loop3A_184 : i32 to index
        %parallel_loop3A_285 = arith.constant 176 : index
        %parallel_loop3A_286 = tpu.vector_load %arg7[%parallel_loop3A_284, %parallel_loop3A_285] {strides = array<i32>} : memref<64x512xf32, #tpu.memory_space<vmem>>, vector<1x16xf32>,
        %parallel_loop3A_287 = vector.shape_cast %parallel_loop3A_286 : vector<1x16xf32> to vector<16xf32>
        %parallel_loop3A_288 = arith.index_cast %parallel_loop3A_184 : i32 to index
        %parallel_loop3A_289 = arith.constant 176 : index
        %parallel_loop3A_290 = tpu.vector_load %arg9[%parallel_loop3A_288, %parallel_loop3A_289] {strides = array<i32>} : memref<64x512xf32, #tpu.memory_space<vmem>>, vector<1x16xf32>,
        %parallel_loop3A_291 = vector.shape_cast %parallel_loop3A_290 : vector<1x16xf32> to vector<16xf32>
        %parallel_loop3A_292 = vector.shape_cast %parallel_loop3A_287 : vector<16xf32> to vector<1x16xf32>
        tpu.vector_store %arg9[%parallel_loop3A_288, %parallel_loop3A_289], %parallel_loop3A_292 {add = true, strides = array<i32>} : memref<64x512xf32, #tpu.memory_space<vmem>>, vector<1x16xf32>,
        %parallel_loop3A_293 = arith.index_cast %parallel_loop3A_184 : i32 to index
        %parallel_loop3A_294 = arith.constant 192 : index
        %parallel_loop3A_295 = tpu.vector_load %arg7[%parallel_loop3A_293, %parallel_loop3A_294] {strides = array<i32>} : memref<64x512xf32, #tpu.memory_space<vmem>>, vector<1x16xf32>,
        %parallel_loop3A_296 = vector.shape_cast %parallel_loop3A_295 : vector<1x16xf32> to vector<16xf32>
        %parallel_loop3A_297 = arith.index_cast %parallel_loop3A_184 : i32 to index
        %parallel_loop3A_298 = arith.constant 192 : index
        %parallel_loop3A_299 = tpu.vector_load %arg9[%parallel_loop3A_297, %parallel_loop3A_298] {strides = array<i32>} : memref<64x512xf32, #tpu.memory_space<vmem>>, vector<1x16xf32>,
        %parallel_loop3A_300 = vector.shape_cast %parallel_loop3A_299 : vector<1x16xf32> to vector<16xf32>
        %parallel_loop3A_301 = vector.shape_cast %parallel_loop3A_296 : vector<16xf32> to vector<1x16xf32>
        tpu.vector_store %arg9[%parallel_loop3A_297, %parallel_loop3A_298], %parallel_loop3A_301 {add = true, strides = array<i32>} : memref<64x512xf32, #tpu.memory_space<vmem>>, vector<1x16xf32>,
        %parallel_loop3A_302 = arith.index_cast %parallel_loop3A_184 : i32 to index
        %parallel_loop3A_303 = arith.constant 208 : index
        %parallel_loop3A_304 = tpu.vector_load %arg7[%parallel_loop3A_302, %parallel_loop3A_303] {strides = array<i32>} : memref<64x512xf32, #tpu.memory_space<vmem>>, vector<1x16xf32>,
        %parallel_loop3A_305 = vector.shape_cast %parallel_loop3A_304 : vector<1x16xf32> to vector<16xf32>
        %parallel_loop3A_306 = arith.index_cast %parallel_loop3A_184 : i32 to index
        %parallel_loop3A_307 = arith.constant 208 : index
        %parallel_loop3A_308 = tpu.vector_load %arg9[%parallel_loop3A_306, %parallel_loop3A_307] {strides = array<i32>} : memref<64x512xf32, #tpu.memory_space<vmem>>, vector<1x16xf32>,
        %parallel_loop3A_309 = vector.shape_cast %parallel_loop3A_308 : vector<1x16xf32> to vector<16xf32>
        %parallel_loop3A_310 = vector.shape_cast %parallel_loop3A_305 : vector<16xf32> to vector<1x16xf32>
        tpu.vector_store %arg9[%parallel_loop3A_306, %parallel_loop3A_307], %parallel_loop3A_310 {add = true, strides = array<i32>} : memref<64x512xf32, #tpu.memory_space<vmem>>, vector<1x16xf32>,
        %parallel_loop3A_311 = arith.index_cast %parallel_loop3A_184 : i32 to index
        %parallel_loop3A_312 = arith.constant 224 : index
        %parallel_loop3A_313 = tpu.vector_load %arg7[%parallel_loop3A_311, %parallel_loop3A_312] {strides = array<i32>} : memref<64x512xf32, #tpu.memory_space<vmem>>, vector<1x16xf32>,
        %parallel_loop3A_314 = vector.shape_cast %parallel_loop3A_313 : vector<1x16xf32> to vector<16xf32>
        %parallel_loop3A_315 = arith.index_cast %parallel_loop3A_184 : i32 to index
        %parallel_loop3A_316 = arith.constant 224 : index
        %parallel_loop3A_317 = tpu.vector_load %arg9[%parallel_loop3A_315, %parallel_loop3A_316] {strides = array<i32>} : memref<64x512xf32, #tpu.memory_space<vmem>>, vector<1x16xf32>,
        %parallel_loop3A_318 = vector.shape_cast %parallel_loop3A_317 : vector<1x16xf32> to vector<16xf32>
        %parallel_loop3A_319 = vector.shape_cast %parallel_loop3A_314 : vector<16xf32> to vector<1x16xf32>
        tpu.vector_store %arg9[%parallel_loop3A_315, %parallel_loop3A_316], %parallel_loop3A_319 {add = true, strides = array<i32>} : memref<64x512xf32, #tpu.memory_space<vmem>>, vector<1x16xf32>,
        %parallel_loop3A_320 = arith.index_cast %parallel_loop3A_184 : i32 to index
        %parallel_loop3A_321 = arith.constant 240 : index
        %parallel_loop3A_322 = tpu.vector_load %arg7[%parallel_loop3A_320, %parallel_loop3A_321] {strides = array<i32>} : memref<64x512xf32, #tpu.memory_space<vmem>>, vector<1x16xf32>,
        %parallel_loop3A_323 = vector.shape_cast %parallel_loop3A_322 : vector<1x16xf32> to vector<16xf32>
        %parallel_loop3A_324 = arith.index_cast %parallel_loop3A_184 : i32 to index
        %parallel_loop3A_325 = arith.constant 240 : index
        %parallel_loop3A_326 = tpu.vector_load %arg9[%parallel_loop3A_324, %parallel_loop3A_325] {strides = array<i32>} : memref<64x512xf32, #tpu.memory_space<vmem>>, vector<1x16xf32>,
        %parallel_loop3A_327 = vector.shape_cast %parallel_loop3A_326 : vector<1x16xf32> to vector<16xf32>
        %parallel_loop3A_328 = vector.shape_cast %parallel_loop3A_323 : vector<16xf32> to vector<1x16xf32>
        tpu.vector_store %arg9[%parallel_loop3A_324, %parallel_loop3A_325], %parallel_loop3A_328 {add = true, strides = array<i32>} : memref<64x512xf32, #tpu.memory_space<vmem>>, vector<1x16xf32>,
        %parallel_loop3A_329 = arith.index_cast %parallel_loop3A_184 : i32 to index
        %parallel_loop3A_330 = arith.constant 256 : index
        %parallel_loop3A_331 = tpu.vector_load %arg7[%parallel_loop3A_329, %parallel_loop3A_330] {strides = array<i32>} : memref<64x512xf32, #tpu.memory_space<vmem>>, vector<1x16xf32>,
        %parallel_loop3A_332 = vector.shape_cast %parallel_loop3A_331 : vector<1x16xf32> to vector<16xf32>
        %parallel_loop3A_333 = arith.index_cast %parallel_loop3A_184 : i32 to index
        %parallel_loop3A_334 = arith.constant 256 : index
        %parallel_loop3A_335 = tpu.vector_load %arg9[%parallel_loop3A_333, %parallel_loop3A_334] {strides = array<i32>} : memref<64x512xf32, #tpu.memory_space<vmem>>, vector<1x16xf32>,
        %parallel_loop3A_336 = vector.shape_cast %parallel_loop3A_335 : vector<1x16xf32> to vector<16xf32>
        %parallel_loop3A_337 = vector.shape_cast %parallel_loop3A_332 : vector<16xf32> to vector<1x16xf32>
        tpu.vector_store %arg9[%parallel_loop3A_333, %parallel_loop3A_334], %parallel_loop3A_337 {add = true, strides = array<i32>} : memref<64x512xf32, #tpu.memory_space<vmem>>, vector<1x16xf32>,
        %parallel_loop3A_338 = arith.index_cast %parallel_loop3A_184 : i32 to index
        %parallel_loop3A_339 = arith.constant 272 : index
        %parallel_loop3A_340 = tpu.vector_load %arg7[%parallel_loop3A_338, %parallel_loop3A_339] {strides = array<i32>} : memref<64x512xf32, #tpu.memory_space<vmem>>, vector<1x16xf32>,
        %parallel_loop3A_341 = vector.shape_cast %parallel_loop3A_340 : vector<1x16xf32> to vector<16xf32>
        %parallel_loop3A_342 = arith.index_cast %parallel_loop3A_184 : i32 to index
        %parallel_loop3A_343 = arith.constant 272 : index
        %parallel_loop3A_344 = tpu.vector_load %arg9[%parallel_loop3A_342, %parallel_loop3A_343] {strides = array<i32>} : memref<64x512xf32, #tpu.memory_space<vmem>>, vector<1x16xf32>,
        %parallel_loop3A_345 = vector.shape_cast %parallel_loop3A_344 : vector<1x16xf32> to vector<16xf32>
        %parallel_loop3A_346 = vector.shape_cast %parallel_loop3A_341 : vector<16xf32> to vector<1x16xf32>
        tpu.vector_store %arg9[%parallel_loop3A_342, %parallel_loop3A_343], %parallel_loop3A_346 {add = true, strides = array<i32>} : memref<64x512xf32, #tpu.memory_space<vmem>>, vector<1x16xf32>,
        %parallel_loop3A_347 = arith.index_cast %parallel_loop3A_184 : i32 to index
        %parallel_loop3A_348 = arith.constant 288 : index
        %parallel_loop3A_349 = tpu.vector_load %arg7[%parallel_loop3A_347, %parallel_loop3A_348] {strides = array<i32>} : memref<64x512xf32, #tpu.memory_space<vmem>>, vector<1x16xf32>,
        %parallel_loop3A_350 = vector.shape_cast %parallel_loop3A_349 : vector<1x16xf32> to vector<16xf32>
        %parallel_loop3A_351 = arith.index_cast %parallel_loop3A_184 : i32 to index
        %parallel_loop3A_352 = arith.constant 288 : index
        %parallel_loop3A_353 = tpu.vector_load %arg9[%parallel_loop3A_351, %parallel_loop3A_352] {strides = array<i32>} : memref<64x512xf32, #tpu.memory_space<vmem>>, vector<1x16xf32>,
        %parallel_loop3A_354 = vector.shape_cast %parallel_loop3A_353 : vector<1x16xf32> to vector<16xf32>
        %parallel_loop3A_355 = vector.shape_cast %parallel_loop3A_350 : vector<16xf32> to vector<1x16xf32>
        tpu.vector_store %arg9[%parallel_loop3A_351, %parallel_loop3A_352], %parallel_loop3A_355 {add = true, strides = array<i32>} : memref<64x512xf32, #tpu.memory_space<vmem>>, vector<1x16xf32>,
        %parallel_loop3A_356 = arith.index_cast %parallel_loop3A_184 : i32 to index
        %parallel_loop3A_357 = arith.constant 304 : index
        %parallel_loop3A_358 = tpu.vector_load %arg7[%parallel_loop3A_356, %parallel_loop3A_357] {strides = array<i32>} : memref<64x512xf32, #tpu.memory_space<vmem>>, vector<1x16xf32>,
        %parallel_loop3A_359 = vector.shape_cast %parallel_loop3A_358 : vector<1x16xf32> to vector<16xf32>
        %parallel_loop3A_360 = arith.index_cast %parallel_loop3A_184 : i32 to index
        %parallel_loop3A_361 = arith.constant 304 : index
        %parallel_loop3A_362 = tpu.vector_load %arg9[%parallel_loop3A_360, %parallel_loop3A_361] {strides = array<i32>} : memref<64x512xf32, #tpu.memory_space<vmem>>, vector<1x16xf32>,
        %parallel_loop3A_363 = vector.shape_cast %parallel_loop3A_362 : vector<1x16xf32> to vector<16xf32>
        %parallel_loop3A_364 = vector.shape_cast %parallel_loop3A_359 : vector<16xf32> to vector<1x16xf32>
        tpu.vector_store %arg9[%parallel_loop3A_360, %parallel_loop3A_361], %parallel_loop3A_364 {add = true, strides = array<i32>} : memref<64x512xf32, #tpu.memory_space<vmem>>, vector<1x16xf32>,
        %parallel_loop3A_365 = arith.index_cast %parallel_loop3A_184 : i32 to index
        %parallel_loop3A_366 = arith.constant 320 : index
        %parallel_loop3A_367 = tpu.vector_load %arg7[%parallel_loop3A_365, %parallel_loop3A_366] {strides = array<i32>} : memref<64x512xf32, #tpu.memory_space<vmem>>, vector<1x16xf32>,
        %parallel_loop3A_368 = vector.shape_cast %parallel_loop3A_367 : vector<1x16xf32> to vector<16xf32>
        %parallel_loop3A_369 = arith.index_cast %parallel_loop3A_184 : i32 to index
        %parallel_loop3A_370 = arith.constant 320 : index
        %parallel_loop3A_371 = tpu.vector_load %arg9[%parallel_loop3A_369, %parallel_loop3A_370] {strides = array<i32>} : memref<64x512xf32, #tpu.memory_space<vmem>>, vector<1x16xf32>,
        %parallel_loop3A_372 = vector.shape_cast %parallel_loop3A_371 : vector<1x16xf32> to vector<16xf32>
        %parallel_loop3A_373 = vector.shape_cast %parallel_loop3A_368 : vector<16xf32> to vector<1x16xf32>
        tpu.vector_store %arg9[%parallel_loop3A_369, %parallel_loop3A_370], %parallel_loop3A_373 {add = true, strides = array<i32>} : memref<64x512xf32, #tpu.memory_space<vmem>>, vector<1x16xf32>,
        %parallel_loop3A_374 = arith.index_cast %parallel_loop3A_184 : i32 to index
        %parallel_loop3A_375 = arith.constant 336 : index
        %parallel_loop3A_376 = tpu.vector_load %arg7[%parallel_loop3A_374, %parallel_loop3A_375] {strides = array<i32>} : memref<64x512xf32, #tpu.memory_space<vmem>>, vector<1x16xf32>,
        %parallel_loop3A_377 = vector.shape_cast %parallel_loop3A_376 : vector<1x16xf32> to vector<16xf32>
        %parallel_loop3A_378 = arith.index_cast %parallel_loop3A_184 : i32 to index
        %parallel_loop3A_379 = arith.constant 336 : index
        %parallel_loop3A_380 = tpu.vector_load %arg9[%parallel_loop3A_378, %parallel_loop3A_379] {strides = array<i32>} : memref<64x512xf32, #tpu.memory_space<vmem>>, vector<1x16xf32>,
        %parallel_loop3A_381 = vector.shape_cast %parallel_loop3A_380 : vector<1x16xf32> to vector<16xf32>
        %parallel_loop3A_382 = vector.shape_cast %parallel_loop3A_377 : vector<16xf32> to vector<1x16xf32>
        tpu.vector_store %arg9[%parallel_loop3A_378, %parallel_loop3A_379], %parallel_loop3A_382 {add = true, strides = array<i32>} : memref<64x512xf32, #tpu.memory_space<vmem>>, vector<1x16xf32>,
        %parallel_loop3A_383 = arith.index_cast %parallel_loop3A_184 : i32 to index
        %parallel_loop3A_384 = arith.constant 352 : index
        %parallel_loop3A_385 = tpu.vector_load %arg7[%parallel_loop3A_383, %parallel_loop3A_384] {strides = array<i32>} : memref<64x512xf32, #tpu.memory_space<vmem>>, vector<1x16xf32>,
        %parallel_loop3A_386 = vector.shape_cast %parallel_loop3A_385 : vector<1x16xf32> to vector<16xf32>
        %parallel_loop3A_387 = arith.index_cast %parallel_loop3A_184 : i32 to index
        %parallel_loop3A_388 = arith.constant 352 : index
        %parallel_loop3A_389 = tpu.vector_load %arg9[%parallel_loop3A_387, %parallel_loop3A_388] {strides = array<i32>} : memref<64x512xf32, #tpu.memory_space<vmem>>, vector<1x16xf32>,
        %parallel_loop3A_390 = vector.shape_cast %parallel_loop3A_389 : vector<1x16xf32> to vector<16xf32>
        %parallel_loop3A_391 = vector.shape_cast %parallel_loop3A_386 : vector<16xf32> to vector<1x16xf32>
        tpu.vector_store %arg9[%parallel_loop3A_387, %parallel_loop3A_388], %parallel_loop3A_391 {add = true, strides = array<i32>} : memref<64x512xf32, #tpu.memory_space<vmem>>, vector<1x16xf32>,
        %parallel_loop3A_392 = arith.index_cast %parallel_loop3A_184 : i32 to index
        %parallel_loop3A_393 = arith.constant 368 : index
        %parallel_loop3A_394 = tpu.vector_load %arg7[%parallel_loop3A_392, %parallel_loop3A_393] {strides = array<i32>} : memref<64x512xf32, #tpu.memory_space<vmem>>, vector<1x16xf32>,
        %parallel_loop3A_395 = vector.shape_cast %parallel_loop3A_394 : vector<1x16xf32> to vector<16xf32>
        %parallel_loop3A_396 = arith.index_cast %parallel_loop3A_184 : i32 to index
        %parallel_loop3A_397 = arith.constant 368 : index
        %parallel_loop3A_398 = tpu.vector_load %arg9[%parallel_loop3A_396, %parallel_loop3A_397] {strides = array<i32>} : memref<64x512xf32, #tpu.memory_space<vmem>>, vector<1x16xf32>,
        %parallel_loop3A_399 = vector.shape_cast %parallel_loop3A_398 : vector<1x16xf32> to vector<16xf32>
        %parallel_loop3A_400 = vector.shape_cast %parallel_loop3A_395 : vector<16xf32> to vector<1x16xf32>
        tpu.vector_store %arg9[%parallel_loop3A_396, %parallel_loop3A_397], %parallel_loop3A_400 {add = true, strides = array<i32>} : memref<64x512xf32, #tpu.memory_space<vmem>>, vector<1x16xf32>,
        %parallel_loop3A_401 = arith.index_cast %parallel_loop3A_184 : i32 to index
        %parallel_loop3A_402 = arith.constant 384 : index
        %parallel_loop3A_403 = tpu.vector_load %arg7[%parallel_loop3A_401, %parallel_loop3A_402] {strides = array<i32>} : memref<64x512xf32, #tpu.memory_space<vmem>>, vector<1x16xf32>,
        %parallel_loop3A_404 = vector.shape_cast %parallel_loop3A_403 : vector<1x16xf32> to vector<16xf32>
        %parallel_loop3A_405 = arith.index_cast %parallel_loop3A_184 : i32 to index
        %parallel_loop3A_406 = arith.constant 384 : index
        %parallel_loop3A_407 = tpu.vector_load %arg9[%parallel_loop3A_405, %parallel_loop3A_406] {strides = array<i32>} : memref<64x512xf32, #tpu.memory_space<vmem>>, vector<1x16xf32>,
        %parallel_loop3A_408 = vector.shape_cast %parallel_loop3A_407 : vector<1x16xf32> to vector<16xf32>
        %parallel_loop3A_409 = vector.shape_cast %parallel_loop3A_404 : vector<16xf32> to vector<1x16xf32>
        tpu.vector_store %arg9[%parallel_loop3A_405, %parallel_loop3A_406], %parallel_loop3A_409 {add = true, strides = array<i32>} : memref<64x512xf32, #tpu.memory_space<vmem>>, vector<1x16xf32>,
        %parallel_loop3A_410 = arith.index_cast %parallel_loop3A_184 : i32 to index
        %parallel_loop3A_411 = arith.constant 400 : index
        %parallel_loop3A_412 = tpu.vector_load %arg7[%parallel_loop3A_410, %parallel_loop3A_411] {strides = array<i32>} : memref<64x512xf32, #tpu.memory_space<vmem>>, vector<1x16xf32>,
        %parallel_loop3A_413 = vector.shape_cast %parallel_loop3A_412 : vector<1x16xf32> to vector<16xf32>
        %parallel_loop3A_414 = arith.index_cast %parallel_loop3A_184 : i32 to index
        %parallel_loop3A_415 = arith.constant 400 : index
        %parallel_loop3A_416 = tpu.vector_load %arg9[%parallel_loop3A_414, %parallel_loop3A_415] {strides = array<i32>} : memref<64x512xf32, #tpu.memory_space<vmem>>, vector<1x16xf32>,
        %parallel_loop3A_417 = vector.shape_cast %parallel_loop3A_416 : vector<1x16xf32> to vector<16xf32>
        %parallel_loop3A_418 = vector.shape_cast %parallel_loop3A_413 : vector<16xf32> to vector<1x16xf32>
        tpu.vector_store %arg9[%parallel_loop3A_414, %parallel_loop3A_415], %parallel_loop3A_418 {add = true, strides = array<i32>} : memref<64x512xf32, #tpu.memory_space<vmem>>, vector<1x16xf32>,
        %parallel_loop3A_419 = arith.index_cast %parallel_loop3A_184 : i32 to index
        %parallel_loop3A_420 = arith.constant 416 : index
        %parallel_loop3A_421 = tpu.vector_load %arg7[%parallel_loop3A_419, %parallel_loop3A_420] {strides = array<i32>} : memref<64x512xf32, #tpu.memory_space<vmem>>, vector<1x16xf32>,
        %parallel_loop3A_422 = vector.shape_cast %parallel_loop3A_421 : vector<1x16xf32> to vector<16xf32>
        %parallel_loop3A_423 = arith.index_cast %parallel_loop3A_184 : i32 to index
        %parallel_loop3A_424 = arith.constant 416 : index
        %parallel_loop3A_425 = tpu.vector_load %arg9[%parallel_loop3A_423, %parallel_loop3A_424] {strides = array<i32>} : memref<64x512xf32, #tpu.memory_space<vmem>>, vector<1x16xf32>,
        %parallel_loop3A_426 = vector.shape_cast %parallel_loop3A_425 : vector<1x16xf32> to vector<16xf32>
        %parallel_loop3A_427 = vector.shape_cast %parallel_loop3A_422 : vector<16xf32> to vector<1x16xf32>
        tpu.vector_store %arg9[%parallel_loop3A_423, %parallel_loop3A_424], %parallel_loop3A_427 {add = true, strides = array<i32>} : memref<64x512xf32, #tpu.memory_space<vmem>>, vector<1x16xf32>,
        %parallel_loop3A_428 = arith.index_cast %parallel_loop3A_184 : i32 to index
        %parallel_loop3A_429 = arith.constant 432 : index
        %parallel_loop3A_430 = tpu.vector_load %arg7[%parallel_loop3A_428, %parallel_loop3A_429] {strides = array<i32>} : memref<64x512xf32, #tpu.memory_space<vmem>>, vector<1x16xf32>,
        %parallel_loop3A_431 = vector.shape_cast %parallel_loop3A_430 : vector<1x16xf32> to vector<16xf32>
        %parallel_loop3A_432 = arith.index_cast %parallel_loop3A_184 : i32 to index
        %parallel_loop3A_433 = arith.constant 432 : index
        %parallel_loop3A_434 = tpu.vector_load %arg9[%parallel_loop3A_432, %parallel_loop3A_433] {strides = array<i32>} : memref<64x512xf32, #tpu.memory_space<vmem>>, vector<1x16xf32>,
        %parallel_loop3A_435 = vector.shape_cast %parallel_loop3A_434 : vector<1x16xf32> to vector<16xf32>
        %parallel_loop3A_436 = vector.shape_cast %parallel_loop3A_431 : vector<16xf32> to vector<1x16xf32>
        tpu.vector_store %arg9[%parallel_loop3A_432, %parallel_loop3A_433], %parallel_loop3A_436 {add = true, strides = array<i32>} : memref<64x512xf32, #tpu.memory_space<vmem>>, vector<1x16xf32>,
        %parallel_loop3A_437 = arith.index_cast %parallel_loop3A_184 : i32 to index
        %parallel_loop3A_438 = arith.constant 448 : index
        %parallel_loop3A_439 = tpu.vector_load %arg7[%parallel_loop3A_437, %parallel_loop3A_438] {strides = array<i32>} : memref<64x512xf32, #tpu.memory_space<vmem>>, vector<1x16xf32>,
        %parallel_loop3A_440 = vector.shape_cast %parallel_loop3A_439 : vector<1x16xf32> to vector<16xf32>
        %parallel_loop3A_441 = arith.index_cast %parallel_loop3A_184 : i32 to index
        %parallel_loop3A_442 = arith.constant 448 : index
        %parallel_loop3A_443 = tpu.vector_load %arg9[%parallel_loop3A_441, %parallel_loop3A_442] {strides = array<i32>} : memref<64x512xf32, #tpu.memory_space<vmem>>, vector<1x16xf32>,
        %parallel_loop3A_444 = vector.shape_cast %parallel_loop3A_443 : vector<1x16xf32> to vector<16xf32>
        %parallel_loop3A_445 = vector.shape_cast %parallel_loop3A_440 : vector<16xf32> to vector<1x16xf32>
        tpu.vector_store %arg9[%parallel_loop3A_441, %parallel_loop3A_442], %parallel_loop3A_445 {add = true, strides = array<i32>} : memref<64x512xf32, #tpu.memory_space<vmem>>, vector<1x16xf32>,
        %parallel_loop3A_446 = arith.index_cast %parallel_loop3A_184 : i32 to index
        %parallel_loop3A_447 = arith.constant 464 : index
        %parallel_loop3A_448 = tpu.vector_load %arg7[%parallel_loop3A_446, %parallel_loop3A_447] {strides = array<i32>} : memref<64x512xf32, #tpu.memory_space<vmem>>, vector<1x16xf32>,
        %parallel_loop3A_449 = vector.shape_cast %parallel_loop3A_448 : vector<1x16xf32> to vector<16xf32>
        %parallel_loop3A_450 = arith.index_cast %parallel_loop3A_184 : i32 to index
        %parallel_loop3A_451 = arith.constant 464 : index
        %parallel_loop3A_452 = tpu.vector_load %arg9[%parallel_loop3A_450, %parallel_loop3A_451] {strides = array<i32>} : memref<64x512xf32, #tpu.memory_space<vmem>>, vector<1x16xf32>,
        %parallel_loop3A_453 = vector.shape_cast %parallel_loop3A_452 : vector<1x16xf32> to vector<16xf32>
        %parallel_loop3A_454 = vector.shape_cast %parallel_loop3A_449 : vector<16xf32> to vector<1x16xf32>
        tpu.vector_store %arg9[%parallel_loop3A_450, %parallel_loop3A_451], %parallel_loop3A_454 {add = true, strides = array<i32>} : memref<64x512xf32, #tpu.memory_space<vmem>>, vector<1x16xf32>,
        %parallel_loop3A_455 = arith.index_cast %parallel_loop3A_184 : i32 to index
        %parallel_loop3A_456 = arith.constant 480 : index
        %parallel_loop3A_457 = tpu.vector_load %arg7[%parallel_loop3A_455, %parallel_loop3A_456] {strides = array<i32>} : memref<64x512xf32, #tpu.memory_space<vmem>>, vector<1x16xf32>,
        %parallel_loop3A_458 = vector.shape_cast %parallel_loop3A_457 : vector<1x16xf32> to vector<16xf32>
        %parallel_loop3A_459 = arith.index_cast %parallel_loop3A_184 : i32 to index
        %parallel_loop3A_460 = arith.constant 480 : index
        %parallel_loop3A_461 = tpu.vector_load %arg9[%parallel_loop3A_459, %parallel_loop3A_460] {strides = array<i32>} : memref<64x512xf32, #tpu.memory_space<vmem>>, vector<1x16xf32>,
        %parallel_loop3A_462 = vector.shape_cast %parallel_loop3A_461 : vector<1x16xf32> to vector<16xf32>
        %parallel_loop3A_463 = vector.shape_cast %parallel_loop3A_458 : vector<16xf32> to vector<1x16xf32>
        tpu.vector_store %arg9[%parallel_loop3A_459, %parallel_loop3A_460], %parallel_loop3A_463 {add = true, strides = array<i32>} : memref<64x512xf32, #tpu.memory_space<vmem>>, vector<1x16xf32>,
        %parallel_loop3A_464 = arith.index_cast %parallel_loop3A_184 : i32 to index
        %parallel_loop3A_465 = arith.constant 496 : index
        %parallel_loop3A_466 = tpu.vector_load %arg7[%parallel_loop3A_464, %parallel_loop3A_465] {strides = array<i32>} : memref<64x512xf32, #tpu.memory_space<vmem>>, vector<1x16xf32>,
        %parallel_loop3A_467 = vector.shape_cast %parallel_loop3A_466 : vector<1x16xf32> to vector<16xf32>
        %parallel_loop3A_468 = arith.index_cast %parallel_loop3A_184 : i32 to index
        %parallel_loop3A_469 = arith.constant 496 : index
        %parallel_loop3A_470 = tpu.vector_load %arg9[%parallel_loop3A_468, %parallel_loop3A_469] {strides = array<i32>} : memref<64x512xf32, #tpu.memory_space<vmem>>, vector<1x16xf32>,
        %parallel_loop3A_471 = vector.shape_cast %parallel_loop3A_470 : vector<1x16xf32> to vector<16xf32>
        %parallel_loop3A_472 = vector.shape_cast %parallel_loop3A_467 : vector<16xf32> to vector<1x16xf32>
        tpu.vector_store %arg9[%parallel_loop3A_468, %parallel_loop3A_469], %parallel_loop3A_472 {add = true, strides = array<i32>} : memref<64x512xf32, #tpu.memory_space<vmem>>, vector<1x16xf32>,
      } {sc.loop_unroll_factor = 1 : i64, sc.parallel_access}
      %add3A_163 = arith.constant 1 : i32
      %add3A_164 = arith.addi %add3A_86, %add3A_163 : i32
      %mul3A_165 = arith.constant 2048 : i32
      %mul3A_166 = arith.muli %add3A_164, %mul3A_165 : i32
      %add3A_167 = arith.addi %mul3A_166, %mul3A_2 : i32
      %add3A_168 = arith.constant 32 : i32
      %add3A_169 = arith.addi %add3A_167, %add3A_168 : i32
      %dma_start3A_170 = arith.constant 32 : i32
      %dma_start3A_171 = arith.constant 0 : i32
      %dma_start3A_172 = tpu.memref_slice %arg9[%dma_start3A_170, %dma_start3A_171] : memref<64x512xf32, #tpu.memory_space<vmem>> -> memref<32x512xf32, #tpu.memory_space<vmem>>
      %dma_start3A_173 = arith.constant 0 : i32
      %dma_start3A_174 = tpu.memref_slice %arg5[%add3A_169, %dma_start3A_173] : memref<8192x512xf32, #tpu.memory_space<hbm>> -> memref<32x512xf32, #tpu.memory_space<hbm>>
      %dma_start3A_175 = arith.constant 0 : i32
      %dma_start3A_176 = tpu.memref_slice %arg5[%add3A_169, %dma_start3A_175] : memref<8192x512xf32, #tpu.memory_space<hbm>> -> memref<32x512xf32, #tpu.memory_space<hbm>>
      %dma_start3A_177 = arith.constant 32 : i32
      %dma_start3A_178 = arith.constant 0 : i32
      %dma_start3A_179 = tpu.memref_slice %arg9[%dma_start3A_177, %dma_start3A_178] : memref<64x512xf32, #tpu.memory_space<vmem>> -> memref<32x512xf32, #tpu.memory_space<vmem>>
      tpu.enqueue_dma source(%dma_start3A_179 : memref<32x512xf32, #tpu.memory_space<vmem>>) target(%dma_start3A_176 : memref<32x512xf32, #tpu.memory_space<hbm>>) target_semaphore(%arg13 : memref<!tpu.dma_semaphore, #tpu.memory_space<semaphore_mem>>)
      %add3A_180 = arith.constant 2 : i32
      %add3A_181 = arith.addi %add3A_86, %add3A_180 : i32
      %lt3A = arith.constant 4 : i32
      %lt3A_182 = arith.cmpi slt, %add3A_181, %lt3A : i32
      %convert_element_type3A = arith.extui %lt3A_182 : i1 to i32
      %cond3A = arith.constant 0 : i32
      %cond3A_183 = arith.cmpi ne, %convert_element_type3A, %cond3A : i32
      scf.if %cond3A_183 {
        %dma_wait3A_184 = arith.constant 0 : i32
        %dma_wait3A_185 = arith.constant 0 : i32
        %dma_wait3A_186 = tpu.memref_slice %arg8[%dma_wait3A_184, %dma_wait3A_185] : memref<64x512xf32, #tpu.memory_space<vmem>> -> memref<32x512xf32, #tpu.memory_space<vmem>>
        %dma_wait3A_187 = arith.constant 0 : i32
        %dma_wait3A_188 = arith.constant 0 : i32
        %dma_wait3A_189 = tpu.memref_slice %arg5[%dma_wait3A_187, %dma_wait3A_188] : memref<8192x512xf32, #tpu.memory_space<hbm>> -> memref<32x512xf32, #tpu.memory_space<hbm>>
        %dma_wait3A_190 = arith.constant 0 : i32
        %dma_wait3A_191 = arith.constant 0 : i32
        %dma_wait3A_192 = tpu.memref_slice %arg5[%dma_wait3A_190, %dma_wait3A_191] : memref<8192x512xf32, #tpu.memory_space<hbm>> -> memref<32x512xf32, #tpu.memory_space<hbm>>
        %dma_wait3A_193 = arith.constant 0 : i32
        %dma_wait3A_194 = arith.constant 0 : i32
        %dma_wait3A_195 = tpu.memref_slice %arg8[%dma_wait3A_193, %dma_wait3A_194] : memref<64x512xf32, #tpu.memory_space<vmem>> -> memref<32x512xf32, #tpu.memory_space<vmem>>
        tpu.wait_dma2 semaphore(%arg12 : memref<!tpu.dma_semaphore, #tpu.memory_space<semaphore_mem>>) src(%dma_wait3A_195 : memref<32x512xf32, #tpu.memory_space<vmem>>) dst(%dma_wait3A_192 : memref<32x512xf32, #tpu.memory_space<hbm>>)
        %dma_wait3A_196 = arith.constant 0 : i32
        %dma_wait3A_197 = arith.constant 0 : i32
        %dma_wait3A_198 = tpu.memref_slice %arg8[%dma_wait3A_196, %dma_wait3A_197] : memref<64x512xf32, #tpu.memory_space<vmem>> -> memref<32x512xf32, #tpu.memory_space<vmem>>
        %dma_wait3A_199 = arith.constant 0 : i32
        %dma_wait3A_200 = arith.constant 0 : i32
        %dma_wait3A_201 = tpu.memref_slice %arg5[%dma_wait3A_199, %dma_wait3A_200] : memref<8192x512xf32, #tpu.memory_space<hbm>> -> memref<32x512xf32, #tpu.memory_space<hbm>>
        %dma_wait3A_202 = arith.constant 0 : i32
        %dma_wait3A_203 = arith.constant 0 : i32
        %dma_wait3A_204 = tpu.memref_slice %arg5[%dma_wait3A_202, %dma_wait3A_203] : memref<8192x512xf32, #tpu.memory_space<hbm>> -> memref<32x512xf32, #tpu.memory_space<hbm>>
        %dma_wait3A_205 = arith.constant 0 : i32
        %dma_wait3A_206 = arith.constant 0 : i32
        %dma_wait3A_207 = tpu.memref_slice %arg8[%dma_wait3A_205, %dma_wait3A_206] : memref<64x512xf32, #tpu.memory_space<vmem>> -> memref<32x512xf32, #tpu.memory_space<vmem>>
        tpu.wait_dma2 semaphore(%arg12 : memref<!tpu.dma_semaphore, #tpu.memory_space<semaphore_mem>>) src(%dma_wait3A_207 : memref<32x512xf32, #tpu.memory_space<vmem>>) dst(%dma_wait3A_204 : memref<32x512xf32, #tpu.memory_space<hbm>>)
        %add3A_208 = arith.constant 2 : i32
        %add3A_209 = arith.addi %add3A_86, %add3A_208 : i32
        %add3A_210 = arith.constant 0 : i32
        %add3A_211 = arith.addi %add3A_209, %add3A_210 : i32
        %dma_start3A_212 = arith.constant 0 : i32
        %dma_start3A_213 = tpu.memref_slice %arg6[%add3A_211, %dma_start3A_212] : memref<4x64xi32, #tpu.memory_space<vmem>> -> memref<1x64xi32, #tpu.memory_space<vmem>>
        %dma_start3A_214 = tpu.memref_squeeze %dma_start3A_213 : memref<1x64xi32, #tpu.memory_space<vmem>> -> memref<64xi32, #tpu.memory_space<vmem>>
        %dma_start3A_215 = arith.constant 0 : i32
        %dma_start3A_216 = arith.constant 0 : i32
        %dma_start3A_217 = tpu.memref_slice %arg3[%dma_start3A_215, %dma_start3A_216] : memref<100000x512xf32, #tpu.memory_space<hbm>> -> memref<100000x512xf32, #tpu.memory_space<hbm>>
        tpu.enqueue_indirect_dma source(%dma_start3A_217 : memref<100000x512xf32, #tpu.memory_space<hbm>>) target(%arg8 : memref<64x512xf32, #tpu.memory_space<vmem>>) offsets(%dma_start3A_214 : memref<64xi32, #tpu.memory_space<vmem>>) semaphore(%arg10 : memref<!tpu.dma_semaphore, #tpu.memory_space<semaphore_mem>>)
        %dma_wait3A_218 = arith.constant 0 : i32
        %dma_wait3A_219 = arith.constant 0 : i32
        %dma_wait3A_220 = tpu.memref_slice %arg9[%dma_wait3A_218, %dma_wait3A_219] : memref<64x512xf32, #tpu.memory_space<vmem>> -> memref<32x512xf32, #tpu.memory_space<vmem>>
        %dma_wait3A_221 = arith.constant 0 : i32
        %dma_wait3A_222 = arith.constant 0 : i32
        %dma_wait3A_223 = tpu.memref_slice %arg5[%dma_wait3A_221, %dma_wait3A_222] : memref<8192x512xf32, #tpu.memory_space<hbm>> -> memref<32x512xf32, #tpu.memory_space<hbm>>
        %dma_wait3A_224 = arith.constant 0 : i32
        %dma_wait3A_225 = arith.constant 0 : i32
        %dma_wait3A_226 = tpu.memref_slice %arg5[%dma_wait3A_224, %dma_wait3A_225] : memref<8192x512xf32, #tpu.memory_space<hbm>> -> memref<32x512xf32, #tpu.memory_space<hbm>>
        %dma_wait3A_227 = arith.constant 0 : i32
        %dma_wait3A_228 = arith.constant 0 : i32
        %dma_wait3A_229 = tpu.memref_slice %arg9[%dma_wait3A_227, %dma_wait3A_228] : memref<64x512xf32, #tpu.memory_space<vmem>> -> memref<32x512xf32, #tpu.memory_space<vmem>>
        tpu.wait_dma2 semaphore(%arg13 : memref<!tpu.dma_semaphore, #tpu.memory_space<semaphore_mem>>) src(%dma_wait3A_229 : memref<32x512xf32, #tpu.memory_space<vmem>>) dst(%dma_wait3A_226 : memref<32x512xf32, #tpu.memory_space<hbm>>)
        %dma_wait3A_230 = arith.constant 0 : i32
        %dma_wait3A_231 = arith.constant 0 : i32
        %dma_wait3A_232 = tpu.memref_slice %arg9[%dma_wait3A_230, %dma_wait3A_231] : memref<64x512xf32, #tpu.memory_space<vmem>> -> memref<32x512xf32, #tpu.memory_space<vmem>>
        %dma_wait3A_233 = arith.constant 0 : i32
        %dma_wait3A_234 = arith.constant 0 : i32
        %dma_wait3A_235 = tpu.memref_slice %arg5[%dma_wait3A_233, %dma_wait3A_234] : memref<8192x512xf32, #tpu.memory_space<hbm>> -> memref<32x512xf32, #tpu.memory_space<hbm>>
        %dma_wait3A_236 = arith.constant 0 : i32
        %dma_wait3A_237 = arith.constant 0 : i32
        %dma_wait3A_238 = tpu.memref_slice %arg5[%dma_wait3A_236, %dma_wait3A_237] : memref<8192x512xf32, #tpu.memory_space<hbm>> -> memref<32x512xf32, #tpu.memory_space<hbm>>
        %dma_wait3A_239 = arith.constant 0 : i32
        %dma_wait3A_240 = arith.constant 0 : i32
        %dma_wait3A_241 = tpu.memref_slice %arg9[%dma_wait3A_239, %dma_wait3A_240] : memref<64x512xf32, #tpu.memory_space<vmem>> -> memref<32x512xf32, #tpu.memory_space<vmem>>
        tpu.wait_dma2 semaphore(%arg13 : memref<!tpu.dma_semaphore, #tpu.memory_space<semaphore_mem>>) src(%dma_wait3A_241 : memref<32x512xf32, #tpu.memory_space<vmem>>) dst(%dma_wait3A_238 : memref<32x512xf32, #tpu.memory_space<hbm>>)
        %add3A_242 = arith.constant 2 : i32
        %add3A_243 = arith.addi %add3A_86, %add3A_242 : i32
        %add3A_244 = arith.constant 1 : i32
        %add3A_245 = arith.addi %add3A_243, %add3A_244 : i32
        %dma_start3A_246 = arith.constant 0 : i32
        %dma_start3A_247 = tpu.memref_slice %arg6[%add3A_245, %dma_start3A_246] : memref<4x64xi32, #tpu.memory_space<vmem>> -> memref<1x64xi32, #tpu.memory_space<vmem>>
        %dma_start3A_248 = tpu.memref_squeeze %dma_start3A_247 : memref<1x64xi32, #tpu.memory_space<vmem>> -> memref<64xi32, #tpu.memory_space<vmem>>
        %dma_start3A_249 = arith.constant 0 : i32
        %dma_start3A_250 = arith.constant 0 : i32
        %dma_start3A_251 = tpu.memref_slice %arg3[%dma_start3A_249, %dma_start3A_250] : memref<100000x512xf32, #tpu.memory_space<hbm>> -> memref<100000x512xf32, #tpu.memory_space<hbm>>
        tpu.enqueue_indirect_dma source(%dma_start3A_251 : memref<100000x512xf32, #tpu.memory_space<hbm>>) target(%arg9 : memref<64x512xf32, #tpu.memory_space<vmem>>) offsets(%dma_start3A_248 : memref<64xi32, #tpu.memory_space<vmem>>) semaphore(%arg11 : memref<!tpu.dma_semaphore, #tpu.memory_space<semaphore_mem>>)
      } else {
      }
    }
    %scan3A_33 = arith.constant 2 : i32
    %dma_wait3A_34 = arith.constant 0 : i32
    %dma_wait3A_35 = arith.constant 0 : i32
    %dma_wait3A_36 = tpu.memref_slice %arg8[%dma_wait3A_34, %dma_wait3A_35] : memref<64x512xf32, #tpu.memory_space<vmem>> -> memref<32x512xf32, #tpu.memory_space<vmem>>
    %dma_wait3A_37 = arith.constant 0 : i32
    %dma_wait3A_38 = arith.constant 0 : i32
    %dma_wait3A_39 = tpu.memref_slice %arg5[%dma_wait3A_37, %dma_wait3A_38] : memref<8192x512xf32, #tpu.memory_space<hbm>> -> memref<32x512xf32, #tpu.memory_space<hbm>>
    %dma_wait3A_40 = arith.constant 0 : i32
    %dma_wait3A_41 = arith.constant 0 : i32
    %dma_wait3A_42 = tpu.memref_slice %arg5[%dma_wait3A_40, %dma_wait3A_41] : memref<8192x512xf32, #tpu.memory_space<hbm>> -> memref<32x512xf32, #tpu.memory_space<hbm>>
    %dma_wait3A_43 = arith.constant 0 : i32
    %dma_wait3A_44 = arith.constant 0 : i32
    %dma_wait3A_45 = tpu.memref_slice %arg8[%dma_wait3A_43, %dma_wait3A_44] : memref<64x512xf32, #tpu.memory_space<vmem>> -> memref<32x512xf32, #tpu.memory_space<vmem>>
    tpu.wait_dma2 semaphore(%arg12 : memref<!tpu.dma_semaphore, #tpu.memory_space<semaphore_mem>>) src(%dma_wait3A_45 : memref<32x512xf32, #tpu.memory_space<vmem>>) dst(%dma_wait3A_42 : memref<32x512xf32, #tpu.memory_space<hbm>>)
    %dma_wait3A_46 = arith.constant 0 : i32
    %dma_wait3A_47 = arith.constant 0 : i32
    %dma_wait3A_48 = tpu.memref_slice %arg8[%dma_wait3A_46, %dma_wait3A_47] : memref<64x512xf32, #tpu.memory_space<vmem>> -> memref<32x512xf32, #tpu.memory_space<vmem>>
    %dma_wait3A_49 = arith.constant 0 : i32
    %dma_wait3A_50 = arith.constant 0 : i32
    %dma_wait3A_51 = tpu.memref_slice %arg5[%dma_wait3A_49, %dma_wait3A_50] : memref<8192x512xf32, #tpu.memory_space<hbm>> -> memref<32x512xf32, #tpu.memory_space<hbm>>
    %dma_wait3A_52 = arith.constant 0 : i32
    %dma_wait3A_53 = arith.constant 0 : i32
    %dma_wait3A_54 = tpu.memref_slice %arg5[%dma_wait3A_52, %dma_wait3A_53] : memref<8192x512xf32, #tpu.memory_space<hbm>> -> memref<32x512xf32, #tpu.memory_space<hbm>>
    %dma_wait3A_55 = arith.constant 0 : i32
    %dma_wait3A_56 = arith.constant 0 : i32
    %dma_wait3A_57 = tpu.memref_slice %arg8[%dma_wait3A_55, %dma_wait3A_56] : memref<64x512xf32, #tpu.memory_space<vmem>> -> memref<32x512xf32, #tpu.memory_space<vmem>>
    tpu.wait_dma2 semaphore(%arg12 : memref<!tpu.dma_semaphore, #tpu.memory_space<semaphore_mem>>) src(%dma_wait3A_57 : memref<32x512xf32, #tpu.memory_space<vmem>>) dst(%dma_wait3A_54 : memref<32x512xf32, #tpu.memory_space<hbm>>)
    %dma_wait3A_58 = arith.constant 0 : i32
    %dma_wait3A_59 = arith.constant 0 : i32
    %dma_wait3A_60 = tpu.memref_slice %arg9[%dma_wait3A_58, %dma_wait3A_59] : memref<64x512xf32, #tpu.memory_space<vmem>> -> memref<32x512xf32, #tpu.memory_space<vmem>>
    %dma_wait3A_61 = arith.constant 0 : i32
    %dma_wait3A_62 = arith.constant 0 : i32
    %dma_wait3A_63 = tpu.memref_slice %arg5[%dma_wait3A_61, %dma_wait3A_62] : memref<8192x512xf32, #tpu.memory_space<hbm>> -> memref<32x512xf32, #tpu.memory_space<hbm>>
    %dma_wait3A_64 = arith.constant 0 : i32
    %dma_wait3A_65 = arith.constant 0 : i32
    %dma_wait3A_66 = tpu.memref_slice %arg5[%dma_wait3A_64, %dma_wait3A_65] : memref<8192x512xf32, #tpu.memory_space<hbm>> -> memref<32x512xf32, #tpu.memory_space<hbm>>
    %dma_wait3A_67 = arith.constant 0 : i32
    %dma_wait3A_68 = arith.constant 0 : i32
    %dma_wait3A_69 = tpu.memref_slice %arg9[%dma_wait3A_67, %dma_wait3A_68] : memref<64x512xf32, #tpu.memory_space<vmem>> -> memref<32x512xf32, #tpu.memory_space<vmem>>
    tpu.wait_dma2 semaphore(%arg13 : memref<!tpu.dma_semaphore, #tpu.memory_space<semaphore_mem>>) src(%dma_wait3A_69 : memref<32x512xf32, #tpu.memory_space<vmem>>) dst(%dma_wait3A_66 : memref<32x512xf32, #tpu.memory_space<hbm>>)
    %dma_wait3A_70 = arith.constant 0 : i32
    %dma_wait3A_71 = arith.constant 0 : i32
    %dma_wait3A_72 = tpu.memref_slice %arg9[%dma_wait3A_70, %dma_wait3A_71] : memref<64x512xf32, #tpu.memory_space<vmem>> -> memref<32x512xf32, #tpu.memory_space<vmem>>
    %dma_wait3A_73 = arith.constant 0 : i32
    %dma_wait3A_74 = arith.constant 0 : i32
    %dma_wait3A_75 = tpu.memref_slice %arg5[%dma_wait3A_73, %dma_wait3A_74] : memref<8192x512xf32, #tpu.memory_space<hbm>> -> memref<32x512xf32, #tpu.memory_space<hbm>>
    %dma_wait3A_76 = arith.constant 0 : i32
    %dma_wait3A_77 = arith.constant 0 : i32
    %dma_wait3A_78 = tpu.memref_slice %arg5[%dma_wait3A_76, %dma_wait3A_77] : memref<8192x512xf32, #tpu.memory_space<hbm>> -> memref<32x512xf32, #tpu.memory_space<hbm>>
    %dma_wait3A_79 = arith.constant 0 : i32
    %dma_wait3A_80 = arith.constant 0 : i32
    %dma_wait3A_81 = tpu.memref_slice %arg9[%dma_wait3A_79, %dma_wait3A_80] : memref<64x512xf32, #tpu.memory_space<vmem>> -> memref<32x512xf32, #tpu.memory_space<vmem>>
    tpu.wait_dma2 semaphore(%arg13 : memref<!tpu.dma_semaphore, #tpu.memory_space<semaphore_mem>>) src(%dma_wait3A_81 : memref<32x512xf32, #tpu.memory_space<vmem>>) dst(%dma_wait3A_78 : memref<32x512xf32, #tpu.memory_space<hbm>>)
    return
  }
}

</mosaic_0001>

<sc_bundles>
// kernel: kernel.3.cloned.1.call-start
scs
__scs_entry_jumppad:
0x0: {  	(pc) =	sbr.rel $0x88, $3  }
0x1: {  	(tag) =	ssettag $0x0;
	lr =	simm.s32 $0x1  }
0x2: {  	[smem:$0x3F9F] =	sst lr;
	_ =	strace $0xD0000000  }
0x3: {  	_ = 	snop  }
0x4: {  	_ = 	snop  }
0x5: {  	_ = 	snop  }
0x6: {  	_ = 	snop  }
0x7: {  	_ = 	snop  }
__scs_overlays_trampoline_lowered:
0x8: {  	[smem:$0x3FAE] =	sst s0  }
0x9: {  	[smem:$0x3FAF] =	sst s1  }
0xa: {  	[smem:$0x3FB0] =	sst s2  }
0xb: {  	[smem:$0x3FB1] =	sst s3  }
0xc: {  	[smem:$0x3FB2] =	sst s4  }
0xd: {  	[smem:$0x3FB3] =	sst s5  }
0xe: {  	[smem:$0x3FB4] =	sst s6  }
0xf: {  	[smem:$0x3FB5] =	sst s7  }
0x10: {  	[smem:$0x3FB6] =	sst s8  }
0x11: {  	[smem:$0x3FB7] =	sst s9;
	s0 =	simm.s32 @!p0 $0x0  }
0x12: {  	s1 =	sld [smem:$0x3F9D];
	s0 =	simm.s32 @p0 $0x1  }
0x13: {  	[smem:$0x3FB8] =	sst s0;
	s0 =	simm.s32 @!p1 $0x0  }
0x14: {  	s2 =	sld [smem:$0x3F9C];
	s0 =	simm.s32 @p1 $0x1  }
0x15: {  	[smem:$0x3FB9] =	sst s0;
	s0 =	simm.s32 @!p2 $0x0  }
0x16: {  	s3 =	sld [smem:$0x3FDB];
	s0 =	simm.s32 @p2 $0x1  }
0x17: {  	s4 =	simm.s32 $0x1BF5;
	[smem:$0x3FBB] =	sst s0  }
0x18: {  	s0 =	sld [smem:$0x3F9E];
	_ =	swait.ge [sflag:s4], $0x0  }
0x19: {  	s7 =	sld [smem:$0x3F9F]  }
0x1a: {  	s8 =	sadd.s32 $0xFFFFE003, lr  }
0x1b: {  	s9 =	sadd.s32 $0xFFFFFEF7, lr;
	s5 =	simm.s32 $0xFFFFFFFF;
	p2 =	slt.u32 s8, $0xFFFFF086  }
0x1c: {  	p1 =	slt.u32 s9, $0xF7A;
	s5 =	simm.s32 @!p2 $0x0  }
0x1d: {  	s5 =	simm.s32 @p1 $0x1;
	p0 =	seq.s32 s7, s2  }
0x1e: {  	s7 =	smul.u32 @!p0 $0xF7A, s2;
	p2 =	seq.s32 @!p0 s5, $0x0  }
0x1f: {  	s9 =	smul.u32 $0xF7A, s1;
	s8 =	simm.s32 @!p0 $0x1BF5;
	p2 =	por !p2, p0  }
0x20: {  	[sflag:s8] =	ssyncset.s32 @!p0 $0xFFFFF086;
	s6 =	sadd.s32 @!p0 s3, s7;
	s7 =	simm.s32 @!p0 $0x108  }
0x21: {  	s3 =	sadd.s32 s3, s9;
	s6 =	sadd.s32 @!p0 $0x88, s6;
	s7 =	simm.s32 @p2 $0x1082  }
0x22: {  	[simem:s7], [sflag:s8] =	dma.local @!p0 [hbm:s6], $0xF7A  }
0x23: {  	s9 =	sor.u32 $0xD0000000, s2;
	s6 =	simm.s32 $0x108;
	_ =	swait.ge @!p0 [sflag:s8], $0x0  }
0x24: {  	s3 =	sadd.s32 $0x88, s3;
	s6 =	simm.s32 @!p1 $0x1082;
	[sflag:s4] =	ssyncset.s32 $0xFFFFF086  }
0x25: {  	[simem:s6], [sflag:s4] =	dma.local [hbm:s3], $0xF7A  }
0x26: {  	[smem:$0x3F9F] =	sst s1;
	(tag) =	ssettag s2;
	_ =	strace s9  }
0x27: {  	s1 =	sld [smem:$0x3FAF]  }
0x28: {  	s2 =	sld [smem:$0x3FB0]  }
0x29: {  	s4 =	sld [smem:$0x3FB2]  }
0x2a: {  	p0 =	seq.s32 s5, $0x0;
	s5 =	sld [smem:$0x3FB3]  }
0x2b: {  	s6 =	sld [smem:$0x3FB4]  }
0x2c: {  	s7 =	sld [smem:$0x3FB5]  }
0x2d: {  	s3 =	simm.s32 $0x108;
	s8 =	sld [smem:$0x3FB6]  }
0x2e: {  	s3 =	simm.s32 @!p0 $0x1082;
	s9 =	sld [smem:$0x3FB7]  }
0x2f: {  	lr =	sadd.s32 s0, s3;
	s0 =	sld [smem:$0x3FAE]  }
0x30: {  	s3 =	sld [smem:$0x3FB1]  }
0x31: {  	[smem:$0x3FBA] =	sst s10  }
0x32: {  	s10 =	sld [smem:$0x3FB8];
	_ =	sdelay $0x3  }
0x33: {  	p0 =	seq.s32 s10, $0x1;
	s10 =	sld [smem:$0x3FBA];
	_ =	sdelay $0x3  }
0x34: {  	[smem:$0x3FBA] =	sst s10  }
0x35: {  	s10 =	sld [smem:$0x3FB9];
	_ =	sdelay $0x3  }
0x36: {  	p1 =	seq.s32 s10, $0x1;
	s10 =	sld [smem:$0x3FBA];
	_ =	sdelay $0x3  }
0x37: {  	[smem:$0x3FBA] =	sst s10  }
0x38: {  	s10 =	sld [smem:$0x3FBB]  }
0x39: {  	_ = 	snop;
	(pc) =	sbr.ind lr, $3  }
0x3a: {  	_ = 	snop  }
0x3b: {  	_ = 	snop  }
0x3c: {  	p2 =	seq.s32 s10, $0x1;
	s10 =	sld [smem:$0x3FBA]  }
0x3d: {  	_ =	shalt  }
0x3e: {  	_ =	shalt  }
0x3f: {  	_ =	shalt  }
0x40: {  	_ =	shalt  }
0x41: {  	_ =	shalt  }
0x42: {  	_ =	shalt  }
0x43: {  	_ =	shalt  }
0x44: {  	_ =	shalt  }
0x45: {  	_ =	shalt  }
0x46: {  	_ =	shalt  }
0x47: {  	_ =	shalt  }
0x48: {  	_ =	shalt  }
0x49: {  	_ =	shalt  }
0x4a: {  	_ =	shalt  }
0x4b: {  	_ =	shalt  }
0x4c: {  	_ =	shalt  }
0x4d: {  	_ =	shalt  }
0x4e: {  	_ =	shalt  }
0x4f: {  	_ =	shalt  }
0x50: {  	_ =	shalt  }
0x51: {  	_ =	shalt  }
0x52: {  	_ =	shalt  }
0x53: {  	_ =	shalt  }
0x54: {  	_ =	shalt  }
0x55: {  	_ =	shalt  }
0x56: {  	_ =	shalt  }
0x57: {  	_ =	shalt  }
0x58: {  	_ =	shalt  }
0x59: {  	_ =	shalt  }
0x5a: {  	_ =	shalt  }
0x5b: {  	_ =	shalt  }
0x5c: {  	_ =	shalt  }
0x5d: {  	_ =	shalt  }
0x5e: {  	_ =	shalt  }
0x5f: {  	_ =	shalt  }
0x60: {  	_ =	shalt  }
0x61: {  	_ =	shalt  }
0x62: {  	_ =	shalt  }
0x63: {  	_ =	shalt  }
0x64: {  	_ =	shalt  }
0x65: {  	_ =	shalt  }
0x66: {  	_ =	shalt  }
0x67: {  	_ =	shalt  }
0x68: {  	_ =	shalt  }
0x69: {  	_ =	shalt  }
0x6a: {  	_ =	shalt  }
0x6b: {  	_ =	shalt  }
0x6c: {  	_ =	shalt  }
0x6d: {  	_ =	shalt  }
0x6e: {  	_ =	shalt  }
0x6f: {  	_ =	shalt  }
0x70: {  	_ =	shalt  }
0x71: {  	_ =	shalt  }
0x72: {  	_ =	shalt  }
0x73: {  	_ =	shalt  }
0x74: {  	_ =	shalt  }
0x75: {  	_ =	shalt  }
0x76: {  	_ =	shalt  }
0x77: {  	_ =	shalt  }
0x78: {  	_ =	shalt  }
0x79: {  	_ =	shalt  }
0x7a: {  	_ =	shalt  }
0x7b: {  	_ =	shalt  }
0x7c: {  	_ =	shalt  }
0x7d: {  	_ =	shalt  }
0x7e: {  	_ =	shalt  }
0x7f: {  	_ =	shalt  }
0x80: {  	_ =	shalt  }
0x81: {  	_ =	shalt  }
0x82: {  	_ =	shalt  }
0x83: {  	_ =	shalt  }
0x84: {  	_ =	shalt  }
0x85: {  	_ =	shalt  }
0x86: {  	_ =	shalt  }
0x87: {  	_ =	shalt  }
.Lfunc_end0:
.L_simem_size_0:
called_computation_lowered:
.L_overlay_start_0:
0x88: {  	s2 =	sld [smem:$0x3FD9]  }
0x89: {  	s3 =	sld [smem:$0x3FFE];
	_ =	sdelay $0x1  }
0x8a: {  	s1 =	srdreg.scid  }
0x8b: {  	s0 =	sand.u32 $0x1, s1  }
0x8c: {  	s17 =	sshll.u32 s0, $0xA;
	s2 =	sadd.s32 s3, s2  }
0x8d: {  	s2 =	sadd.s32 s2, s17  }
0x8e: {  	[smem:$0x3FC6] =	sst s2  }
0x8f: {  	_ = 	snop  }
0x90: {  	s2 =	sld [smem:$0x3FC9]  }
0x91: {  	s18 =	sld [smem:$0x3FC8]  }
0x92: {  	s4 =	sld [smem:$0x3FD0];
	(tm) =	ssettm $0x1  }
0x93: {  	s5 =	sld [smem:$0x3FFB];
	_ =	sdelay $0x3  }
0x94: {  	_ =	strace s5  }
0x95: {  	s5 =	sld [smem:$0x3FFC];
	_ =	sdelay $0x3  }
0x96: {  	_ =	strace s5  }
0x97: {  	s5 =	sld [smem:$0x3FFD];
	_ =	sdelay $0x3  }
0x98: {  	_ =	strace s5  }
0x99: {  	_ =	strace $0x8FFFFFFF  }
0x9a: {  	s19 =	sld [smem:$0x3FDB];
	_ =	sdelay $0x1  }
0x9b: {  	s6 =	simm.s32 $_scs_section_size  }
0x9c: {  	s7 =	simm.s32 $_size__tile_overlayer_lowered;
	s8 =	simm.s32 $_tile_overlayer_lowered  }
0x9d: {  	s22 =	simm.s32 $0x1BFF;
	s21 =	sshll.u32 s8, $0x1;
	s5 =	sadd.s32 s6, s19  }
0x9e: {  	s9 =	simm.s32 $0x0;
	s20 =	sshll.u32 s7, $0x1;
	s7 =	sadd.s32 s21, s5  }
0x9f: {  	[timem:s9], [sflag:s22] =	dma.local [hbm:s7], s20  }
0xa0: {  	_ =	swait.ge [sflag:s22], s20  }
0xa1: {  	s6 =	ssub.s32 $0x0, s20;
	[sflag:s22] =	ssyncset.done $0x0  }
0xa2: {  	[sflag:s22] =	ssyncadd.s32 s6;
	_ =	sdelay $0x1  }
0xa3: {  	s23 =	simm.s32 $0x1B8B  }
0xa4: {  	_ =	swait.ge [sflag:s23], $0x1  }
0xa5: {  	[sflag:s23] =	ssyncset.done $0x0  }
0xa6: {  	s25 =	simm.s32 $0x1B8E;
	s24 =	sld [smem:$0x3FFE];
	[sflag:s23] =	ssyncadd.s32 $0xFFFFFFFF  }
0xa7: {  	s26 =	simm.s32 $execute0_lowered;
	[smem:$0x3FD2] =	sst s25  }
0xa8: {  	s7 =	sshll.u32 s26, $0x1;
	_ =	strace $0x80000046;
	[dreg:$0x1] =	wrdreg $0xFFFFFFFF  }
0xa9: {  	s28 =	simm.s32 $_size_execute0_lowered;
	s5 =	sadd.s32 s5, s7;
	[dreg:$0x0] =	wrdreg $0x0  }
0xaa: {  	s7 =	sshll.u32 s28, $0x1;
	[dreg:$0x2] =	wrdreg s5  }
0xab: {  	[dreg:$0x3] =	wrdreg s7  }
0xac: {  	[dreg:$0x4] =	wrdreg $0xC0  }
0xad: {  	_ =	task [dreg:s9], $0x5FFFF  }
0xae: {  	[dreg:$0x1] =	wrdreg $0xFFFFFFFF  }
0xaf: {  	[dreg:$0x0] =	wrdreg $0x60  }
0xb0: {  	[dreg:$0x2] =	wrdreg s2  }
0xb1: {  	[dreg:$0x3] =	wrdreg s18  }
0xb2: {  	[dreg:$0x4] =	wrdreg s24  }
0xb3: {  	[dreg:$0x5] =	wrdreg s4  }
0xb4: {  	[dreg:$0x6] =	wrdreg $0x9  }
0xb5: {  	_ =	task.clear_ibuf [dreg:s9], $0x7FFFF;
	_ =	strace $0x90000046  }
0xb6: {  	s29 =	simm.s32 $0x9;
	_ =	strace $0x80000048  }
0xb7: {  	_ =	swait.ge [sflag:s29], $0x1  }
0xb8: {  	[sflag:s29] =	ssyncadd.s32 $0xFFFFFFFF  }
0xb9: {  	_ =	strace $0x90000048  }
0xba: {  	_ =	sfence  }
0xbb: {  	s30 =	sld [smem:$0x0];
	_ =	sdelay $0x2  }
0xbc: {  	s31 =	sshll.u32 s1, $0xD;
	s1 =	sshrl.u32 s1, $0x2  }
0xbd: {  	s3 =	sand.u32 $0x4000, s31;
	s1 =	sadd.s32 s1, s30  }
0xbe: {  	s0 =	sor.u32 s3, s0;
	s1 =	sshll.u32 s1, $0x11  }
0xbf: {  	s0 =	sor.u32 s1, s0  }
0xc0: {  	s0 =	sadd.s32 $0x8F2B, s0  }
0xc1: {  	[sflag:s0] =	ssyncadd.remote.s32 $0x1  }
0xc2: {  	_ =	sfence.sel $0xFFFF  }
0xc3: {  	[dreg:$0x0] =	wrdreg $0xFFFFFFFF;
	(pc) =	sbr.abs _section_cstart, $3  }
0xc4: {  	[dreg:$0x1] =	wrdreg $0xFFFFFFFF  }
0xc5: {  	_ =	task.clear_ibuf [dreg:s9], $0x2FFFF;
	_ =	strace $0x9FFFFFFF  }
0xc6: {  	(tm) =	ssettm $0x7FFFFFFF  }
0xc7: {  	_ =	shalt  }
tec
execute0_lowered:
.L_overlay_start_1:
0x0: {  	(tag) =	ssettag $0x1  }
0x1: {  	s0 =	rddreg [dreg:$0x0]  }
0x2: {  	s1 =	rddreg [dreg:$0x1]  }
0x3: {  	s2 =	rddreg [dreg:$0x2]  }
0x4: {  	s3 =	rddreg [dreg:$0x3]  }
0x5: {  	s4 =	srdreg.scid;
	s5 =	stileid.u32;
	s16 =	simm.s32 $0x8200  }
0x6: {  	s24 =	simm.s32 $0xC200;
	s14 =	simm.s32 $0x10200;
	s11 =	simm.s32 $0x12A00  }
0x7: {  	s13 =	simm.s32 $0x13200;
	s15 =	simm.s32 $0x14200;
	s17 =	simm.s32 $0x14A00  }
0x8: {  	s18 =	simm.s32 $0x15200;
	s19 =	simm.s32 $0x15A00;
	s20 =	simm.s32 $0x16200  }
0x9: {  	s21 =	simm.s32 $0x16A00;
	s22 =	simm.s32 $0x17200;
	s23 =	simm.s32 $0x17A00  }
0xa: {  	s25 =	simm.s32 $0x1;
	s26 =	simm.s32 $0x2;
	s28 =	simm.s32 $0x3  }
0xb: {  	s29 =	simm.s32 $0x4;
	s6 =	sand.u32 $0x1, s4;
	s4 =	simm.s32 $0x0  }
0xc: {  	s5 =	sshll.u32 s5, $0x7;
	s12 =	sadd.s32 $0x800, s3;
	s7 =	sshll.u32 s6, $0x6  }
0xd: {  	[smem:$0x7FF] =	sst s4;
	s6 =	ssub.s32 $0x2, s6;
	s5 =	sor.u32 s7, s5  }
0xe: {  	_ =	strace $0x80000047;
	s10 =	sshrl.u32 s6, $0x1;
	s8 =	sshll.u32 s5, $0x2  }
0xf: {  	s5 =	sshll.u32 s5, $0x6;
	s6 =	ssub.s32 s6, s10;
	s10 =	simm.s32 $0x12200  }
0x10: {  	s9 =	sand.u32 $0x1E00, s8;
	s2 =	sadd.s32 s5, s2;
	s31 =	smax.u32 s6, $0x1  }
0x11: {  	s9 =	sor.u32 s7, s9;
	s2 =	sadd.s32 $0x400, s2;
	[dreg:$0xa] =	wrdreg s31  }
0x12: {  	s7 =	sor.u32 s7, s8;
	s9 =	sshrl.u32 s9, $0x3;
	[dreg:$0x5] =	wrdreg s2  }
.Ltmp0:
0x13: {  	s30 =	sshrl.u32 s7, $0x3;
	s9 =	sadd.s32 s0, s9;
	(pc) =	sbr.rel .LBB2_1-.Ltmp0, $4  }
0x14: {  	s7 =	sor.u32 $0x20, s30;
	[dreg:$0x6] =	wrdreg s9;
	s9 =	sadd.s32 $0x10, s9  }
0x15: {  	v2 =	vlaneseq.u32;
	s2 =	sor.u32 $0x30, s30;
	s7 =	sadd.s32 s0, s7;
	[dreg:$0x7] =	wrdreg s9  }
0x16: {  	vm0 =	vmmov $0xffff;
	v1 =	vshrl.u32 v2, $0x3;
	s8 =	sadd.s32 $0x100, s1;
	s0 =	sadd.s32 s0, s2;
	[dreg:$0x8] =	wrdreg s7  }
0x17: {  	v0 =	vand.u32 $0x7, v2;
	v2 =	vor.u32 $0x8, v2;
	v1 =	vmul.u32 $0x8, v1;
	s2 =	simm.s32 $0x0;
	[dreg:$0x9] =	wrdreg s0;
	s7 =	simm.s32 $0x13A00  }
.LBB2_12:
0x18: {  	_ =	swait.ge [sflag:s29], $0x4000  }
0x19: {  	[sflag:s29] =	ssyncset.done $0x0  }
0x1a: {  	[sflag:s29] =	ssyncadd.s32 $0xFFFFC000  }
0x1b: {  	_ =	swait.ge [sflag:s29], $0x4000  }
0x1c: {  	s2 =	rddreg [dreg:$0xb]  }
0x1d: {  	s0 =	rddreg [dreg:$0xa];
	s2 =	sadd.s32 $0x1, s2  }
0x1e: {  	p0 =	sne.s32 s2, s0  }
.Ltmp1:
0x1f: {  	_ = 	snop;
	(pc) =	sbr.rel @!p0 .LBB2_13-.Ltmp1, $3  }
0x20: {  	_ =	sdelay $0x1  }
0x21: {  	[sflag:s29] =	ssyncset.done $0x0  }
0x22: {  	[sflag:s29] =	ssyncadd.s32 $0xFFFFC000  }
.LBB2_1:
0x23: {  	[dreg:$0xb] =	wrdreg s2  }
0x24: {  	s0 =	rddreg [dreg:$0x5];
	s31 =	simm.s32 $0x200  }
0x25: {  	[tilespmem:s31], [sflag:$0x5] =	stream.linear.gather [hbm4b:s0+s4], $0x8000, $0x38;
	[tilespmem:$0x18200] =	vst v63  }
0x26: {  	s2 =	rddreg [dreg:$0x6]  }
0x27: {  	[tilespmem:s4], [sflag:$0x6] =	stream.linear.gather [hbm4b:s2+s4], $0x40, $0x38;
	[tilespmem:$0x18200] =	vst v63  }
0x28: {  	s2 =	simm.s32 $0x6  }
0x29: {  	_ =	swait.ge [sflag:s2], $0x40  }
0x2a: {  	[sflag:s2] =	ssyncset.done $0x0  }
0x2b: {  	[sflag:s2] =	ssyncadd.s32 $0xFFFFFFC0  }
0x2c: {  	v3 =	vld [tilespmem:$0x0];
	_ =	sdelay $0x4  }
0x2d: {  	v4 =	vshll.u32 v3, $0x2  }
0x2e: {  	v3 =	vand.u32 $0x7, v3;
	v4 =	vand.u32 $0xFFFFFFE0, v4  }
0x2f: {  	v3 =	vor.u32 v3, v4  }
0x30: {  	v4 =	vperm.xlane v3, v0;
	_ =	sdelay $0x1  }
0x31: {  	v4 =	vadd.s32 v1, v4;
	_ =	sdelay $0x1  }
0x32: {  	v3 =	vperm.xlane v3, v2;
	_ =	sdelay $0x1  }
0x33: {  	v3 =	vadd.s32 v1, v3  }
0x34: {  	[tilespmem:s16], [sflag:$0x1] =	stream.indirect_vreg.gather [hbm4b:s1+s4], $0x80, v4, vm0, $0xb8;
	[tilespmem:$0x18200] =	vst v63  }
0x35: {  	s6 =	simm.s32 $0x8A00  }
0x36: {  	[tilespmem:s6], [sflag:$0x1] =	stream.indirect_vreg.gather [hbm4b:s8+s4], $0x80, v4, vm0, $0xb8;
	[tilespmem:$0x18200] =	vst v63  }
0x37: {  	s9 =	simm.s32 $0x9200  }
0x38: {  	[tilespmem:s9], [sflag:$0x1] =	stream.indirect_vreg.gather [hbm4b:s1+s4], $0x80, v3, vm0, $0xb8;
	[tilespmem:$0x18200] =	vst v63  }
0x39: {  	s31 =	simm.s32 $0x9A00  }
0x3a: {  	[tilespmem:s31], [sflag:$0x1] =	stream.indirect_vreg.gather [hbm4b:s8+s4], $0x80, v3, vm0, $0xb8;
	[tilespmem:$0x18200] =	vst v63  }
0x3b: {  	v3 =	vld [tilespmem:$0x10];
	_ =	sdelay $0x4  }
0x3c: {  	v57 =	vshll.u32 v3, $0x2  }
0x3d: {  	v3 =	vand.u32 $0x7, v3;
	v4 =	vand.u32 $0xFFFFFFE0, v57  }
0x3e: {  	v3 =	vor.u32 v3, v4  }
0x3f: {  	v4 =	vperm.xlane v3, v0;
	_ =	sdelay $0x1  }
0x40: {  	v4 =	vadd.s32 v1, v4;
	_ =	sdelay $0x1  }
0x41: {  	v3 =	vperm.xlane v3, v2;
	_ =	sdelay $0x1  }
0x42: {  	s6 =	simm.s32 $0xA200;
	v3 =	vadd.s32 v1, v3  }
0x43: {  	[tilespmem:s6], [sflag:$0x1] =	stream.indirect_vreg.gather [hbm4b:s1+s4], $0x80, v4, vm0, $0xb8;
	[tilespmem:$0x18200] =	vst v63  }
0x44: {  	s9 =	simm.s32 $0xAA00  }
0x45: {  	[tilespmem:s9], [sflag:$0x1] =	stream.indirect_vreg.gather [hbm4b:s8+s4], $0x80, v4, vm0, $0xb8;
	[tilespmem:$0x18200] =	vst v63  }
0x46: {  	s31 =	simm.s32 $0xB200  }
0x47: {  	[tilespmem:s31], [sflag:$0x1] =	stream.indirect_vreg.gather [hbm4b:s1+s4], $0x80, v3, vm0, $0xb8;
	[tilespmem:$0x18200] =	vst v63  }
0x48: {  	s6 =	simm.s32 $0xBA00  }
0x49: {  	[tilespmem:s6], [sflag:$0x1] =	stream.indirect_vreg.gather [hbm4b:s8+s4], $0x80, v3, vm0, $0xb8;
	[tilespmem:$0x18200] =	vst v63  }
0x4a: {  	v3 =	vld [tilespmem:$0x20];
	_ =	sdelay $0x4  }
0x4b: {  	v58 =	vshll.u32 v3, $0x2  }
0x4c: {  	v3 =	vand.u32 $0x7, v3;
	v4 =	vand.u32 $0xFFFFFFE0, v58  }
0x4d: {  	v3 =	vor.u32 v3, v4  }
0x4e: {  	v4 =	vperm.xlane v3, v0;
	_ =	sdelay $0x1  }
0x4f: {  	v4 =	vadd.s32 v1, v4;
	_ =	sdelay $0x1  }
0x50: {  	v3 =	vperm.xlane v3, v2;
	_ =	sdelay $0x1  }
0x51: {  	v3 =	vadd.s32 v1, v3  }
0x52: {  	[tilespmem:s24], [sflag:$0x1] =	stream.indirect_vreg.gather [hbm4b:s1+s4], $0x80, v4, vm0, $0xb8;
	[tilespmem:$0x18200] =	vst v63  }
0x53: {  	s9 =	simm.s32 $0xCA00  }
0x54: {  	[tilespmem:s9], [sflag:$0x1] =	stream.indirect_vreg.gather [hbm4b:s8+s4], $0x80, v4, vm0, $0xb8;
	[tilespmem:$0x18200] =	vst v63  }
0x55: {  	s31 =	simm.s32 $0xD200  }
0x56: {  	[tilespmem:s31], [sflag:$0x1] =	stream.indirect_vreg.gather [hbm4b:s1+s4], $0x80, v3, vm0, $0xb8;
	[tilespmem:$0x18200] =	vst v63  }
0x57: {  	s6 =	simm.s32 $0xDA00  }
0x58: {  	[tilespmem:s6], [sflag:$0x1] =	stream.indirect_vreg.gather [hbm4b:s8+s4], $0x80, v3, vm0, $0xb8;
	[tilespmem:$0x18200] =	vst v63  }
0x59: {  	v3 =	vld [tilespmem:$0x30];
	_ =	sdelay $0x4  }
0x5a: {  	v59 =	vshll.u32 v3, $0x2  }
0x5b: {  	v3 =	vand.u32 $0x7, v3;
	v4 =	vand.u32 $0xFFFFFFE0, v59  }
0x5c: {  	v3 =	vor.u32 v3, v4  }
0x5d: {  	v4 =	vperm.xlane v3, v0;
	_ =	sdelay $0x1  }
0x5e: {  	v4 =	vadd.s32 v1, v4;
	_ =	sdelay $0x1  }
0x5f: {  	v3 =	vperm.xlane v3, v2;
	_ =	sdelay $0x1  }
0x60: {  	s9 =	simm.s32 $0xE200;
	v3 =	vadd.s32 v1, v3  }
0x61: {  	[tilespmem:s9], [sflag:$0x1] =	stream.indirect_vreg.gather [hbm4b:s1+s4], $0x80, v4, vm0, $0xb8;
	[tilespmem:$0x18200] =	vst v63  }
0x62: {  	s31 =	simm.s32 $0xEA00  }
0x63: {  	[tilespmem:s31], [sflag:$0x1] =	stream.indirect_vreg.gather [hbm4b:s8+s4], $0x80, v4, vm0, $0xb8;
	[tilespmem:$0x18200] =	vst v63  }
0x64: {  	s6 =	simm.s32 $0xF200  }
0x65: {  	[tilespmem:s6], [sflag:$0x1] =	stream.indirect_vreg.gather [hbm4b:s1+s4], $0x80, v3, vm0, $0xb8;
	[tilespmem:$0x18200] =	vst v63  }
0x66: {  	s9 =	simm.s32 $0xFA00  }
0x67: {  	[tilespmem:s9], [sflag:$0x1] =	stream.indirect_vreg.gather [hbm4b:s8+s4], $0x80, v3, vm0, $0xb8;
	[tilespmem:$0x18200] =	vst v63  }
0x68: {  	s31 =	rddreg [dreg:$0x7];
	s6 =	simm.s32 $0x80  }
0x69: {  	[tilespmem:s6], [sflag:$0x6] =	stream.linear.gather [hbm4b:s31+s4], $0x40, $0x38;
	[tilespmem:$0x18200] =	vst v63  }
0x6a: {  	_ =	swait.ge [sflag:s2], $0x40  }
0x6b: {  	[sflag:s2] =	ssyncset.done $0x0  }
0x6c: {  	[sflag:s2] =	ssyncadd.s32 $0xFFFFFFC0  }
0x6d: {  	v3 =	vld [tilespmem:$0x80];
	_ =	sdelay $0x4  }
0x6e: {  	v60 =	vshll.u32 v3, $0x2  }
0x6f: {  	v3 =	vand.u32 $0x7, v3;
	v4 =	vand.u32 $0xFFFFFFE0, v60  }
0x70: {  	v3 =	vor.u32 v3, v4  }
0x71: {  	v4 =	vperm.xlane v3, v0;
	_ =	sdelay $0x1  }
0x72: {  	v4 =	vadd.s32 v1, v4;
	_ =	sdelay $0x1  }
0x73: {  	v3 =	vperm.xlane v3, v2;
	_ =	sdelay $0x1  }
0x74: {  	v3 =	vadd.s32 v1, v3  }
0x75: {  	[tilespmem:s14], [sflag:$0x2] =	stream.indirect_vreg.gather [hbm4b:s1+s4], $0x80, v4, vm0, $0xb8;
	[tilespmem:$0x18200] =	vst v63  }
0x76: {  	s9 =	simm.s32 $0x10A00  }
0x77: {  	[tilespmem:s9], [sflag:$0x2] =	stream.indirect_vreg.gather [hbm4b:s8+s4], $0x80, v4, vm0, $0xb8;
	[tilespmem:$0x18200] =	vst v63  }
0x78: {  	s31 =	simm.s32 $0x11200  }
0x79: {  	[tilespmem:s31], [sflag:$0x2] =	stream.indirect_vreg.gather [hbm4b:s1+s4], $0x80, v3, vm0, $0xb8;
	[tilespmem:$0x18200] =	vst v63  }
0x7a: {  	s6 =	simm.s32 $0x11A00  }
0x7b: {  	[tilespmem:s6], [sflag:$0x2] =	stream.indirect_vreg.gather [hbm4b:s8+s4], $0x80, v3, vm0, $0xb8;
	[tilespmem:$0x18200] =	vst v63  }
0x7c: {  	v3 =	vld [tilespmem:$0x90];
	_ =	sdelay $0x4  }
0x7d: {  	v61 =	vshll.u32 v3, $0x2  }
0x7e: {  	v3 =	vand.u32 $0x7, v3;
	v4 =	vand.u32 $0xFFFFFFE0, v61  }
0x7f: {  	v3 =	vor.u32 v3, v4  }
0x80: {  	v4 =	vperm.xlane v3, v0;
	_ =	sdelay $0x1  }
0x81: {  	v4 =	vadd.s32 v1, v4;
	_ =	sdelay $0x1  }
0x82: {  	v3 =	vperm.xlane v3, v2;
	_ =	sdelay $0x1  }
0x83: {  	v3 =	vadd.s32 v1, v3  }
0x84: {  	[tilespmem:s10], [sflag:$0x2] =	stream.indirect_vreg.gather [hbm4b:s1+s4], $0x80, v4, vm0, $0xb8;
	[tilespmem:$0x18200] =	vst v63  }
0x85: {  	_ = 	snop  }
0x86: {  	[tilespmem:s11], [sflag:$0x2] =	stream.indirect_vreg.gather [hbm4b:s8+s4], $0x80, v4, vm0, $0xb8;
	[tilespmem:$0x18200] =	vst v63  }
0x87: {  	_ = 	snop  }
0x88: {  	[tilespmem:s13], [sflag:$0x2] =	stream.indirect_vreg.gather [hbm4b:s1+s4], $0x80, v3, vm0, $0xb8;
	[tilespmem:$0x18200] =	vst v63  }
0x89: {  	_ = 	snop  }
0x8a: {  	[tilespmem:s7], [sflag:$0x2] =	stream.indirect_vreg.gather [hbm4b:s8+s4], $0x80, v3, vm0, $0xb8;
	[tilespmem:$0x18200] =	vst v63  }
0x8b: {  	v3 =	vld [tilespmem:$0xA0];
	_ =	sdelay $0x4  }
0x8c: {  	v62 =	vshll.u32 v3, $0x2  }
0x8d: {  	v3 =	vand.u32 $0x7, v3;
	v4 =	vand.u32 $0xFFFFFFE0, v62  }
0x8e: {  	v3 =	vor.u32 v3, v4  }
0x8f: {  	v4 =	vperm.xlane v3, v0;
	_ =	sdelay $0x1  }
0x90: {  	v4 =	vadd.s32 v1, v4;
	_ =	sdelay $0x1  }
0x91: {  	v3 =	vperm.xlane v3, v2;
	_ =	sdelay $0x1  }
0x92: {  	v3 =	vadd.s32 v1, v3  }
0x93: {  	[tilespmem:s15], [sflag:$0x2] =	stream.indirect_vreg.gather [hbm4b:s1+s4], $0x80, v4, vm0, $0xb8;
	[tilespmem:$0x18200] =	vst v63  }
0x94: {  	_ = 	snop  }
0x95: {  	[tilespmem:s17], [sflag:$0x2] =	stream.indirect_vreg.gather [hbm4b:s8+s4], $0x80, v4, vm0, $0xb8;
	[tilespmem:$0x18200] =	vst v63  }
0x96: {  	_ = 	snop  }
0x97: {  	[tilespmem:s18], [sflag:$0x2] =	stream.indirect_vreg.gather [hbm4b:s1+s4], $0x80, v3, vm0, $0xb8;
	[tilespmem:$0x18200] =	vst v63  }
0x98: {  	_ = 	snop  }
0x99: {  	[tilespmem:s19], [sflag:$0x2] =	stream.indirect_vreg.gather [hbm4b:s8+s4], $0x80, v3, vm0, $0xb8;
	[tilespmem:$0x18200] =	vst v63  }
0x9a: {  	v3 =	vld [tilespmem:$0xB0];
	_ =	sdelay $0x4  }
0x9b: {  	v63 =	vshll.u32 v3, $0x2  }
0x9c: {  	v3 =	vand.u32 $0x7, v3;
	v4 =	vand.u32 $0xFFFFFFE0, v63  }
0x9d: {  	v3 =	vor.u32 v3, v4  }
0x9e: {  	v4 =	vperm.xlane v3, v0;
	_ =	sdelay $0x1  }
0x9f: {  	v4 =	vadd.s32 v1, v4;
	_ =	sdelay $0x1  }
0xa0: {  	v3 =	vperm.xlane v3, v2;
	_ =	sdelay $0x1  }
0xa1: {  	v3 =	vadd.s32 v1, v3  }
0xa2: {  	[tilespmem:s20], [sflag:$0x2] =	stream.indirect_vreg.gather [hbm4b:s1+s4], $0x80, v4, vm0, $0xb8;
	[tilespmem:$0x18200] =	vst v63  }
0xa3: {  	_ = 	snop  }
0xa4: {  	[tilespmem:s21], [sflag:$0x2] =	stream.indirect_vreg.gather [hbm4b:s8+s4], $0x80, v4, vm0, $0xb8;
	[tilespmem:$0x18200] =	vst v63  }
0xa5: {  	_ = 	snop  }
0xa6: {  	[tilespmem:s22], [sflag:$0x2] =	stream.indirect_vreg.gather [hbm4b:s1+s4], $0x80, v3, vm0, $0xb8;
	[tilespmem:$0x18200] =	vst v63  }
0xa7: {  	_ = 	snop  }
0xa8: {  	[tilespmem:s23], [sflag:$0x2] =	stream.indirect_vreg.gather [hbm4b:s8+s4], $0x80, v3, vm0, $0xb8;
	[tilespmem:$0x18200] =	vst v63  }
0xa9: {  	s9 =	rddreg [dreg:$0x8];
	s31 =	simm.s32 $0x100  }
0xaa: {  	[tilespmem:s31], [sflag:$0x6] =	stream.linear.gather [hbm4b:s9+s4], $0x40, $0x38;
	[tilespmem:$0x18200] =	vst v63  }
0xab: {  	_ =	swait.ge [sflag:s2], $0x40  }
0xac: {  	[sflag:s2] =	ssyncset.done $0x0  }
0xad: {  	s9 =	simm.s32 $0x180;
	s6 =	rddreg [dreg:$0x9];
	[sflag:s2] =	ssyncadd.s32 $0xFFFFFFC0  }
0xae: {  	[tilespmem:s9], [sflag:$0x6] =	stream.linear.gather [hbm4b:s6+s4], $0x40, $0x38;
	[tilespmem:$0x18200] =	vst v63  }
0xaf: {  	_ =	swait.ge [sflag:s2], $0x40  }
0xb0: {  	[sflag:s2] =	ssyncset.done $0x0  }
0xb1: {  	s31 =	simm.s32 $0x5;
	[sflag:s2] =	ssyncadd.s32 $0xFFFFFFC0  }
0xb2: {  	_ =	swait.ge [sflag:s31], $0x8000  }
0xb3: {  	[sflag:s31] =	ssyncset.done $0x0  }
0xb4: {  	p0 =	por $0x1, $0x1;
	s30 =	simm.s32 $0x0;
	[sflag:s31] =	ssyncadd.s32 $0xFFFF8000  }
.LBB2_2:
0xb5: {  	_ =	swait.ge [sflag:s25], $0x8000;
	s0 =	simm.s32 $0x0  }
0xb6: {  	[sflag:s25] =	ssyncset.done $0x0;
	s2 =	sand.u32 $0x3000, s0;
	s0 =	sand.u32 $0x380, s0  }
0xb7: {  	[sflag:s25] =	ssyncadd.s32 $0xFFFF8000;
	s31 =	sor.u32 s0, s2  }
0xb8: {  	v3 =	vld [tilespmem:s31+$0xE70]  }
0xb9: {  	v4 =	vld [tilespmem:s31+$0x200]  }
0xba: {  	v5 =	vld [tilespmem:s31+$0x210]  }
0xbb: {  	v6 =	vld [tilespmem:s31+$0x220]  }
0xbc: {  	v7 =	vld [tilespmem:s31+$0x230]  }
0xbd: {  	v8 =	vld [tilespmem:s31+$0x240]  }
0xbe: {  	v9 =	vld [tilespmem:s31+$0x250]  }
0xbf: {  	v10 =	vld [tilespmem:s31+$0x260]  }
0xc0: {  	v11 =	vld [tilespmem:s31+$0x270]  }
0xc1: {  	v12 =	vld [tilespmem:s31+$0x600]  }
0xc2: {  	v13 =	vld [tilespmem:s31+$0x610]  }
0xc3: {  	v14 =	vld [tilespmem:s31+$0x620]  }
0xc4: {  	v15 =	vld [tilespmem:s31+$0x630]  }
0xc5: {  	v16 =	vld [tilespmem:s31+$0x640]  }
0xc6: {  	v17 =	vld [tilespmem:s31+$0x650]  }
0xc7: {  	v18 =	vld [tilespmem:s31+$0x660]  }
0xc8: {  	v19 =	vld [tilespmem:s31+$0x670]  }
0xc9: {  	v20 =	vld [tilespmem:s31+$0xA00]  }
0xca: {  	v21 =	vld [tilespmem:s31+$0xA10]  }
0xcb: {  	v22 =	vld [tilespmem:s31+$0xA20]  }
0xcc: {  	v23 =	vld [tilespmem:s31+$0xA30]  }
0xcd: {  	v24 =	vld [tilespmem:s31+$0xA40]  }
0xce: {  	v25 =	vld [tilespmem:s31+$0xA50]  }
0xcf: {  	v26 =	vld [tilespmem:s31+$0xA60]  }
0xd0: {  	v27 =	vld [tilespmem:s31+$0xA70]  }
0xd1: {  	v28 =	vld [tilespmem:s31+$0xE00]  }
0xd2: {  	v29 =	vld [tilespmem:s31+$0xE10]  }
0xd3: {  	v30 =	vld [tilespmem:s31+$0xE20]  }
0xd4: {  	v31 =	vld [tilespmem:s31+$0xE30]  }
0xd5: {  	v32 =	vld [tilespmem:s31+$0xE40]  }
0xd6: {  	v33 =	vld [tilespmem:s31+$0xE50]  }
0xd7: {  	[tilespmem:s31+$0x8E70] =	vst.add.f32.msk $0xffff, v3  }
0xd8: {  	v3 =	vld [tilespmem:s31+$0xE60]  }
0xd9: {  	[tilespmem:s31+$0x8200] =	vst.add.f32.msk $0xffff, v4  }
0xda: {  	[tilespmem:s31+$0x8210] =	vst.add.f32.msk $0xffff, v5  }
0xdb: {  	[tilespmem:s31+$0x8220] =	vst.add.f32.msk $0xffff, v6  }
0xdc: {  	[tilespmem:s31+$0x8230] =	vst.add.f32.msk $0xffff, v7  }
0xdd: {  	[tilespmem:s31+$0x8240] =	vst.add.f32.msk $0xffff, v8  }
0xde: {  	[tilespmem:s31+$0x8250] =	vst.add.f32.msk $0xffff, v9  }
0xdf: {  	[tilespmem:s31+$0x8260] =	vst.add.f32.msk $0xffff, v10  }
0xe0: {  	[tilespmem:s31+$0x8270] =	vst.add.f32.msk $0xffff, v11  }
0xe1: {  	[tilespmem:s31+$0x8600] =	vst.add.f32.msk $0xffff, v12  }
0xe2: {  	[tilespmem:s31+$0x8610] =	vst.add.f32.msk $0xffff, v13  }
0xe3: {  	[tilespmem:s31+$0x8620] =	vst.add.f32.msk $0xffff, v14  }
0xe4: {  	[tilespmem:s31+$0x8630] =	vst.add.f32.msk $0xffff, v15  }
0xe5: {  	[tilespmem:s31+$0x8640] =	vst.add.f32.msk $0xffff, v16  }
0xe6: {  	[tilespmem:s31+$0x8650] =	vst.add.f32.msk $0xffff, v17  }
0xe7: {  	[tilespmem:s31+$0x8660] =	vst.add.f32.msk $0xffff, v18  }
0xe8: {  	[tilespmem:s31+$0x8670] =	vst.add.f32.msk $0xffff, v19  }
0xe9: {  	[tilespmem:s31+$0x8A00] =	vst.add.f32.msk $0xffff, v20  }
0xea: {  	[tilespmem:s31+$0x8A10] =	vst.add.f32.msk $0xffff, v21  }
0xeb: {  	[tilespmem:s31+$0x8A20] =	vst.add.f32.msk $0xffff, v22  }
0xec: {  	[tilespmem:s31+$0x8A30] =	vst.add.f32.msk $0xffff, v23  }
0xed: {  	[tilespmem:s31+$0x8A40] =	vst.add.f32.msk $0xffff, v24  }
0xee: {  	[tilespmem:s31+$0x8A50] =	vst.add.f32.msk $0xffff, v25  }
0xef: {  	[tilespmem:s31+$0x8A60] =	vst.add.f32.msk $0xffff, v26  }
0xf0: {  	[tilespmem:s31+$0x8A70] =	vst.add.f32.msk $0xffff, v27  }
0xf1: {  	[tilespmem:s31+$0x8E00] =	vst.add.f32.msk $0xffff, v28  }
0xf2: {  	[tilespmem:s31+$0x8E10] =	vst.add.f32.msk $0xffff, v29  }
0xf3: {  	[tilespmem:s31+$0x8E20] =	vst.add.f32.msk $0xffff, v30  }
0xf4: {  	[tilespmem:s31+$0x8E30] =	vst.add.f32.msk $0xffff, v31  }
0xf5: {  	s9 =	simm.s32 $0x200;
	s0 =	simm.s32 $0x80;
	[tilespmem:s31+$0x8E40] =	vst.add.f32.msk $0xffff, v32  }
0xf6: {  	s6 =	sand.u32 $0x3000, s9;
	s2 =	simm.s32 $0x400;
	s9 =	sand.u32 $0x380, s0;
	[tilespmem:s31+$0x8E50] =	vst.add.f32.msk $0xffff, v33  }
.LBB2_3:
0xf7: {  	p1 =	sne.s32 s2, $0x3E00;
	[tilespmem:s31+$0x8E60] =	vst.add.f32.msk $0xffff, v3;
	s31 =	sor.u32 s9, s6  }
0xf8: {  	v3 =	vld [tilespmem:s31+$0xE70]  }
0xf9: {  	v4 =	vld [tilespmem:s31+$0x200]  }
0xfa: {  	v5 =	vld [tilespmem:s31+$0x210]  }
0xfb: {  	v6 =	vld [tilespmem:s31+$0x220]  }
0xfc: {  	v7 =	vld [tilespmem:s31+$0x230]  }
0xfd: {  	[tilespmem:s31+$0x8E70] =	vst.add.f32.msk $0xffff, v3  }
0xfe: {  	v8 =	vld [tilespmem:s31+$0x240]  }
0xff: {  	v9 =	vld [tilespmem:s31+$0x250]  }
0x100: {  	v10 =	vld [tilespmem:s31+$0x260]  }
0x101: {  	v11 =	vld [tilespmem:s31+$0x270]  }
0x102: {  	v12 =	vld [tilespmem:s31+$0x600]  }
0x103: {  	v13 =	vld [tilespmem:s31+$0x610]  }
0x104: {  	v14 =	vld [tilespmem:s31+$0x620]  }
0x105: {  	v15 =	vld [tilespmem:s31+$0x630]  }
0x106: {  	v16 =	vld [tilespmem:s31+$0x640]  }
0x107: {  	v17 =	vld [tilespmem:s31+$0x650]  }
0x108: {  	v18 =	vld [tilespmem:s31+$0x660]  }
0x109: {  	v19 =	vld [tilespmem:s31+$0x670]  }
0x10a: {  	v20 =	vld [tilespmem:s31+$0xA00]  }
0x10b: {  	v21 =	vld [tilespmem:s31+$0xA10]  }
0x10c: {  	v22 =	vld [tilespmem:s31+$0xA20]  }
0x10d: {  	v23 =	vld [tilespmem:s31+$0xA30]  }
0x10e: {  	v24 =	vld [tilespmem:s31+$0xA40]  }
0x10f: {  	v25 =	vld [tilespmem:s31+$0xA50]  }
0x110: {  	v26 =	vld [tilespmem:s31+$0xA60]  }
0x111: {  	v27 =	vld [tilespmem:s31+$0xA70]  }
0x112: {  	v28 =	vld [tilespmem:s31+$0xE00]  }
0x113: {  	v29 =	vld [tilespmem:s31+$0xE10]  }
0x114: {  	v30 =	vld [tilespmem:s31+$0xE20]  }
0x115: {  	v31 =	vld [tilespmem:s31+$0xE30]  }
0x116: {  	v32 =	vld [tilespmem:s31+$0xE40]  }
0x117: {  	v33 =	vld [tilespmem:s31+$0xE50]  }
0x118: {  	v3 =	vld [tilespmem:s31+$0xE60]  }
0x119: {  	[tilespmem:s31+$0x8200] =	vst.add.f32.msk $0xffff, v4  }
0x11a: {  	[tilespmem:s31+$0x8210] =	vst.add.f32.msk $0xffff, v5  }
0x11b: {  	[tilespmem:s31+$0x8220] =	vst.add.f32.msk $0xffff, v6  }
0x11c: {  	[tilespmem:s31+$0x8230] =	vst.add.f32.msk $0xffff, v7  }
0x11d: {  	[tilespmem:s31+$0x8240] =	vst.add.f32.msk $0xffff, v8  }
0x11e: {  	[tilespmem:s31+$0x8250] =	vst.add.f32.msk $0xffff, v9  }
0x11f: {  	[tilespmem:s31+$0x8260] =	vst.add.f32.msk $0xffff, v10  }
0x120: {  	[tilespmem:s31+$0x8270] =	vst.add.f32.msk $0xffff, v11  }
0x121: {  	[tilespmem:s31+$0x8600] =	vst.add.f32.msk $0xffff, v12  }
0x122: {  	[tilespmem:s31+$0x8610] =	vst.add.f32.msk $0xffff, v13  }
0x123: {  	[tilespmem:s31+$0x8620] =	vst.add.f32.msk $0xffff, v14  }
0x124: {  	[tilespmem:s31+$0x8630] =	vst.add.f32.msk $0xffff, v15  }
0x125: {  	[tilespmem:s31+$0x8640] =	vst.add.f32.msk $0xffff, v16  }
0x126: {  	[tilespmem:s31+$0x8650] =	vst.add.f32.msk $0xffff, v17  }
0x127: {  	[tilespmem:s31+$0x8660] =	vst.add.f32.msk $0xffff, v18  }
0x128: {  	[tilespmem:s31+$0x8670] =	vst.add.f32.msk $0xffff, v19  }
0x129: {  	[tilespmem:s31+$0x8A00] =	vst.add.f32.msk $0xffff, v20  }
0x12a: {  	[tilespmem:s31+$0x8A10] =	vst.add.f32.msk $0xffff, v21  }
0x12b: {  	[tilespmem:s31+$0x8A20] =	vst.add.f32.msk $0xffff, v22  }
0x12c: {  	[tilespmem:s31+$0x8A30] =	vst.add.f32.msk $0xffff, v23  }
0x12d: {  	[tilespmem:s31+$0x8A40] =	vst.add.f32.msk $0xffff, v24  }
0x12e: {  	[tilespmem:s31+$0x8A50] =	vst.add.f32.msk $0xffff, v25  }
0x12f: {  	[tilespmem:s31+$0x8A60] =	vst.add.f32.msk $0xffff, v26  }
0x130: {  	[tilespmem:s31+$0x8A70] =	vst.add.f32.msk $0xffff, v27  }
0x131: {  	[tilespmem:s31+$0x8E00] =	vst.add.f32.msk $0xffff, v28  }
.Ltmp2:
0x132: {  	[tilespmem:s31+$0x8E10] =	vst.add.f32.msk $0xffff, v29;
	(pc) =	sbr.rel @p1 .LBB2_3-.Ltmp2, $4  }
0x133: {  	[tilespmem:s31+$0x8E20] =	vst.add.f32.msk $0xffff, v30  }
0x134: {  	[tilespmem:s31+$0x8E30] =	vst.add.f32.msk $0xffff, v31  }
0x135: {  	s0 =	sadd.s32 $0x80, s0;
	[tilespmem:s31+$0x8E40] =	vst.add.f32.msk $0xffff, v32  }
0x136: {  	s6 =	sand.u32 $0x3000, s2;
	s2 =	sadd.s32 $0x200, s2;
	s9 =	sand.u32 $0x380, s0;
	[tilespmem:s31+$0x8E50] =	vst.add.f32.msk $0xffff, v33  }
0x137: {  	s0 =	sor.u32 s9, s6;
	[tilespmem:s31+$0x8E60] =	vst.add.f32.msk $0xffff, v3  }
0x138: {  	v3 =	vld [tilespmem:s0+$0xE70]  }
0x139: {  	v4 =	vld [tilespmem:s0+$0x200]  }
0x13a: {  	v5 =	vld [tilespmem:s0+$0x210]  }
0x13b: {  	v6 =	vld [tilespmem:s0+$0x220]  }
0x13c: {  	v7 =	vld [tilespmem:s0+$0x230]  }
0x13d: {  	v8 =	vld [tilespmem:s0+$0x250]  }
0x13e: {  	v9 =	vld [tilespmem:s0+$0x260]  }
0x13f: {  	v10 =	vld [tilespmem:s0+$0x270]  }
0x140: {  	v11 =	vld [tilespmem:s0+$0x600]  }
0x141: {  	v12 =	vld [tilespmem:s0+$0x610]  }
0x142: {  	v13 =	vld [tilespmem:s0+$0x620]  }
0x143: {  	v14 =	vld [tilespmem:s0+$0x630]  }
0x144: {  	v15 =	vld [tilespmem:s0+$0x640]  }
0x145: {  	v16 =	vld [tilespmem:s0+$0x650]  }
0x146: {  	v17 =	vld [tilespmem:s0+$0x660]  }
0x147: {  	v18 =	vld [tilespmem:s0+$0x670]  }
0x148: {  	v19 =	vld [tilespmem:s0+$0xA00]  }
0x149: {  	v20 =	vld [tilespmem:s0+$0xA10]  }
0x14a: {  	v21 =	vld [tilespmem:s0+$0xA20]  }
0x14b: {  	v22 =	vld [tilespmem:s0+$0xA30]  }
0x14c: {  	v23 =	vld [tilespmem:s0+$0xA40]  }
0x14d: {  	v24 =	vld [tilespmem:s0+$0xA50]  }
0x14e: {  	v25 =	vld [tilespmem:s0+$0xA60]  }
0x14f: {  	v26 =	vld [tilespmem:s0+$0xA70]  }
0x150: {  	v27 =	vld [tilespmem:s0+$0xE00]  }
0x151: {  	v28 =	vld [tilespmem:s0+$0xE10]  }
0x152: {  	v29 =	vld [tilespmem:s0+$0xE20]  }
0x153: {  	v30 =	vld [tilespmem:s0+$0xE30]  }
0x154: {  	v31 =	vld [tilespmem:s0+$0xE40]  }
0x155: {  	v32 =	vld [tilespmem:s0+$0xE50]  }
0x156: {  	v33 =	vld [tilespmem:s0+$0xE60]  }
0x157: {  	[tilespmem:s0+$0x8E70] =	vst.add.f32.msk $0xffff, v3  }
0x158: {  	v3 =	vld [tilespmem:s0+$0x240]  }
0x159: {  	[tilespmem:s0+$0x8200] =	vst.add.f32.msk $0xffff, v4  }
0x15a: {  	[tilespmem:s0+$0x8210] =	vst.add.f32.msk $0xffff, v5  }
0x15b: {  	[tilespmem:s0+$0x8220] =	vst.add.f32.msk $0xffff, v6  }
0x15c: {  	[tilespmem:s0+$0x8230] =	vst.add.f32.msk $0xffff, v7  }
0x15d: {  	[tilespmem:s0+$0x8250] =	vst.add.f32.msk $0xffff, v8  }
0x15e: {  	[tilespmem:s0+$0x8260] =	vst.add.f32.msk $0xffff, v9  }
0x15f: {  	[tilespmem:s0+$0x8270] =	vst.add.f32.msk $0xffff, v10  }
0x160: {  	[tilespmem:s0+$0x8600] =	vst.add.f32.msk $0xffff, v11  }
0x161: {  	[tilespmem:s0+$0x8610] =	vst.add.f32.msk $0xffff, v12  }
0x162: {  	[tilespmem:s0+$0x8620] =	vst.add.f32.msk $0xffff, v13  }
0x163: {  	[tilespmem:s0+$0x8630] =	vst.add.f32.msk $0xffff, v14  }
0x164: {  	[tilespmem:s0+$0x8640] =	vst.add.f32.msk $0xffff, v15  }
0x165: {  	[tilespmem:s0+$0x8650] =	vst.add.f32.msk $0xffff, v16  }
0x166: {  	[tilespmem:s0+$0x8660] =	vst.add.f32.msk $0xffff, v17  }
0x167: {  	[tilespmem:s0+$0x8670] =	vst.add.f32.msk $0xffff, v18  }
0x168: {  	[tilespmem:s0+$0x8A00] =	vst.add.f32.msk $0xffff, v19  }
0x169: {  	[tilespmem:s0+$0x8A10] =	vst.add.f32.msk $0xffff, v20  }
0x16a: {  	[tilespmem:s0+$0x8A20] =	vst.add.f32.msk $0xffff, v21  }
0x16b: {  	[tilespmem:s0+$0x8A30] =	vst.add.f32.msk $0xffff, v22  }
0x16c: {  	[tilespmem:s0+$0x8A40] =	vst.add.f32.msk $0xffff, v23  }
0x16d: {  	[tilespmem:s0+$0x8A50] =	vst.add.f32.msk $0xffff, v24  }
0x16e: {  	[tilespmem:s0+$0x8A60] =	vst.add.f32.msk $0xffff, v25  }
0x16f: {  	[tilespmem:s0+$0x8A70] =	vst.add.f32.msk $0xffff, v26  }
0x170: {  	[tilespmem:s0+$0x8E00] =	vst.add.f32.msk $0xffff, v27  }
0x171: {  	[tilespmem:s0+$0x8E10] =	vst.add.f32.msk $0xffff, v28  }
0x172: {  	[tilespmem:s0+$0x8E20] =	vst.add.f32.msk $0xffff, v29  }
0x173: {  	[tilespmem:s0+$0x8E30] =	vst.add.f32.msk $0xffff, v30  }
0x174: {  	[tilespmem:s0+$0x8E40] =	vst.add.f32.msk $0xffff, v31  }
0x175: {  	[tilespmem:s0+$0x8E50] =	vst.add.f32.msk $0xffff, v32  }
0x176: {  	s30 =	sor.u32 s5, s30;
	[tilespmem:s0+$0x8E60] =	vst.add.f32.msk $0xffff, v33  }
0x177: {  	s2 =	sadd.s32 s3, s30;
	[tilespmem:s0+$0x8240] =	vst.add.f32.msk $0xffff, v3  }
0x178: {  	[hbm4b:s2+s4] =	stream.linear.scatter [tilespmem:s16], [sflag:$0x3], $0x4000, $0x38;
	[tilespmem:$0x18200] =	vst v63  }
0x179: {  	s6 =	simm.s32 $0x4000;
	s2 =	simm.s32 $0x1000  }
0x17a: {  	s0 =	sand.u32 $0x7000, s6;
	s2 =	sand.u32 $0x380, s2  }
0x17b: {  	s31 =	sor.u32 s2, s0  }
0x17c: {  	v3 =	vld [tilespmem:s31+$0xE70]  }
0x17d: {  	v4 =	vld [tilespmem:s31+$0x200]  }
0x17e: {  	v5 =	vld [tilespmem:s31+$0x210]  }
0x17f: {  	v6 =	vld [tilespmem:s31+$0x220]  }
0x180: {  	v7 =	vld [tilespmem:s31+$0x230]  }
0x181: {  	v8 =	vld [tilespmem:s31+$0x240]  }
0x182: {  	v9 =	vld [tilespmem:s31+$0x250]  }
0x183: {  	v10 =	vld [tilespmem:s31+$0x260]  }
0x184: {  	v11 =	vld [tilespmem:s31+$0x270]  }
0x185: {  	v12 =	vld [tilespmem:s31+$0x600]  }
0x186: {  	v13 =	vld [tilespmem:s31+$0x610]  }
0x187: {  	v14 =	vld [tilespmem:s31+$0x620]  }
0x188: {  	v15 =	vld [tilespmem:s31+$0x630]  }
0x189: {  	v16 =	vld [tilespmem:s31+$0x640]  }
0x18a: {  	v17 =	vld [tilespmem:s31+$0x650]  }
0x18b: {  	v18 =	vld [tilespmem:s31+$0x660]  }
0x18c: {  	v19 =	vld [tilespmem:s31+$0x670]  }
0x18d: {  	v20 =	vld [tilespmem:s31+$0xA00]  }
0x18e: {  	v21 =	vld [tilespmem:s31+$0xA10]  }
0x18f: {  	v22 =	vld [tilespmem:s31+$0xA20]  }
0x190: {  	v23 =	vld [tilespmem:s31+$0xA30]  }
0x191: {  	v24 =	vld [tilespmem:s31+$0xA40]  }
0x192: {  	v25 =	vld [tilespmem:s31+$0xA50]  }
0x193: {  	v26 =	vld [tilespmem:s31+$0xA60]  }
0x194: {  	v27 =	vld [tilespmem:s31+$0xA70]  }
0x195: {  	v28 =	vld [tilespmem:s31+$0xE00]  }
0x196: {  	v29 =	vld [tilespmem:s31+$0xE10]  }
0x197: {  	v30 =	vld [tilespmem:s31+$0xE20]  }
0x198: {  	v31 =	vld [tilespmem:s31+$0xE30]  }
0x199: {  	v32 =	vld [tilespmem:s31+$0xE40]  }
0x19a: {  	v33 =	vld [tilespmem:s31+$0xE50]  }
0x19b: {  	[tilespmem:s31+$0x8E70] =	vst.add.f32.msk $0xffff, v3  }
0x19c: {  	v3 =	vld [tilespmem:s31+$0xE60]  }
0x19d: {  	[tilespmem:s31+$0x8200] =	vst.add.f32.msk $0xffff, v4  }
0x19e: {  	[tilespmem:s31+$0x8210] =	vst.add.f32.msk $0xffff, v5  }
0x19f: {  	[tilespmem:s31+$0x8220] =	vst.add.f32.msk $0xffff, v6  }
0x1a0: {  	[tilespmem:s31+$0x8230] =	vst.add.f32.msk $0xffff, v7  }
0x1a1: {  	[tilespmem:s31+$0x8240] =	vst.add.f32.msk $0xffff, v8  }
0x1a2: {  	[tilespmem:s31+$0x8250] =	vst.add.f32.msk $0xffff, v9  }
0x1a3: {  	[tilespmem:s31+$0x8260] =	vst.add.f32.msk $0xffff, v10  }
0x1a4: {  	[tilespmem:s31+$0x8270] =	vst.add.f32.msk $0xffff, v11  }
0x1a5: {  	[tilespmem:s31+$0x8600] =	vst.add.f32.msk $0xffff, v12  }
0x1a6: {  	[tilespmem:s31+$0x8610] =	vst.add.f32.msk $0xffff, v13  }
0x1a7: {  	[tilespmem:s31+$0x8620] =	vst.add.f32.msk $0xffff, v14  }
0x1a8: {  	[tilespmem:s31+$0x8630] =	vst.add.f32.msk $0xffff, v15  }
0x1a9: {  	[tilespmem:s31+$0x8640] =	vst.add.f32.msk $0xffff, v16  }
0x1aa: {  	[tilespmem:s31+$0x8650] =	vst.add.f32.msk $0xffff, v17  }
0x1ab: {  	[tilespmem:s31+$0x8660] =	vst.add.f32.msk $0xffff, v18  }
0x1ac: {  	[tilespmem:s31+$0x8670] =	vst.add.f32.msk $0xffff, v19  }
0x1ad: {  	[tilespmem:s31+$0x8A00] =	vst.add.f32.msk $0xffff, v20  }
0x1ae: {  	[tilespmem:s31+$0x8A10] =	vst.add.f32.msk $0xffff, v21  }
0x1af: {  	[tilespmem:s31+$0x8A20] =	vst.add.f32.msk $0xffff, v22  }
0x1b0: {  	[tilespmem:s31+$0x8A30] =	vst.add.f32.msk $0xffff, v23  }
0x1b1: {  	[tilespmem:s31+$0x8A40] =	vst.add.f32.msk $0xffff, v24  }
0x1b2: {  	[tilespmem:s31+$0x8A50] =	vst.add.f32.msk $0xffff, v25  }
0x1b3: {  	[tilespmem:s31+$0x8A60] =	vst.add.f32.msk $0xffff, v26  }
0x1b4: {  	[tilespmem:s31+$0x8A70] =	vst.add.f32.msk $0xffff, v27  }
0x1b5: {  	[tilespmem:s31+$0x8E00] =	vst.add.f32.msk $0xffff, v28  }
0x1b6: {  	[tilespmem:s31+$0x8E10] =	vst.add.f32.msk $0xffff, v29  }
0x1b7: {  	[tilespmem:s31+$0x8E20] =	vst.add.f32.msk $0xffff, v30  }
0x1b8: {  	[tilespmem:s31+$0x8E30] =	vst.add.f32.msk $0xffff, v31  }
0x1b9: {  	s9 =	simm.s32 $0x4200;
	s0 =	simm.s32 $0x1080;
	[tilespmem:s31+$0x8E40] =	vst.add.f32.msk $0xffff, v32  }
0x1ba: {  	s6 =	sand.u32 $0x7000, s9;
	s2 =	simm.s32 $0x4400;
	s9 =	sand.u32 $0x380, s0;
	[tilespmem:s31+$0x8E50] =	vst.add.f32.msk $0xffff, v33  }
.LBB2_5:
0x1bb: {  	p1 =	sne.s32 s2, $0x7E00;
	[tilespmem:s31+$0x8E60] =	vst.add.f32.msk $0xffff, v3;
	s31 =	sor.u32 s9, s6  }
0x1bc: {  	v3 =	vld [tilespmem:s31+$0xE70]  }
0x1bd: {  	v4 =	vld [tilespmem:s31+$0x200]  }
0x1be: {  	v5 =	vld [tilespmem:s31+$0x210]  }
0x1bf: {  	v6 =	vld [tilespmem:s31+$0x220]  }
0x1c0: {  	v7 =	vld [tilespmem:s31+$0x230]  }
0x1c1: {  	[tilespmem:s31+$0x8E70] =	vst.add.f32.msk $0xffff, v3  }
0x1c2: {  	v8 =	vld [tilespmem:s31+$0x240]  }
0x1c3: {  	v9 =	vld [tilespmem:s31+$0x250]  }
0x1c4: {  	v10 =	vld [tilespmem:s31+$0x260]  }
0x1c5: {  	v11 =	vld [tilespmem:s31+$0x270]  }
0x1c6: {  	v12 =	vld [tilespmem:s31+$0x600]  }
0x1c7: {  	v13 =	vld [tilespmem:s31+$0x610]  }
0x1c8: {  	v14 =	vld [tilespmem:s31+$0x620]  }
0x1c9: {  	v15 =	vld [tilespmem:s31+$0x630]  }
0x1ca: {  	v16 =	vld [tilespmem:s31+$0x640]  }
0x1cb: {  	v17 =	vld [tilespmem:s31+$0x650]  }
0x1cc: {  	v18 =	vld [tilespmem:s31+$0x660]  }
0x1cd: {  	v19 =	vld [tilespmem:s31+$0x670]  }
0x1ce: {  	v20 =	vld [tilespmem:s31+$0xA00]  }
0x1cf: {  	v21 =	vld [tilespmem:s31+$0xA10]  }
0x1d0: {  	v22 =	vld [tilespmem:s31+$0xA20]  }
0x1d1: {  	v23 =	vld [tilespmem:s31+$0xA30]  }
0x1d2: {  	v24 =	vld [tilespmem:s31+$0xA40]  }
0x1d3: {  	v25 =	vld [tilespmem:s31+$0xA50]  }
0x1d4: {  	v26 =	vld [tilespmem:s31+$0xA60]  }
0x1d5: {  	v27 =	vld [tilespmem:s31+$0xA70]  }
0x1d6: {  	v28 =	vld [tilespmem:s31+$0xE00]  }
0x1d7: {  	v29 =	vld [tilespmem:s31+$0xE10]  }
0x1d8: {  	v30 =	vld [tilespmem:s31+$0xE20]  }
0x1d9: {  	v31 =	vld [tilespmem:s31+$0xE30]  }
0x1da: {  	v32 =	vld [tilespmem:s31+$0xE40]  }
0x1db: {  	v33 =	vld [tilespmem:s31+$0xE50]  }
0x1dc: {  	v3 =	vld [tilespmem:s31+$0xE60]  }
0x1dd: {  	[tilespmem:s31+$0x8200] =	vst.add.f32.msk $0xffff, v4  }
0x1de: {  	[tilespmem:s31+$0x8210] =	vst.add.f32.msk $0xffff, v5  }
0x1df: {  	[tilespmem:s31+$0x8220] =	vst.add.f32.msk $0xffff, v6  }
0x1e0: {  	[tilespmem:s31+$0x8230] =	vst.add.f32.msk $0xffff, v7  }
0x1e1: {  	[tilespmem:s31+$0x8240] =	vst.add.f32.msk $0xffff, v8  }
0x1e2: {  	[tilespmem:s31+$0x8250] =	vst.add.f32.msk $0xffff, v9  }
0x1e3: {  	[tilespmem:s31+$0x8260] =	vst.add.f32.msk $0xffff, v10  }
0x1e4: {  	[tilespmem:s31+$0x8270] =	vst.add.f32.msk $0xffff, v11  }
0x1e5: {  	[tilespmem:s31+$0x8600] =	vst.add.f32.msk $0xffff, v12  }
0x1e6: {  	[tilespmem:s31+$0x8610] =	vst.add.f32.msk $0xffff, v13  }
0x1e7: {  	[tilespmem:s31+$0x8620] =	vst.add.f32.msk $0xffff, v14  }
0x1e8: {  	[tilespmem:s31+$0x8630] =	vst.add.f32.msk $0xffff, v15  }
0x1e9: {  	[tilespmem:s31+$0x8640] =	vst.add.f32.msk $0xffff, v16  }
0x1ea: {  	[tilespmem:s31+$0x8650] =	vst.add.f32.msk $0xffff, v17  }
0x1eb: {  	[tilespmem:s31+$0x8660] =	vst.add.f32.msk $0xffff, v18  }
0x1ec: {  	[tilespmem:s31+$0x8670] =	vst.add.f32.msk $0xffff, v19  }
0x1ed: {  	[tilespmem:s31+$0x8A00] =	vst.add.f32.msk $0xffff, v20  }
0x1ee: {  	[tilespmem:s31+$0x8A10] =	vst.add.f32.msk $0xffff, v21  }
0x1ef: {  	[tilespmem:s31+$0x8A20] =	vst.add.f32.msk $0xffff, v22  }
0x1f0: {  	[tilespmem:s31+$0x8A30] =	vst.add.f32.msk $0xffff, v23  }
0x1f1: {  	[tilespmem:s31+$0x8A40] =	vst.add.f32.msk $0xffff, v24  }
0x1f2: {  	[tilespmem:s31+$0x8A50] =	vst.add.f32.msk $0xffff, v25  }
0x1f3: {  	[tilespmem:s31+$0x8A60] =	vst.add.f32.msk $0xffff, v26  }
0x1f4: {  	[tilespmem:s31+$0x8A70] =	vst.add.f32.msk $0xffff, v27  }
0x1f5: {  	[tilespmem:s31+$0x8E00] =	vst.add.f32.msk $0xffff, v28  }
.Ltmp3:
0x1f6: {  	[tilespmem:s31+$0x8E10] =	vst.add.f32.msk $0xffff, v29;
	(pc) =	sbr.rel @p1 .LBB2_5-.Ltmp3, $4  }
0x1f7: {  	[tilespmem:s31+$0x8E20] =	vst.add.f32.msk $0xffff, v30  }
0x1f8: {  	[tilespmem:s31+$0x8E30] =	vst.add.f32.msk $0xffff, v31  }
0x1f9: {  	s0 =	sadd.s32 $0x80, s0;
	[tilespmem:s31+$0x8E40] =	vst.add.f32.msk $0xffff, v32  }
0x1fa: {  	s6 =	sand.u32 $0x7000, s2;
	s2 =	sadd.s32 $0x200, s2;
	s9 =	sand.u32 $0x380, s0;
	[tilespmem:s31+$0x8E50] =	vst.add.f32.msk $0xffff, v33  }
0x1fb: {  	s0 =	sor.u32 s9, s6;
	[tilespmem:s31+$0x8E60] =	vst.add.f32.msk $0xffff, v3  }
0x1fc: {  	v3 =	vld [tilespmem:s0+$0xE70]  }
0x1fd: {  	v4 =	vld [tilespmem:s0+$0x200]  }
0x1fe: {  	v5 =	vld [tilespmem:s0+$0x210]  }
0x1ff: {  	v6 =	vld [tilespmem:s0+$0x220]  }
0x200: {  	v7 =	vld [tilespmem:s0+$0x230]  }
0x201: {  	v8 =	vld [tilespmem:s0+$0x250]  }
0x202: {  	v9 =	vld [tilespmem:s0+$0x260]  }
0x203: {  	v10 =	vld [tilespmem:s0+$0x270]  }
0x204: {  	v11 =	vld [tilespmem:s0+$0x600]  }
0x205: {  	v12 =	vld [tilespmem:s0+$0x610]  }
0x206: {  	v13 =	vld [tilespmem:s0+$0x620]  }
0x207: {  	v14 =	vld [tilespmem:s0+$0x630]  }
0x208: {  	v15 =	vld [tilespmem:s0+$0x640]  }
0x209: {  	v16 =	vld [tilespmem:s0+$0x650]  }
0x20a: {  	v17 =	vld [tilespmem:s0+$0x660]  }
0x20b: {  	v18 =	vld [tilespmem:s0+$0x670]  }
0x20c: {  	v19 =	vld [tilespmem:s0+$0xA00]  }
0x20d: {  	v20 =	vld [tilespmem:s0+$0xA10]  }
0x20e: {  	v21 =	vld [tilespmem:s0+$0xA20]  }
0x20f: {  	v22 =	vld [tilespmem:s0+$0xA30]  }
0x210: {  	v23 =	vld [tilespmem:s0+$0xA40]  }
0x211: {  	v24 =	vld [tilespmem:s0+$0xA50]  }
0x212: {  	v25 =	vld [tilespmem:s0+$0xA60]  }
0x213: {  	v26 =	vld [tilespmem:s0+$0xA70]  }
0x214: {  	v27 =	vld [tilespmem:s0+$0xE00]  }
0x215: {  	v28 =	vld [tilespmem:s0+$0xE10]  }
0x216: {  	v29 =	vld [tilespmem:s0+$0xE20]  }
0x217: {  	v30 =	vld [tilespmem:s0+$0xE30]  }
0x218: {  	v31 =	vld [tilespmem:s0+$0xE40]  }
0x219: {  	v32 =	vld [tilespmem:s0+$0xE50]  }
0x21a: {  	v33 =	vld [tilespmem:s0+$0xE60]  }
0x21b: {  	[tilespmem:s0+$0x8E70] =	vst.add.f32.msk $0xffff, v3  }
0x21c: {  	v3 =	vld [tilespmem:s0+$0x240]  }
0x21d: {  	[tilespmem:s0+$0x8200] =	vst.add.f32.msk $0xffff, v4  }
0x21e: {  	[tilespmem:s0+$0x8210] =	vst.add.f32.msk $0xffff, v5  }
0x21f: {  	[tilespmem:s0+$0x8220] =	vst.add.f32.msk $0xffff, v6  }
0x220: {  	[tilespmem:s0+$0x8230] =	vst.add.f32.msk $0xffff, v7  }
0x221: {  	[tilespmem:s0+$0x8250] =	vst.add.f32.msk $0xffff, v8  }
0x222: {  	[tilespmem:s0+$0x8260] =	vst.add.f32.msk $0xffff, v9  }
0x223: {  	[tilespmem:s0+$0x8270] =	vst.add.f32.msk $0xffff, v10  }
0x224: {  	[tilespmem:s0+$0x8600] =	vst.add.f32.msk $0xffff, v11  }
0x225: {  	[tilespmem:s0+$0x8610] =	vst.add.f32.msk $0xffff, v12  }
0x226: {  	[tilespmem:s0+$0x8620] =	vst.add.f32.msk $0xffff, v13  }
0x227: {  	[tilespmem:s0+$0x8630] =	vst.add.f32.msk $0xffff, v14  }
0x228: {  	[tilespmem:s0+$0x8640] =	vst.add.f32.msk $0xffff, v15  }
0x229: {  	[tilespmem:s0+$0x8650] =	vst.add.f32.msk $0xffff, v16  }
0x22a: {  	[tilespmem:s0+$0x8660] =	vst.add.f32.msk $0xffff, v17  }
0x22b: {  	[tilespmem:s0+$0x8670] =	vst.add.f32.msk $0xffff, v18  }
0x22c: {  	[tilespmem:s0+$0x8A00] =	vst.add.f32.msk $0xffff, v19  }
0x22d: {  	[tilespmem:s0+$0x8A10] =	vst.add.f32.msk $0xffff, v20  }
0x22e: {  	[tilespmem:s0+$0x8A20] =	vst.add.f32.msk $0xffff, v21  }
0x22f: {  	[tilespmem:s0+$0x8A30] =	vst.add.f32.msk $0xffff, v22  }
0x230: {  	[tilespmem:s0+$0x8A40] =	vst.add.f32.msk $0xffff, v23  }
0x231: {  	[tilespmem:s0+$0x8A50] =	vst.add.f32.msk $0xffff, v24  }
0x232: {  	[tilespmem:s0+$0x8A60] =	vst.add.f32.msk $0xffff, v25  }
0x233: {  	[tilespmem:s0+$0x8A70] =	vst.add.f32.msk $0xffff, v26  }
0x234: {  	[tilespmem:s0+$0x8E00] =	vst.add.f32.msk $0xffff, v27  }
0x235: {  	[tilespmem:s0+$0x8E10] =	vst.add.f32.msk $0xffff, v28  }
0x236: {  	[tilespmem:s0+$0x8E20] =	vst.add.f32.msk $0xffff, v29  }
0x237: {  	[tilespmem:s0+$0x8E30] =	vst.add.f32.msk $0xffff, v30  }
0x238: {  	[tilespmem:s0+$0x8E40] =	vst.add.f32.msk $0xffff, v31  }
0x239: {  	[tilespmem:s0+$0x8E50] =	vst.add.f32.msk $0xffff, v32  }
0x23a: {  	[tilespmem:s0+$0x8E60] =	vst.add.f32.msk $0xffff, v33  }
0x23b: {  	s9 =	sadd.s32 s30, s12;
	s2 =	simm.s32 $0x0;
	[tilespmem:s0+$0x8240] =	vst.add.f32.msk $0xffff, v3  }
0x23c: {  	[hbm4b:s9+s2] =	stream.linear.scatter [tilespmem:s24], [sflag:$0x3], $0x4000, $0x38;
	[tilespmem:$0x18200] =	vst v63  }
0x23d: {  	_ =	swait.ge [sflag:s26], $0x8000  }
0x23e: {  	s6 =	sand.u32 $0x3000, s2;
	s2 =	sand.u32 $0x380, s2;
	[sflag:s26] =	ssyncset.done $0x0  }
0x23f: {  	s31 =	sor.u32 s2, s6;
	[sflag:s26] =	ssyncadd.s32 $0xFFFF8000  }
0x240: {  	v3 =	vld [tilespmem:s31+$0xE70]  }
0x241: {  	v4 =	vld [tilespmem:s31+$0x200]  }
0x242: {  	v5 =	vld [tilespmem:s31+$0x210]  }
0x243: {  	v36 =	vld [tilespmem:s31+$0x220]  }
0x244: {  	v37 =	vld [tilespmem:s31+$0x230]  }
0x245: {  	v38 =	vld [tilespmem:s31+$0x240]  }
0x246: {  	v39 =	vld [tilespmem:s31+$0x250]  }
0x247: {  	v40 =	vld [tilespmem:s31+$0x260]  }
0x248: {  	v41 =	vld [tilespmem:s31+$0x270]  }
0x249: {  	v42 =	vld [tilespmem:s31+$0x600]  }
0x24a: {  	v43 =	vld [tilespmem:s31+$0x610]  }
0x24b: {  	v44 =	vld [tilespmem:s31+$0x620]  }
0x24c: {  	v45 =	vld [tilespmem:s31+$0x630]  }
0x24d: {  	v46 =	vld [tilespmem:s31+$0x640]  }
0x24e: {  	v47 =	vld [tilespmem:s31+$0x650]  }
0x24f: {  	v48 =	vld [tilespmem:s31+$0x660]  }
0x250: {  	v49 =	vld [tilespmem:s31+$0x670]  }
0x251: {  	v50 =	vld [tilespmem:s31+$0xA00]  }
0x252: {  	v51 =	vld [tilespmem:s31+$0xA10]  }
0x253: {  	v52 =	vld [tilespmem:s31+$0xA20]  }
0x254: {  	v53 =	vld [tilespmem:s31+$0xA30]  }
0x255: {  	v54 =	vld [tilespmem:s31+$0xA40]  }
0x256: {  	v55 =	vld [tilespmem:s31+$0xA50]  }
0x257: {  	v56 =	vld [tilespmem:s31+$0xA60]  }
0x258: {  	v57 =	vld [tilespmem:s31+$0xA70]  }
0x259: {  	v58 =	vld [tilespmem:s31+$0xE00]  }
0x25a: {  	v59 =	vld [tilespmem:s31+$0xE10]  }
0x25b: {  	v60 =	vld [tilespmem:s31+$0xE20]  }
0x25c: {  	v61 =	vld [tilespmem:s31+$0xE30]  }
0x25d: {  	v62 =	vld [tilespmem:s31+$0xE40]  }
0x25e: {  	v63 =	vld [tilespmem:s31+$0xE50]  }
0x25f: {  	[tilespmem:s31+$0x10E70] =	vst.add.f32.msk $0xffff, v3  }
0x260: {  	v3 =	vld [tilespmem:s31+$0xE60]  }
0x261: {  	[tilespmem:s31+$0x10200] =	vst.add.f32.msk $0xffff, v4  }
0x262: {  	[tilespmem:s31+$0x10210] =	vst.add.f32.msk $0xffff, v5  }
0x263: {  	[tilespmem:s31+$0x10220] =	vst.add.f32.msk $0xffff, v36  }
0x264: {  	[tilespmem:s31+$0x10230] =	vst.add.f32.msk $0xffff, v37  }
0x265: {  	[tilespmem:s31+$0x10240] =	vst.add.f32.msk $0xffff, v38  }
0x266: {  	[tilespmem:s31+$0x10250] =	vst.add.f32.msk $0xffff, v39  }
0x267: {  	[tilespmem:s31+$0x10260] =	vst.add.f32.msk $0xffff, v40  }
0x268: {  	[tilespmem:s31+$0x10270] =	vst.add.f32.msk $0xffff, v41  }
0x269: {  	[tilespmem:s31+$0x10600] =	vst.add.f32.msk $0xffff, v42  }
0x26a: {  	[tilespmem:s31+$0x10610] =	vst.add.f32.msk $0xffff, v43  }
0x26b: {  	[tilespmem:s31+$0x10620] =	vst.add.f32.msk $0xffff, v44  }
0x26c: {  	[tilespmem:s31+$0x10630] =	vst.add.f32.msk $0xffff, v45  }
0x26d: {  	[tilespmem:s31+$0x10640] =	vst.add.f32.msk $0xffff, v46  }
0x26e: {  	[tilespmem:s31+$0x10650] =	vst.add.f32.msk $0xffff, v47  }
0x26f: {  	[tilespmem:s31+$0x10660] =	vst.add.f32.msk $0xffff, v48  }
0x270: {  	[tilespmem:s31+$0x10670] =	vst.add.f32.msk $0xffff, v49  }
0x271: {  	[tilespmem:s31+$0x10A00] =	vst.add.f32.msk $0xffff, v50  }
0x272: {  	[tilespmem:s31+$0x10A10] =	vst.add.f32.msk $0xffff, v51  }
0x273: {  	[tilespmem:s31+$0x10A20] =	vst.add.f32.msk $0xffff, v52  }
0x274: {  	[tilespmem:s31+$0x10A30] =	vst.add.f32.msk $0xffff, v53  }
0x275: {  	[tilespmem:s31+$0x10A40] =	vst.add.f32.msk $0xffff, v54  }
0x276: {  	[tilespmem:s31+$0x10A50] =	vst.add.f32.msk $0xffff, v55  }
0x277: {  	[tilespmem:s31+$0x10A60] =	vst.add.f32.msk $0xffff, v56  }
0x278: {  	[tilespmem:s31+$0x10A70] =	vst.add.f32.msk $0xffff, v57  }
0x279: {  	[tilespmem:s31+$0x10E00] =	vst.add.f32.msk $0xffff, v58  }
0x27a: {  	[tilespmem:s31+$0x10E10] =	vst.add.f32.msk $0xffff, v59  }
0x27b: {  	[tilespmem:s31+$0x10E20] =	vst.add.f32.msk $0xffff, v60  }
0x27c: {  	[tilespmem:s31+$0x10E30] =	vst.add.f32.msk $0xffff, v61  }
0x27d: {  	s0 =	simm.s32 $0x80;
	s9 =	simm.s32 $0x200;
	[tilespmem:s31+$0x10E40] =	vst.add.f32.msk $0xffff, v62  }
0x27e: {  	s6 =	sand.u32 $0x3000, s9;
	s9 =	sand.u32 $0x380, s0;
	s2 =	simm.s32 $0x400;
	[tilespmem:s31+$0x10E50] =	vst.add.f32.msk $0xffff, v63  }
.LBB2_7:
0x27f: {  	p1 =	sne.s32 s2, $0x3E00;
	[tilespmem:s31+$0x10E60] =	vst.add.f32.msk $0xffff, v3;
	s31 =	sor.u32 s9, s6  }
0x280: {  	v3 =	vld [tilespmem:s31+$0xE70]  }
0x281: {  	v4 =	vld [tilespmem:s31+$0x200]  }
0x282: {  	v5 =	vld [tilespmem:s31+$0x210]  }
0x283: {  	v6 =	vld [tilespmem:s31+$0x220]  }
0x284: {  	v7 =	vld [tilespmem:s31+$0x230]  }
0x285: {  	[tilespmem:s31+$0x10E70] =	vst.add.f32.msk $0xffff, v3  }
0x286: {  	v8 =	vld [tilespmem:s31+$0x240]  }
0x287: {  	v9 =	vld [tilespmem:s31+$0x250]  }
0x288: {  	v10 =	vld [tilespmem:s31+$0x260]  }
0x289: {  	v11 =	vld [tilespmem:s31+$0x270]  }
0x28a: {  	v12 =	vld [tilespmem:s31+$0x600]  }
0x28b: {  	v13 =	vld [tilespmem:s31+$0x610]  }
0x28c: {  	v14 =	vld [tilespmem:s31+$0x620]  }
0x28d: {  	v15 =	vld [tilespmem:s31+$0x630]  }
0x28e: {  	v16 =	vld [tilespmem:s31+$0x640]  }
0x28f: {  	v17 =	vld [tilespmem:s31+$0x650]  }
0x290: {  	v18 =	vld [tilespmem:s31+$0x660]  }
0x291: {  	v19 =	vld [tilespmem:s31+$0x670]  }
0x292: {  	v20 =	vld [tilespmem:s31+$0xA00]  }
0x293: {  	v21 =	vld [tilespmem:s31+$0xA10]  }
0x294: {  	v22 =	vld [tilespmem:s31+$0xA20]  }
0x295: {  	v23 =	vld [tilespmem:s31+$0xA30]  }
0x296: {  	v24 =	vld [tilespmem:s31+$0xA40]  }
0x297: {  	v25 =	vld [tilespmem:s31+$0xA50]  }
0x298: {  	v26 =	vld [tilespmem:s31+$0xA60]  }
0x299: {  	v27 =	vld [tilespmem:s31+$0xA70]  }
0x29a: {  	v28 =	vld [tilespmem:s31+$0xE00]  }
0x29b: {  	v29 =	vld [tilespmem:s31+$0xE10]  }
0x29c: {  	v30 =	vld [tilespmem:s31+$0xE20]  }
0x29d: {  	v31 =	vld [tilespmem:s31+$0xE30]  }
0x29e: {  	v32 =	vld [tilespmem:s31+$0xE40]  }
0x29f: {  	v33 =	vld [tilespmem:s31+$0xE50]  }
0x2a0: {  	v3 =	vld [tilespmem:s31+$0xE60]  }
0x2a1: {  	[tilespmem:s31+$0x10200] =	vst.add.f32.msk $0xffff, v4  }
0x2a2: {  	[tilespmem:s31+$0x10210] =	vst.add.f32.msk $0xffff, v5  }
0x2a3: {  	[tilespmem:s31+$0x10220] =	vst.add.f32.msk $0xffff, v6  }
0x2a4: {  	[tilespmem:s31+$0x10230] =	vst.add.f32.msk $0xffff, v7  }
0x2a5: {  	[tilespmem:s31+$0x10240] =	vst.add.f32.msk $0xffff, v8  }
0x2a6: {  	[tilespmem:s31+$0x10250] =	vst.add.f32.msk $0xffff, v9  }
0x2a7: {  	[tilespmem:s31+$0x10260] =	vst.add.f32.msk $0xffff, v10  }
0x2a8: {  	[tilespmem:s31+$0x10270] =	vst.add.f32.msk $0xffff, v11  }
0x2a9: {  	[tilespmem:s31+$0x10600] =	vst.add.f32.msk $0xffff, v12  }
0x2aa: {  	[tilespmem:s31+$0x10610] =	vst.add.f32.msk $0xffff, v13  }
0x2ab: {  	[tilespmem:s31+$0x10620] =	vst.add.f32.msk $0xffff, v14  }
0x2ac: {  	[tilespmem:s31+$0x10630] =	vst.add.f32.msk $0xffff, v15  }
0x2ad: {  	[tilespmem:s31+$0x10640] =	vst.add.f32.msk $0xffff, v16  }
0x2ae: {  	[tilespmem:s31+$0x10650] =	vst.add.f32.msk $0xffff, v17  }
0x2af: {  	[tilespmem:s31+$0x10660] =	vst.add.f32.msk $0xffff, v18  }
0x2b0: {  	[tilespmem:s31+$0x10670] =	vst.add.f32.msk $0xffff, v19  }
0x2b1: {  	[tilespmem:s31+$0x10A00] =	vst.add.f32.msk $0xffff, v20  }
0x2b2: {  	[tilespmem:s31+$0x10A10] =	vst.add.f32.msk $0xffff, v21  }
0x2b3: {  	[tilespmem:s31+$0x10A20] =	vst.add.f32.msk $0xffff, v22  }
0x2b4: {  	[tilespmem:s31+$0x10A30] =	vst.add.f32.msk $0xffff, v23  }
0x2b5: {  	[tilespmem:s31+$0x10A40] =	vst.add.f32.msk $0xffff, v24  }
0x2b6: {  	[tilespmem:s31+$0x10A50] =	vst.add.f32.msk $0xffff, v25  }
0x2b7: {  	[tilespmem:s31+$0x10A60] =	vst.add.f32.msk $0xffff, v26  }
0x2b8: {  	[tilespmem:s31+$0x10A70] =	vst.add.f32.msk $0xffff, v27  }
0x2b9: {  	[tilespmem:s31+$0x10E00] =	vst.add.f32.msk $0xffff, v28  }
.Ltmp4:
0x2ba: {  	[tilespmem:s31+$0x10E10] =	vst.add.f32.msk $0xffff, v29;
	(pc) =	sbr.rel @p1 .LBB2_7-.Ltmp4, $4  }
0x2bb: {  	[tilespmem:s31+$0x10E20] =	vst.add.f32.msk $0xffff, v30  }
0x2bc: {  	[tilespmem:s31+$0x10E30] =	vst.add.f32.msk $0xffff, v31  }
0x2bd: {  	s0 =	sadd.s32 $0x80, s0;
	[tilespmem:s31+$0x10E40] =	vst.add.f32.msk $0xffff, v32  }
0x2be: {  	s6 =	sand.u32 $0x3000, s2;
	s2 =	sadd.s32 $0x200, s2;
	s9 =	sand.u32 $0x380, s0;
	[tilespmem:s31+$0x10E50] =	vst.add.f32.msk $0xffff, v33  }
0x2bf: {  	s0 =	sor.u32 s9, s6;
	[tilespmem:s31+$0x10E60] =	vst.add.f32.msk $0xffff, v3  }
0x2c0: {  	v3 =	vld [tilespmem:s0+$0xE70]  }
0x2c1: {  	v4 =	vld [tilespmem:s0+$0x200]  }
0x2c2: {  	v5 =	vld [tilespmem:s0+$0x210]  }
0x2c3: {  	v6 =	vld [tilespmem:s0+$0x220]  }
0x2c4: {  	v7 =	vld [tilespmem:s0+$0x230]  }
0x2c5: {  	v8 =	vld [tilespmem:s0+$0x250]  }
0x2c6: {  	v9 =	vld [tilespmem:s0+$0x260]  }
0x2c7: {  	v10 =	vld [tilespmem:s0+$0x270]  }
0x2c8: {  	v11 =	vld [tilespmem:s0+$0x600]  }
0x2c9: {  	v12 =	vld [tilespmem:s0+$0x610]  }
0x2ca: {  	v13 =	vld [tilespmem:s0+$0x620]  }
0x2cb: {  	v14 =	vld [tilespmem:s0+$0x630]  }
0x2cc: {  	v15 =	vld [tilespmem:s0+$0x640]  }
0x2cd: {  	v16 =	vld [tilespmem:s0+$0x650]  }
0x2ce: {  	v17 =	vld [tilespmem:s0+$0x660]  }
0x2cf: {  	v18 =	vld [tilespmem:s0+$0x670]  }
0x2d0: {  	v19 =	vld [tilespmem:s0+$0xA00]  }
0x2d1: {  	v20 =	vld [tilespmem:s0+$0xA10]  }
0x2d2: {  	v21 =	vld [tilespmem:s0+$0xA20]  }
0x2d3: {  	v22 =	vld [tilespmem:s0+$0xA30]  }
0x2d4: {  	v23 =	vld [tilespmem:s0+$0xA40]  }
0x2d5: {  	v24 =	vld [tilespmem:s0+$0xA50]  }
0x2d6: {  	v25 =	vld [tilespmem:s0+$0xA60]  }
0x2d7: {  	v26 =	vld [tilespmem:s0+$0xA70]  }
0x2d8: {  	v27 =	vld [tilespmem:s0+$0xE00]  }
0x2d9: {  	v28 =	vld [tilespmem:s0+$0xE10]  }
0x2da: {  	v29 =	vld [tilespmem:s0+$0xE20]  }
0x2db: {  	v30 =	vld [tilespmem:s0+$0xE30]  }
0x2dc: {  	v31 =	vld [tilespmem:s0+$0xE40]  }
0x2dd: {  	v32 =	vld [tilespmem:s0+$0xE50]  }
0x2de: {  	v33 =	vld [tilespmem:s0+$0xE60]  }
0x2df: {  	[tilespmem:s0+$0x10E70] =	vst.add.f32.msk $0xffff, v3  }
0x2e0: {  	v3 =	vld [tilespmem:s0+$0x240]  }
0x2e1: {  	[tilespmem:s0+$0x10200] =	vst.add.f32.msk $0xffff, v4  }
0x2e2: {  	[tilespmem:s0+$0x10210] =	vst.add.f32.msk $0xffff, v5  }
0x2e3: {  	[tilespmem:s0+$0x10220] =	vst.add.f32.msk $0xffff, v6  }
0x2e4: {  	[tilespmem:s0+$0x10230] =	vst.add.f32.msk $0xffff, v7  }
0x2e5: {  	[tilespmem:s0+$0x10250] =	vst.add.f32.msk $0xffff, v8  }
0x2e6: {  	[tilespmem:s0+$0x10260] =	vst.add.f32.msk $0xffff, v9  }
0x2e7: {  	[tilespmem:s0+$0x10270] =	vst.add.f32.msk $0xffff, v10  }
0x2e8: {  	[tilespmem:s0+$0x10600] =	vst.add.f32.msk $0xffff, v11  }
0x2e9: {  	[tilespmem:s0+$0x10610] =	vst.add.f32.msk $0xffff, v12  }
0x2ea: {  	[tilespmem:s0+$0x10620] =	vst.add.f32.msk $0xffff, v13  }
0x2eb: {  	[tilespmem:s0+$0x10630] =	vst.add.f32.msk $0xffff, v14  }
0x2ec: {  	[tilespmem:s0+$0x10640] =	vst.add.f32.msk $0xffff, v15  }
0x2ed: {  	[tilespmem:s0+$0x10650] =	vst.add.f32.msk $0xffff, v16  }
0x2ee: {  	[tilespmem:s0+$0x10660] =	vst.add.f32.msk $0xffff, v17  }
0x2ef: {  	[tilespmem:s0+$0x10670] =	vst.add.f32.msk $0xffff, v18  }
0x2f0: {  	[tilespmem:s0+$0x10A00] =	vst.add.f32.msk $0xffff, v19  }
0x2f1: {  	[tilespmem:s0+$0x10A10] =	vst.add.f32.msk $0xffff, v20  }
0x2f2: {  	[tilespmem:s0+$0x10A20] =	vst.add.f32.msk $0xffff, v21  }
0x2f3: {  	[tilespmem:s0+$0x10A30] =	vst.add.f32.msk $0xffff, v22  }
0x2f4: {  	[tilespmem:s0+$0x10A40] =	vst.add.f32.msk $0xffff, v23  }
0x2f5: {  	[tilespmem:s0+$0x10A50] =	vst.add.f32.msk $0xffff, v24  }
0x2f6: {  	[tilespmem:s0+$0x10A60] =	vst.add.f32.msk $0xffff, v25  }
0x2f7: {  	[tilespmem:s0+$0x10A70] =	vst.add.f32.msk $0xffff, v26  }
0x2f8: {  	[tilespmem:s0+$0x10E00] =	vst.add.f32.msk $0xffff, v27  }
0x2f9: {  	[tilespmem:s0+$0x10E10] =	vst.add.f32.msk $0xffff, v28  }
0x2fa: {  	[tilespmem:s0+$0x10E20] =	vst.add.f32.msk $0xffff, v29  }
0x2fb: {  	[tilespmem:s0+$0x10E30] =	vst.add.f32.msk $0xffff, v30  }
0x2fc: {  	[tilespmem:s0+$0x10E40] =	vst.add.f32.msk $0xffff, v31  }
0x2fd: {  	[tilespmem:s0+$0x10E50] =	vst.add.f32.msk $0xffff, v32  }
0x2fe: {  	s30 =	sor.u32 $0x20000, s30;
	[tilespmem:s0+$0x10E60] =	vst.add.f32.msk $0xffff, v33  }
0x2ff: {  	s2 =	sadd.s32 s3, s30;
	[tilespmem:s0+$0x10240] =	vst.add.f32.msk $0xffff, v3  }
0x300: {  	[hbm4b:s2+s4] =	stream.linear.scatter [tilespmem:s14], [sflag:$0x4], $0x4000, $0x38;
	[tilespmem:$0x18200] =	vst v63  }
0x301: {  	s6 =	simm.s32 $0x4000;
	s2 =	simm.s32 $0x1000  }
0x302: {  	s0 =	sand.u32 $0x7000, s6;
	s2 =	sand.u32 $0x380, s2  }
0x303: {  	s31 =	sor.u32 s2, s0  }
0x304: {  	v3 =	vld [tilespmem:s31+$0xE70]  }
0x305: {  	v4 =	vld [tilespmem:s31+$0x200]  }
0x306: {  	v5 =	vld [tilespmem:s31+$0x210]  }
0x307: {  	v6 =	vld [tilespmem:s31+$0x220]  }
0x308: {  	v7 =	vld [tilespmem:s31+$0x230]  }
0x309: {  	v8 =	vld [tilespmem:s31+$0x240]  }
0x30a: {  	v9 =	vld [tilespmem:s31+$0x250]  }
0x30b: {  	v10 =	vld [tilespmem:s31+$0x260]  }
0x30c: {  	v11 =	vld [tilespmem:s31+$0x270]  }
0x30d: {  	v12 =	vld [tilespmem:s31+$0x600]  }
0x30e: {  	v13 =	vld [tilespmem:s31+$0x610]  }
0x30f: {  	v14 =	vld [tilespmem:s31+$0x620]  }
0x310: {  	v15 =	vld [tilespmem:s31+$0x630]  }
0x311: {  	v16 =	vld [tilespmem:s31+$0x640]  }
0x312: {  	v17 =	vld [tilespmem:s31+$0x650]  }
0x313: {  	v18 =	vld [tilespmem:s31+$0x660]  }
0x314: {  	v19 =	vld [tilespmem:s31+$0x670]  }
0x315: {  	v20 =	vld [tilespmem:s31+$0xA00]  }
0x316: {  	v21 =	vld [tilespmem:s31+$0xA10]  }
0x317: {  	v22 =	vld [tilespmem:s31+$0xA20]  }
0x318: {  	v23 =	vld [tilespmem:s31+$0xA30]  }
0x319: {  	v24 =	vld [tilespmem:s31+$0xA40]  }
0x31a: {  	v25 =	vld [tilespmem:s31+$0xA50]  }
0x31b: {  	v26 =	vld [tilespmem:s31+$0xA60]  }
0x31c: {  	v27 =	vld [tilespmem:s31+$0xA70]  }
0x31d: {  	v28 =	vld [tilespmem:s31+$0xE00]  }
0x31e: {  	v29 =	vld [tilespmem:s31+$0xE10]  }
0x31f: {  	v30 =	vld [tilespmem:s31+$0xE20]  }
0x320: {  	v31 =	vld [tilespmem:s31+$0xE30]  }
0x321: {  	v32 =	vld [tilespmem:s31+$0xE40]  }
0x322: {  	v33 =	vld [tilespmem:s31+$0xE50]  }
0x323: {  	[tilespmem:s31+$0x10E70] =	vst.add.f32.msk $0xffff, v3  }
0x324: {  	v3 =	vld [tilespmem:s31+$0xE60]  }
0x325: {  	[tilespmem:s31+$0x10200] =	vst.add.f32.msk $0xffff, v4  }
0x326: {  	[tilespmem:s31+$0x10210] =	vst.add.f32.msk $0xffff, v5  }
0x327: {  	[tilespmem:s31+$0x10220] =	vst.add.f32.msk $0xffff, v6  }
0x328: {  	[tilespmem:s31+$0x10230] =	vst.add.f32.msk $0xffff, v7  }
0x329: {  	[tilespmem:s31+$0x10240] =	vst.add.f32.msk $0xffff, v8  }
0x32a: {  	[tilespmem:s31+$0x10250] =	vst.add.f32.msk $0xffff, v9  }
0x32b: {  	[tilespmem:s31+$0x10260] =	vst.add.f32.msk $0xffff, v10  }
0x32c: {  	[tilespmem:s31+$0x10270] =	vst.add.f32.msk $0xffff, v11  }
0x32d: {  	[tilespmem:s31+$0x10600] =	vst.add.f32.msk $0xffff, v12  }
0x32e: {  	[tilespmem:s31+$0x10610] =	vst.add.f32.msk $0xffff, v13  }
0x32f: {  	[tilespmem:s31+$0x10620] =	vst.add.f32.msk $0xffff, v14  }
0x330: {  	[tilespmem:s31+$0x10630] =	vst.add.f32.msk $0xffff, v15  }
0x331: {  	[tilespmem:s31+$0x10640] =	vst.add.f32.msk $0xffff, v16  }
0x332: {  	[tilespmem:s31+$0x10650] =	vst.add.f32.msk $0xffff, v17  }
0x333: {  	[tilespmem:s31+$0x10660] =	vst.add.f32.msk $0xffff, v18  }
0x334: {  	[tilespmem:s31+$0x10670] =	vst.add.f32.msk $0xffff, v19  }
0x335: {  	[tilespmem:s31+$0x10A00] =	vst.add.f32.msk $0xffff, v20  }
0x336: {  	[tilespmem:s31+$0x10A10] =	vst.add.f32.msk $0xffff, v21  }
0x337: {  	[tilespmem:s31+$0x10A20] =	vst.add.f32.msk $0xffff, v22  }
0x338: {  	[tilespmem:s31+$0x10A30] =	vst.add.f32.msk $0xffff, v23  }
0x339: {  	[tilespmem:s31+$0x10A40] =	vst.add.f32.msk $0xffff, v24  }
0x33a: {  	[tilespmem:s31+$0x10A50] =	vst.add.f32.msk $0xffff, v25  }
0x33b: {  	[tilespmem:s31+$0x10A60] =	vst.add.f32.msk $0xffff, v26  }
0x33c: {  	[tilespmem:s31+$0x10A70] =	vst.add.f32.msk $0xffff, v27  }
0x33d: {  	[tilespmem:s31+$0x10E00] =	vst.add.f32.msk $0xffff, v28  }
0x33e: {  	[tilespmem:s31+$0x10E10] =	vst.add.f32.msk $0xffff, v29  }
0x33f: {  	[tilespmem:s31+$0x10E20] =	vst.add.f32.msk $0xffff, v30  }
0x340: {  	[tilespmem:s31+$0x10E30] =	vst.add.f32.msk $0xffff, v31  }
0x341: {  	s9 =	simm.s32 $0x4200;
	s0 =	simm.s32 $0x1080;
	[tilespmem:s31+$0x10E40] =	vst.add.f32.msk $0xffff, v32  }
0x342: {  	s6 =	sand.u32 $0x7000, s9;
	s2 =	simm.s32 $0x4400;
	s9 =	sand.u32 $0x380, s0;
	[tilespmem:s31+$0x10E50] =	vst.add.f32.msk $0xffff, v33  }
.LBB2_9:
0x343: {  	p1 =	sne.s32 s2, $0x7E00;
	[tilespmem:s31+$0x10E60] =	vst.add.f32.msk $0xffff, v3;
	s31 =	sor.u32 s9, s6  }
0x344: {  	v3 =	vld [tilespmem:s31+$0xE70]  }
0x345: {  	v4 =	vld [tilespmem:s31+$0x200]  }
0x346: {  	v5 =	vld [tilespmem:s31+$0x210]  }
0x347: {  	v6 =	vld [tilespmem:s31+$0x220]  }
0x348: {  	v7 =	vld [tilespmem:s31+$0x230]  }
0x349: {  	[tilespmem:s31+$0x10E70] =	vst.add.f32.msk $0xffff, v3  }
0x34a: {  	v8 =	vld [tilespmem:s31+$0x240]  }
0x34b: {  	v9 =	vld [tilespmem:s31+$0x250]  }
0x34c: {  	v10 =	vld [tilespmem:s31+$0x260]  }
0x34d: {  	v11 =	vld [tilespmem:s31+$0x270]  }
0x34e: {  	v12 =	vld [tilespmem:s31+$0x600]  }
0x34f: {  	v13 =	vld [tilespmem:s31+$0x610]  }
0x350: {  	v14 =	vld [tilespmem:s31+$0x620]  }
0x351: {  	v15 =	vld [tilespmem:s31+$0x630]  }
0x352: {  	v16 =	vld [tilespmem:s31+$0x640]  }
0x353: {  	v17 =	vld [tilespmem:s31+$0x650]  }
0x354: {  	v18 =	vld [tilespmem:s31+$0x660]  }
0x355: {  	v19 =	vld [tilespmem:s31+$0x670]  }
0x356: {  	v20 =	vld [tilespmem:s31+$0xA00]  }
0x357: {  	v21 =	vld [tilespmem:s31+$0xA10]  }
0x358: {  	v22 =	vld [tilespmem:s31+$0xA20]  }
0x359: {  	v23 =	vld [tilespmem:s31+$0xA30]  }
0x35a: {  	v24 =	vld [tilespmem:s31+$0xA40]  }
0x35b: {  	v25 =	vld [tilespmem:s31+$0xA50]  }
0x35c: {  	v26 =	vld [tilespmem:s31+$0xA60]  }
0x35d: {  	v27 =	vld [tilespmem:s31+$0xA70]  }
0x35e: {  	v28 =	vld [tilespmem:s31+$0xE00]  }
0x35f: {  	v29 =	vld [tilespmem:s31+$0xE10]  }
0x360: {  	v30 =	vld [tilespmem:s31+$0xE20]  }
0x361: {  	v31 =	vld [tilespmem:s31+$0xE30]  }
0x362: {  	v32 =	vld [tilespmem:s31+$0xE40]  }
0x363: {  	v33 =	vld [tilespmem:s31+$0xE50]  }
0x364: {  	v3 =	vld [tilespmem:s31+$0xE60]  }
0x365: {  	[tilespmem:s31+$0x10200] =	vst.add.f32.msk $0xffff, v4  }
0x366: {  	[tilespmem:s31+$0x10210] =	vst.add.f32.msk $0xffff, v5  }
0x367: {  	[tilespmem:s31+$0x10220] =	vst.add.f32.msk $0xffff, v6  }
0x368: {  	[tilespmem:s31+$0x10230] =	vst.add.f32.msk $0xffff, v7  }
0x369: {  	[tilespmem:s31+$0x10240] =	vst.add.f32.msk $0xffff, v8  }
0x36a: {  	[tilespmem:s31+$0x10250] =	vst.add.f32.msk $0xffff, v9  }
0x36b: {  	[tilespmem:s31+$0x10260] =	vst.add.f32.msk $0xffff, v10  }
0x36c: {  	[tilespmem:s31+$0x10270] =	vst.add.f32.msk $0xffff, v11  }
0x36d: {  	[tilespmem:s31+$0x10600] =	vst.add.f32.msk $0xffff, v12  }
0x36e: {  	[tilespmem:s31+$0x10610] =	vst.add.f32.msk $0xffff, v13  }
0x36f: {  	[tilespmem:s31+$0x10620] =	vst.add.f32.msk $0xffff, v14  }
0x370: {  	[tilespmem:s31+$0x10630] =	vst.add.f32.msk $0xffff, v15  }
0x371: {  	[tilespmem:s31+$0x10640] =	vst.add.f32.msk $0xffff, v16  }
0x372: {  	[tilespmem:s31+$0x10650] =	vst.add.f32.msk $0xffff, v17  }
0x373: {  	[tilespmem:s31+$0x10660] =	vst.add.f32.msk $0xffff, v18  }
0x374: {  	[tilespmem:s31+$0x10670] =	vst.add.f32.msk $0xffff, v19  }
0x375: {  	[tilespmem:s31+$0x10A00] =	vst.add.f32.msk $0xffff, v20  }
0x376: {  	[tilespmem:s31+$0x10A10] =	vst.add.f32.msk $0xffff, v21  }
0x377: {  	[tilespmem:s31+$0x10A20] =	vst.add.f32.msk $0xffff, v22  }
0x378: {  	[tilespmem:s31+$0x10A30] =	vst.add.f32.msk $0xffff, v23  }
0x379: {  	[tilespmem:s31+$0x10A40] =	vst.add.f32.msk $0xffff, v24  }
0x37a: {  	[tilespmem:s31+$0x10A50] =	vst.add.f32.msk $0xffff, v25  }
0x37b: {  	[tilespmem:s31+$0x10A60] =	vst.add.f32.msk $0xffff, v26  }
0x37c: {  	[tilespmem:s31+$0x10A70] =	vst.add.f32.msk $0xffff, v27  }
0x37d: {  	[tilespmem:s31+$0x10E00] =	vst.add.f32.msk $0xffff, v28  }
.Ltmp5:
0x37e: {  	[tilespmem:s31+$0x10E10] =	vst.add.f32.msk $0xffff, v29;
	(pc) =	sbr.rel @p1 .LBB2_9-.Ltmp5, $4  }
0x37f: {  	[tilespmem:s31+$0x10E20] =	vst.add.f32.msk $0xffff, v30  }
0x380: {  	[tilespmem:s31+$0x10E30] =	vst.add.f32.msk $0xffff, v31  }
0x381: {  	s0 =	sadd.s32 $0x80, s0;
	[tilespmem:s31+$0x10E40] =	vst.add.f32.msk $0xffff, v32  }
0x382: {  	s6 =	sand.u32 $0x7000, s2;
	s2 =	sadd.s32 $0x200, s2;
	s9 =	sand.u32 $0x380, s0;
	[tilespmem:s31+$0x10E50] =	vst.add.f32.msk $0xffff, v33  }
0x383: {  	s0 =	sor.u32 s9, s6;
	[tilespmem:s31+$0x10E60] =	vst.add.f32.msk $0xffff, v3  }
0x384: {  	v3 =	vld [tilespmem:s0+$0xE70]  }
0x385: {  	v4 =	vld [tilespmem:s0+$0x200]  }
0x386: {  	v5 =	vld [tilespmem:s0+$0x210]  }
0x387: {  	v6 =	vld [tilespmem:s0+$0x220]  }
0x388: {  	v7 =	vld [tilespmem:s0+$0x230]  }
0x389: {  	v8 =	vld [tilespmem:s0+$0x250]  }
0x38a: {  	v9 =	vld [tilespmem:s0+$0x260]  }
0x38b: {  	v10 =	vld [tilespmem:s0+$0x270]  }
0x38c: {  	v11 =	vld [tilespmem:s0+$0x600]  }
0x38d: {  	v12 =	vld [tilespmem:s0+$0x610]  }
0x38e: {  	v13 =	vld [tilespmem:s0+$0x620]  }
0x38f: {  	v14 =	vld [tilespmem:s0+$0x630]  }
0x390: {  	v15 =	vld [tilespmem:s0+$0x640]  }
0x391: {  	v16 =	vld [tilespmem:s0+$0x650]  }
0x392: {  	v17 =	vld [tilespmem:s0+$0x660]  }
0x393: {  	v18 =	vld [tilespmem:s0+$0x670]  }
0x394: {  	v19 =	vld [tilespmem:s0+$0xA00]  }
0x395: {  	v20 =	vld [tilespmem:s0+$0xA10]  }
0x396: {  	v21 =	vld [tilespmem:s0+$0xA20]  }
0x397: {  	v22 =	vld [tilespmem:s0+$0xA30]  }
0x398: {  	v23 =	vld [tilespmem:s0+$0xA40]  }
0x399: {  	v24 =	vld [tilespmem:s0+$0xA50]  }
0x39a: {  	v25 =	vld [tilespmem:s0+$0xA60]  }
0x39b: {  	v26 =	vld [tilespmem:s0+$0xA70]  }
0x39c: {  	v27 =	vld [tilespmem:s0+$0xE00]  }
0x39d: {  	v28 =	vld [tilespmem:s0+$0xE10]  }
0x39e: {  	v29 =	vld [tilespmem:s0+$0xE20]  }
0x39f: {  	v30 =	vld [tilespmem:s0+$0xE30]  }
0x3a0: {  	v31 =	vld [tilespmem:s0+$0xE40]  }
0x3a1: {  	v32 =	vld [tilespmem:s0+$0xE50]  }
0x3a2: {  	v33 =	vld [tilespmem:s0+$0xE60]  }
0x3a3: {  	[tilespmem:s0+$0x10E70] =	vst.add.f32.msk $0xffff, v3  }
0x3a4: {  	v3 =	vld [tilespmem:s0+$0x240]  }
0x3a5: {  	[tilespmem:s0+$0x10200] =	vst.add.f32.msk $0xffff, v4  }
0x3a6: {  	[tilespmem:s0+$0x10210] =	vst.add.f32.msk $0xffff, v5  }
0x3a7: {  	[tilespmem:s0+$0x10220] =	vst.add.f32.msk $0xffff, v6  }
0x3a8: {  	[tilespmem:s0+$0x10230] =	vst.add.f32.msk $0xffff, v7  }
0x3a9: {  	[tilespmem:s0+$0x10250] =	vst.add.f32.msk $0xffff, v8  }
0x3aa: {  	[tilespmem:s0+$0x10260] =	vst.add.f32.msk $0xffff, v9  }
0x3ab: {  	[tilespmem:s0+$0x10270] =	vst.add.f32.msk $0xffff, v10  }
0x3ac: {  	[tilespmem:s0+$0x10600] =	vst.add.f32.msk $0xffff, v11  }
0x3ad: {  	[tilespmem:s0+$0x10610] =	vst.add.f32.msk $0xffff, v12  }
0x3ae: {  	[tilespmem:s0+$0x10620] =	vst.add.f32.msk $0xffff, v13  }
0x3af: {  	[tilespmem:s0+$0x10630] =	vst.add.f32.msk $0xffff, v14  }
0x3b0: {  	[tilespmem:s0+$0x10640] =	vst.add.f32.msk $0xffff, v15  }
0x3b1: {  	[tilespmem:s0+$0x10650] =	vst.add.f32.msk $0xffff, v16  }
0x3b2: {  	[tilespmem:s0+$0x10660] =	vst.add.f32.msk $0xffff, v17  }
0x3b3: {  	[tilespmem:s0+$0x10670] =	vst.add.f32.msk $0xffff, v18  }
0x3b4: {  	[tilespmem:s0+$0x10A00] =	vst.add.f32.msk $0xffff, v19  }
0x3b5: {  	[tilespmem:s0+$0x10A10] =	vst.add.f32.msk $0xffff, v20  }
0x3b6: {  	[tilespmem:s0+$0x10A20] =	vst.add.f32.msk $0xffff, v21  }
0x3b7: {  	[tilespmem:s0+$0x10A30] =	vst.add.f32.msk $0xffff, v22  }
0x3b8: {  	[tilespmem:s0+$0x10A40] =	vst.add.f32.msk $0xffff, v23  }
0x3b9: {  	[tilespmem:s0+$0x10A50] =	vst.add.f32.msk $0xffff, v24  }
0x3ba: {  	[tilespmem:s0+$0x10A60] =	vst.add.f32.msk $0xffff, v25  }
0x3bb: {  	[tilespmem:s0+$0x10A70] =	vst.add.f32.msk $0xffff, v26  }
0x3bc: {  	[tilespmem:s0+$0x10E00] =	vst.add.f32.msk $0xffff, v27  }
0x3bd: {  	[tilespmem:s0+$0x10E10] =	vst.add.f32.msk $0xffff, v28  }
0x3be: {  	[tilespmem:s0+$0x10E20] =	vst.add.f32.msk $0xffff, v29  }
0x3bf: {  	[tilespmem:s0+$0x10E30] =	vst.add.f32.msk $0xffff, v30  }
0x3c0: {  	[tilespmem:s0+$0x10E40] =	vst.add.f32.msk $0xffff, v31  }
0x3c1: {  	[tilespmem:s0+$0x10E50] =	vst.add.f32.msk $0xffff, v32  }
0x3c2: {  	[tilespmem:s0+$0x10E60] =	vst.add.f32.msk $0xffff, v33  }
0x3c3: {  	s31 =	sadd.s32 s30, s12;
	[tilespmem:s0+$0x10240] =	vst.add.f32.msk $0xffff, v3  }
0x3c4: {  	[hbm4b:s31+s4] =	stream.linear.scatter [tilespmem:s15], [sflag:$0x4], $0x4000, $0x38;
	[tilespmem:$0x18200] =	vst v63  }
0x3c5: {  	_ =	swait.ge [sflag:s28], $0x4000  }
.Ltmp6:
0x3c6: {  	[sflag:s28] =	ssyncset.done $0x0;
	(pc) =	sbr.rel @!p0 .LBB2_12-.Ltmp6, $4  }
0x3c7: {  	[sflag:s28] =	ssyncadd.s32 $0xFFFFC000  }
0x3c8: {  	_ =	swait.ge [sflag:s28], $0x4000  }
0x3c9: {  	[sflag:s28] =	ssyncset.done $0x0  }
0x3ca: {  	[sflag:s28] =	ssyncadd.s32 $0xFFFFC000  }
0x3cb: {  	v3 =	vld [tilespmem:$0x100];
	_ =	sdelay $0x4  }
0x3cc: {  	v4 =	vshll.u32 v3, $0x2  }
0x3cd: {  	v3 =	vand.u32 $0x7, v3;
	v4 =	vand.u32 $0xFFFFFFE0, v4  }
0x3ce: {  	v3 =	vor.u32 v3, v4  }
0x3cf: {  	v4 =	vperm.xlane v3, v0;
	_ =	sdelay $0x1  }
0x3d0: {  	v4 =	vadd.s32 v1, v4;
	_ =	sdelay $0x1  }
0x3d1: {  	v3 =	vperm.xlane v3, v2;
	_ =	sdelay $0x1  }
0x3d2: {  	v3 =	vadd.s32 v1, v3  }
0x3d3: {  	[tilespmem:s16], [sflag:$0x1] =	stream.indirect_vreg.gather [hbm4b:s1+s4], $0x80, v4, vm0, $0xb8;
	[tilespmem:$0x18200] =	vst v63  }
0x3d4: {  	s0 =	simm.s32 $0x8A00  }
0x3d5: {  	[tilespmem:s0], [sflag:$0x1] =	stream.indirect_vreg.gather [hbm4b:s8+s4], $0x80, v4, vm0, $0xb8;
	[tilespmem:$0x18200] =	vst v63  }
0x3d6: {  	s2 =	simm.s32 $0x9200  }
0x3d7: {  	[tilespmem:s2], [sflag:$0x1] =	stream.indirect_vreg.gather [hbm4b:s1+s4], $0x80, v3, vm0, $0xb8;
	[tilespmem:$0x18200] =	vst v63  }
0x3d8: {  	s6 =	simm.s32 $0x9A00  }
0x3d9: {  	[tilespmem:s6], [sflag:$0x1] =	stream.indirect_vreg.gather [hbm4b:s8+s4], $0x80, v3, vm0, $0xb8;
	[tilespmem:$0x18200] =	vst v63  }
0x3da: {  	v3 =	vld [tilespmem:$0x110];
	_ =	sdelay $0x4  }
0x3db: {  	v57 =	vshll.u32 v3, $0x2  }
0x3dc: {  	v3 =	vand.u32 $0x7, v3;
	v4 =	vand.u32 $0xFFFFFFE0, v57  }
0x3dd: {  	v3 =	vor.u32 v3, v4  }
0x3de: {  	v4 =	vperm.xlane v3, v0;
	_ =	sdelay $0x1  }
0x3df: {  	v4 =	vadd.s32 v1, v4;
	_ =	sdelay $0x1  }
0x3e0: {  	v3 =	vperm.xlane v3, v2;
	_ =	sdelay $0x1  }
0x3e1: {  	s9 =	simm.s32 $0xA200;
	v3 =	vadd.s32 v1, v3  }
0x3e2: {  	[tilespmem:s9], [sflag:$0x1] =	stream.indirect_vreg.gather [hbm4b:s1+s4], $0x80, v4, vm0, $0xb8;
	[tilespmem:$0x18200] =	vst v63  }
0x3e3: {  	s31 =	simm.s32 $0xAA00  }
0x3e4: {  	[tilespmem:s31], [sflag:$0x1] =	stream.indirect_vreg.gather [hbm4b:s8+s4], $0x80, v4, vm0, $0xb8;
	[tilespmem:$0x18200] =	vst v63  }
0x3e5: {  	s2 =	simm.s32 $0xB200  }
0x3e6: {  	[tilespmem:s2], [sflag:$0x1] =	stream.indirect_vreg.gather [hbm4b:s1+s4], $0x80, v3, vm0, $0xb8;
	[tilespmem:$0x18200] =	vst v63  }
0x3e7: {  	s6 =	simm.s32 $0xBA00  }
0x3e8: {  	[tilespmem:s6], [sflag:$0x1] =	stream.indirect_vreg.gather [hbm4b:s8+s4], $0x80, v3, vm0, $0xb8;
	[tilespmem:$0x18200] =	vst v63  }
0x3e9: {  	v3 =	vld [tilespmem:$0x120];
	_ =	sdelay $0x4  }
0x3ea: {  	v58 =	vshll.u32 v3, $0x2  }
0x3eb: {  	v3 =	vand.u32 $0x7, v3;
	v4 =	vand.u32 $0xFFFFFFE0, v58  }
0x3ec: {  	v3 =	vor.u32 v3, v4  }
0x3ed: {  	v4 =	vperm.xlane v3, v0;
	_ =	sdelay $0x1  }
0x3ee: {  	v4 =	vadd.s32 v1, v4;
	_ =	sdelay $0x1  }
0x3ef: {  	v3 =	vperm.xlane v3, v2;
	_ =	sdelay $0x1  }
0x3f0: {  	v3 =	vadd.s32 v1, v3  }
0x3f1: {  	[tilespmem:s24], [sflag:$0x1] =	stream.indirect_vreg.gather [hbm4b:s1+s4], $0x80, v4, vm0, $0xb8;
	[tilespmem:$0x18200] =	vst v63  }
0x3f2: {  	s9 =	simm.s32 $0xCA00  }
0x3f3: {  	[tilespmem:s9], [sflag:$0x1] =	stream.indirect_vreg.gather [hbm4b:s8+s4], $0x80, v4, vm0, $0xb8;
	[tilespmem:$0x18200] =	vst v63  }
0x3f4: {  	s31 =	simm.s32 $0xD200  }
0x3f5: {  	[tilespmem:s31], [sflag:$0x1] =	stream.indirect_vreg.gather [hbm4b:s1+s4], $0x80, v3, vm0, $0xb8;
	[tilespmem:$0x18200] =	vst v63  }
0x3f6: {  	s2 =	simm.s32 $0xDA00  }
0x3f7: {  	[tilespmem:s2], [sflag:$0x1] =	stream.indirect_vreg.gather [hbm4b:s8+s4], $0x80, v3, vm0, $0xb8;
	[tilespmem:$0x18200] =	vst v63  }
0x3f8: {  	v3 =	vld [tilespmem:$0x130];
	_ =	sdelay $0x4  }
0x3f9: {  	v59 =	vshll.u32 v3, $0x2  }
0x3fa: {  	v3 =	vand.u32 $0x7, v3;
	v4 =	vand.u32 $0xFFFFFFE0, v59  }
0x3fb: {  	v3 =	vor.u32 v3, v4  }
0x3fc: {  	v4 =	vperm.xlane v3, v0;
	_ =	sdelay $0x1  }
0x3fd: {  	v4 =	vadd.s32 v1, v4;
	_ =	sdelay $0x1  }
0x3fe: {  	v3 =	vperm.xlane v3, v2;
	_ =	sdelay $0x1  }
0x3ff: {  	s6 =	simm.s32 $0xE200;
	v3 =	vadd.s32 v1, v3  }
0x400: {  	[tilespmem:s6], [sflag:$0x1] =	stream.indirect_vreg.gather [hbm4b:s1+s4], $0x80, v4, vm0, $0xb8;
	[tilespmem:$0x18200] =	vst v63  }
0x401: {  	s9 =	simm.s32 $0xEA00  }
0x402: {  	[tilespmem:s9], [sflag:$0x1] =	stream.indirect_vreg.gather [hbm4b:s8+s4], $0x80, v4, vm0, $0xb8;
	[tilespmem:$0x18200] =	vst v63  }
0x403: {  	s31 =	simm.s32 $0xF200  }
0x404: {  	[tilespmem:s31], [sflag:$0x1] =	stream.indirect_vreg.gather [hbm4b:s1+s4], $0x80, v3, vm0, $0xb8;
	[tilespmem:$0x18200] =	vst v63  }
0x405: {  	s2 =	simm.s32 $0xFA00  }
0x406: {  	[tilespmem:s2], [sflag:$0x1] =	stream.indirect_vreg.gather [hbm4b:s8+s4], $0x80, v3, vm0, $0xb8;
	[tilespmem:$0x18200] =	vst v63  }
0x407: {  	_ =	swait.ge [sflag:s29], $0x4000  }
0x408: {  	[sflag:s29] =	ssyncset.done $0x0  }
0x409: {  	[sflag:s29] =	ssyncadd.s32 $0xFFFFC000  }
0x40a: {  	_ =	swait.ge [sflag:s29], $0x4000  }
0x40b: {  	[sflag:s29] =	ssyncset.done $0x0  }
0x40c: {  	[sflag:s29] =	ssyncadd.s32 $0xFFFFC000  }
0x40d: {  	v3 =	vld [tilespmem:$0x180];
	_ =	sdelay $0x4  }
0x40e: {  	v60 =	vshll.u32 v3, $0x2  }
0x40f: {  	v3 =	vand.u32 $0x7, v3;
	v4 =	vand.u32 $0xFFFFFFE0, v60  }
0x410: {  	v3 =	vor.u32 v3, v4  }
0x411: {  	v4 =	vperm.xlane v3, v0;
	_ =	sdelay $0x1  }
0x412: {  	v4 =	vadd.s32 v1, v4;
	_ =	sdelay $0x1  }
0x413: {  	v3 =	vperm.xlane v3, v2;
	_ =	sdelay $0x1  }
0x414: {  	v3 =	vadd.s32 v1, v3  }
0x415: {  	[tilespmem:s14], [sflag:$0x2] =	stream.indirect_vreg.gather [hbm4b:s1+s4], $0x80, v4, vm0, $0xb8;
	[tilespmem:$0x18200] =	vst v63  }
0x416: {  	s6 =	simm.s32 $0x10A00  }
0x417: {  	[tilespmem:s6], [sflag:$0x2] =	stream.indirect_vreg.gather [hbm4b:s8+s4], $0x80, v4, vm0, $0xb8;
	[tilespmem:$0x18200] =	vst v63  }
0x418: {  	s9 =	simm.s32 $0x11200  }
0x419: {  	[tilespmem:s9], [sflag:$0x2] =	stream.indirect_vreg.gather [hbm4b:s1+s4], $0x80, v3, vm0, $0xb8;
	[tilespmem:$0x18200] =	vst v63  }
0x41a: {  	s31 =	simm.s32 $0x11A00  }
0x41b: {  	[tilespmem:s31], [sflag:$0x2] =	stream.indirect_vreg.gather [hbm4b:s8+s4], $0x80, v3, vm0, $0xb8;
	[tilespmem:$0x18200] =	vst v63  }
0x41c: {  	v3 =	vld [tilespmem:$0x190];
	_ =	sdelay $0x4  }
0x41d: {  	v61 =	vshll.u32 v3, $0x2  }
0x41e: {  	v3 =	vand.u32 $0x7, v3;
	v4 =	vand.u32 $0xFFFFFFE0, v61  }
0x41f: {  	v3 =	vor.u32 v3, v4  }
0x420: {  	v4 =	vperm.xlane v3, v0;
	_ =	sdelay $0x1  }
0x421: {  	v4 =	vadd.s32 v1, v4;
	_ =	sdelay $0x1  }
0x422: {  	v3 =	vperm.xlane v3, v2;
	_ =	sdelay $0x1  }
0x423: {  	v3 =	vadd.s32 v1, v3  }
0x424: {  	[tilespmem:s10], [sflag:$0x2] =	stream.indirect_vreg.gather [hbm4b:s1+s4], $0x80, v4, vm0, $0xb8;
	[tilespmem:$0x18200] =	vst v63  }
0x425: {  	_ = 	snop  }
0x426: {  	[tilespmem:s11], [sflag:$0x2] =	stream.indirect_vreg.gather [hbm4b:s8+s4], $0x80, v4, vm0, $0xb8;
	[tilespmem:$0x18200] =	vst v63  }
0x427: {  	_ = 	snop  }
0x428: {  	[tilespmem:s13], [sflag:$0x2] =	stream.indirect_vreg.gather [hbm4b:s1+s4], $0x80, v3, vm0, $0xb8;
	[tilespmem:$0x18200] =	vst v63  }
0x429: {  	_ = 	snop  }
0x42a: {  	[tilespmem:s7], [sflag:$0x2] =	stream.indirect_vreg.gather [hbm4b:s8+s4], $0x80, v3, vm0, $0xb8;
	[tilespmem:$0x18200] =	vst v63  }
0x42b: {  	v3 =	vld [tilespmem:$0x1A0];
	_ =	sdelay $0x4  }
0x42c: {  	v62 =	vshll.u32 v3, $0x2  }
0x42d: {  	v3 =	vand.u32 $0x7, v3;
	v4 =	vand.u32 $0xFFFFFFE0, v62  }
0x42e: {  	v3 =	vor.u32 v3, v4  }
0x42f: {  	v4 =	vperm.xlane v3, v0;
	_ =	sdelay $0x1  }
0x430: {  	v4 =	vadd.s32 v1, v4;
	_ =	sdelay $0x1  }
0x431: {  	v3 =	vperm.xlane v3, v2;
	_ =	sdelay $0x1  }
0x432: {  	v3 =	vadd.s32 v1, v3  }
0x433: {  	[tilespmem:s15], [sflag:$0x2] =	stream.indirect_vreg.gather [hbm4b:s1+s4], $0x80, v4, vm0, $0xb8;
	[tilespmem:$0x18200] =	vst v63  }
0x434: {  	_ = 	snop  }
0x435: {  	[tilespmem:s17], [sflag:$0x2] =	stream.indirect_vreg.gather [hbm4b:s8+s4], $0x80, v4, vm0, $0xb8;
	[tilespmem:$0x18200] =	vst v63  }
0x436: {  	_ = 	snop  }
0x437: {  	[tilespmem:s18], [sflag:$0x2] =	stream.indirect_vreg.gather [hbm4b:s1+s4], $0x80, v3, vm0, $0xb8;
	[tilespmem:$0x18200] =	vst v63  }
0x438: {  	_ = 	snop  }
0x439: {  	[tilespmem:s19], [sflag:$0x2] =	stream.indirect_vreg.gather [hbm4b:s8+s4], $0x80, v3, vm0, $0xb8;
	[tilespmem:$0x18200] =	vst v63  }
0x43a: {  	v3 =	vld [tilespmem:$0x1B0];
	_ =	sdelay $0x4  }
0x43b: {  	v63 =	vshll.u32 v3, $0x2  }
0x43c: {  	v3 =	vand.u32 $0x7, v3;
	v4 =	vand.u32 $0xFFFFFFE0, v63  }
0x43d: {  	v3 =	vor.u32 v3, v4  }
0x43e: {  	v4 =	vperm.xlane v3, v0;
	_ =	sdelay $0x1  }
0x43f: {  	v4 =	vadd.s32 v1, v4;
	_ =	sdelay $0x2  }
0x440: {  	v3 =	vperm.xlane v3, v2;
	_ =	sdelay $0x1  }
0x441: {  	v3 =	vadd.s32 v1, v3;
	[tilespmem:s20], [sflag:$0x2] =	stream.indirect_vreg.gather [hbm4b:s1+s4], $0x80, v4, vm0, $0xb8;
	[tilespmem:$0x18200] =	vst v63  }
0x442: {  	_ = 	snop  }
0x443: {  	[tilespmem:s21], [sflag:$0x2] =	stream.indirect_vreg.gather [hbm4b:s8+s4], $0x80, v4, vm0, $0xb8;
	[tilespmem:$0x18200] =	vst v63  }
.Ltmp7:
0x444: {  	_ = 	snop;
	(pc) =	sbr.rel .LBB2_2-.Ltmp7, $4  }
0x445: {  	_ = 	snop  }
0x446: {  	[tilespmem:s22], [sflag:$0x2] =	stream.indirect_vreg.gather [hbm4b:s1+s4], $0x80, v3, vm0, $0xb8;
	[tilespmem:$0x18200] =	vst v63  }
0x447: {  	s30 =	simm.s32 $0x40000;
	p0 =	por $0x0, $0x0  }
0x448: {  	[tilespmem:s23], [sflag:$0x2] =	stream.indirect_vreg.gather [hbm4b:s8+s4], $0x80, v3, vm0, $0xb8;
	[tilespmem:$0x18200] =	vst v63  }
.LBB2_13:
0x449: {  	_ =	sfence.sel $0x180000  }
0x44a: {  	[bflag:$0x0] =	sbarrier.arrive $0xFFFF  }
0x44b: {  	_ =	strace $0x90000047  }
0x44c: {  	s0 =	stileid.u32;
	[bflag:$0x2] =	sbarrier.arrive $0xFFFF  }
0x44d: {  	p0 =	sne.s32 s0, $0x0;
	s0 =	rddreg [dreg:$0x4]  }
0x44e: {  	s0 =	sadd.s32 @!p0 $0x100000, s0  }
0x44f: {  	[sflag:s0] =	ssyncadd.tile.s32 @!p0 $0x1;
	_ =	shalt  }
.Lfunc_end2:
_tile_overlayer_lowered:
.L_overlay_start_2:
0x450: {  	(tag) =	ssettag $0x2  }
0x451: {  	s0 =	rddreg [dreg:$0x0];
	s2 =	stileid.u32  }
0x452: {  	s1 =	rddreg [dreg:$0x1];
	p0 =	sne.s32 s2, $0x0  }
0x453: {  	s3 =	rddreg [dreg:$0x2];
	[bflag:$0x3] =	sbarrier.arrive $0xFFFF;
	s2 =	simm.s32 @!p0 $0x1C06  }
0x454: {  	[timem:s3], [sflag:s2] =	dma.local @!p0 [hbm:s0], s1  }
0x455: {  	s0 =	simm.s32 @!p0 $0x6  }
0x456: {  	_ =	swait.ge @!p0 [sflag:s0], s1  }
0x457: {  	s1 =	ssub.s32 @!p0 $0x0, s1;
	[sflag:s0] =	ssyncset.done @!p0 $0x0  }
0x458: {  	[sflag:s0] =	ssyncadd.s32 @!p0 s1  }
0x459: {  	[bflag:$0x3] =	sbarrier.arrive $0xFFFF  }
0x45a: {  	_ =	shalt  }

</sc_bundles>
